<compile_context>
chip_gen: v7x
topology: tpu7x:2x2x1
jax: 0.10.2.dev20260603
libtpu: 0.0.44.dev20260713+nightly
codegen_flags: <defaults>
</compile_context>

<pallas_src>
import functools
import math

import jax
import jax.numpy as jnp
import numpy as np
from jax import lax
from jax.experimental import pallas as pl
from jax.experimental.pallas import tpu as pltpu
from jax.experimental.pallas import tpu_sc as plsc

N_ATOMS = 10000
N_PAIRS = 320000
NF = 128
N_SENS = 20
N_BLOCKS = 2
N_ATOM_LAYERS = 3
DIST_HARD_MAX = 6.5

_NC = 2
_NS = 16
_NW = _NC * _NS
_K = 128
_PER_W = N_PAIRS // _NW
_NCH = _PER_W // _K
_TAIL = _PER_W - _NCH * _K



def _build_gather():
    mesh = plsc.VectorSubcoreMesh(core_axis_name="c", subcore_axis_name="s")

    @functools.partial(
        pl.kernel,
        mesh=mesh,
        out_type=jax.ShapeDtypeStruct((N_PAIRS, NF), jnp.float32),
        scratch_types=[
            pltpu.VMEM((_PER_W,), jnp.int32),
            pltpu.VMEM((_K, NF), jnp.float32),
            pltpu.VMEM((_K, NF), jnp.float32),
            pltpu.SemaphoreType.DMA,
            pltpu.SemaphoreType.DMA,
        ],
    )
    def gk(feats_hbm, second_hbm, out_hbm, sec_v, rows0_v, rows1_v, sem0, sem1):
        cid = lax.axis_index("c")
        sid = lax.axis_index("s")
        wid = cid * _NS + sid
        base_p = wid * _PER_W
        pltpu.sync_copy(second_hbm.at[pl.ds(base_p, _PER_W)], sec_v)

        def issue(g, rows_v, sem):
            pltpu.async_copy(feats_hbm.at[sec_v.at[pl.ds(g * _K, _K)]], rows_v, sem)

        def drain(rows_v, sem):
            pltpu.make_async_copy(feats_hbm.at[sec_v.at[pl.ds(0, _K)]], rows_v, sem).wait()

        issue(0, rows0_v, sem0)

        def body(h, _):
            g0 = h * 2
            issue(g0 + 1, rows1_v, sem1)
            drain(rows0_v, sem0)
            pltpu.sync_copy(rows0_v, out_hbm.at[pl.ds(base_p + g0 * _K, _K)])

            @pl.when(g0 + 2 < _NCH)
            def _():
                issue(g0 + 2, rows0_v, sem0)

            drain(rows1_v, sem1)
            pltpu.sync_copy(rows1_v, out_hbm.at[pl.ds(base_p + (g0 + 1) * _K, _K)])
            return 0

        lax.fori_loop(0, _NCH // 2, body, 0)
        tp = base_p + _NCH * _K
        pltpu.async_copy(
            feats_hbm.at[sec_v.at[pl.ds(_NCH * _K, _TAIL)]],
            rows0_v.at[pl.ds(0, _TAIL)], sem0).wait()
        pltpu.sync_copy(rows0_v.at[pl.ds(0, _TAIL)], out_hbm.at[pl.ds(tp, _TAIL)])

    return gk


_gather_call = _build_gather()



def _build_scatter():
    mesh = plsc.VectorSubcoreMesh(core_axis_name="c", subcore_axis_name="s")

    @functools.partial(
        pl.kernel,
        mesh=mesh,
        out_type=jax.ShapeDtypeStruct((_NC, N_ATOMS, NF), jnp.float32),
        scratch_types=[
            pltpu.VMEM((_K,), jnp.int32),
            pltpu.VMEM((_K,), jnp.int32),
            pltpu.VMEM((_K, NF), jnp.float32),
            pltpu.VMEM((_K, NF), jnp.float32),
            pltpu.VMEM((_TAIL,), jnp.int32),
            pltpu.VMEM((104, NF), jnp.float32),
            pltpu.VMEM_SHARED((N_ATOMS, NF), jnp.float32),
            pltpu.SemaphoreType.DMA,
            pltpu.SemaphoreType.DMA,
        ],
    )
    def sk(c_hbm, first_hbm, out_hbm, fst0_v, fst1_v, cr0_v, cr1_v, fstt_v,
           zbuf_v, acc_sh, sem0, sem1):
        cid = lax.axis_index("c")
        sid = lax.axis_index("s")
        wid = cid * _NS + sid

        def zfill(i, _):
            zbuf_v[i // 8, pl.ds((i % 8) * 16, 16)] = jnp.zeros((16,), jnp.float32)
            return 0
        lax.fori_loop(0, 104 * 8, zfill, 0)

        def zcopy(i, _):
            pltpu.sync_copy(zbuf_v, acc_sh.at[pl.ds(sid * 624 + i * 104, 104)])
            return 0
        lax.fori_loop(0, 6, zcopy, 0)

        @pl.when(sid == _NS - 1)
        def _():
            pltpu.sync_copy(zbuf_v.at[pl.ds(0, 16)], acc_sh.at[pl.ds(9984, 16)])

        plsc.subcore_barrier()

        base_p = wid * _PER_W

        def load(g, fst_v, cr_v, sem):
            p0 = base_p + g * _K
            pltpu.async_copy(first_hbm.at[pl.ds(p0, _K)], fst_v, sem)
            pltpu.async_copy(c_hbm.at[pl.ds(p0, _K)], cr_v, sem)

        def drain(fst_v, cr_v, sem):
            pltpu.make_async_copy(first_hbm.at[pl.ds(0, _K)], fst_v, sem).wait()
            pltpu.make_async_copy(c_hbm.at[pl.ds(0, _K)], cr_v, sem).wait()

        def scat(fst_v, cr_v):
            pltpu.sync_copy(cr_v, acc_sh.at[fst_v], add=True)

        load(0, fst0_v, cr0_v, sem0)

        def body(h, _):
            g0 = h * 2
            load(g0 + 1, fst1_v, cr1_v, sem1)
            drain(fst0_v, cr0_v, sem0)
            scat(fst0_v, cr0_v)

            @pl.when(g0 + 2 < _NCH)
            def _():
                load(g0 + 2, fst0_v, cr0_v, sem0)

            drain(fst1_v, cr1_v, sem1)
            scat(fst1_v, cr1_v)
            return 0

        lax.fori_loop(0, _NCH // 2, body, 0)

        tp = base_p + _NCH * _K
        pltpu.sync_copy(first_hbm.at[pl.ds(tp, _TAIL)], fstt_v)
        pltpu.async_copy(c_hbm.at[pl.ds(tp, _TAIL)],
                         cr0_v.at[pl.ds(0, _TAIL)], sem0).wait()
        pltpu.sync_copy(cr0_v.at[pl.ds(0, _TAIL)], acc_sh.at[fstt_v], add=True)

        plsc.subcore_barrier()

        r0 = sid * 624

        def writeout(cix):
            pltpu.sync_copy(acc_sh.at[pl.ds(r0, 624)],
                            out_hbm.at[cix, pl.ds(r0, 624)])

            @pl.when(sid == _NS - 1)
            def _():
                pltpu.sync_copy(acc_sh.at[pl.ds(9984, 16)],
                                out_hbm.at[cix, pl.ds(9984, 16)])

        @pl.when(cid == 0)
        def _():
            writeout(0)

        @pl.when(cid == 1)
        def _():
            writeout(1)

    return sk


_scatter_call = _build_scatter()



_CB = 2000


def _contrib_body(dist_ref, mu_ref, sig_ref, g_ref, w_ref, c_ref):
    d = dist_ref[0, 0][:, None]
    dinv = 1.0 / d
    mu = mu_ref[0]
    sig = sig_ref[0]
    sen = jnp.exp(-((dinv - mu) ** 2) / (2.0 * sig * sig))
    cut = 0.5 * (jnp.cos(d * (math.pi / DIST_HARD_MAX)) + 1.0)
    cut = jnp.where(d <= DIST_HARD_MAX, cut, 0.0)
    sen = sen * cut
    g = g_ref[...].astype(jnp.bfloat16)
    z = jnp.dot(g, w_ref[...], preferred_element_type=jnp.float32)
    acc = sen[:, 0:1] * z[:, 0:NF]
    for s in range(1, N_SENS):
        acc = acc + sen[:, s:s + 1] * z[:, s * NF:(s + 1) * NF]
    c_ref[...] = acc


def _contrib_tc(dist3, mu3, sig3, G, wcat_bf16):
    grid = (N_PAIRS // _CB,)
    return pl.pallas_call(
        _contrib_body,
        grid=grid,
        in_specs=[
            pl.BlockSpec((1, 1, _CB), lambda i: (i, 0, 0)),
            pl.BlockSpec((1, 1, 32), lambda i: (0, 0, 0)),
            pl.BlockSpec((1, 1, 32), lambda i: (0, 0, 0)),
            pl.BlockSpec((_CB, NF), lambda i: (i, 0)),
            pl.BlockSpec((NF, N_SENS * NF), lambda i: (0, 0)),
        ],
        out_specs=pl.BlockSpec((_CB, NF), lambda i: (i, 0)),
        out_shape=jax.ShapeDtypeStruct((N_PAIRS, NF), jnp.float32),
    )(dist3, mu3, sig3, G, wcat_bf16)



_DR_BLK = 1000


def _softplus(x):
    return jnp.maximum(x, 0.0) + jnp.log1p(jnp.exp(-jnp.abs(x)))


def _dense_body(part_ref, x_ref, swt_ref, sb_ref, iwt_ref, ib_ref,
                awt_ref, ab_ref, rwt_ref, rb_ref, o_ref):
    x = x_ref[...]
    part = part_ref[0] + part_ref[1]
    base = (part
            + jnp.dot(x, swt_ref[...], preferred_element_type=jnp.float32)
            + sb_ref[...])
    t = (jnp.dot(_softplus(base), iwt_ref[...], preferred_element_type=jnp.float32)
         + ib_ref[...] + x)
    for j in range(N_ATOM_LAYERS):
        b2 = jnp.dot(t, awt_ref[j], preferred_element_type=jnp.float32) + ab_ref[j]
        t = (jnp.dot(_softplus(b2), rwt_ref[j], preferred_element_type=jnp.float32)
             + rb_ref[j] + t)
    o_ref[...] = t


def _dense_chain(part, feats, swt, sb, iwt, ib, awt, ab, rwt, rb):
    grid = (N_ATOMS // _DR_BLK,)
    return pl.pallas_call(
        _dense_body,
        grid=grid,
        in_specs=[
            pl.BlockSpec((2, _DR_BLK, NF), lambda i: (0, i, 0)),
            pl.BlockSpec((_DR_BLK, NF), lambda i: (i, 0)),
            pl.BlockSpec((NF, NF), lambda i: (0, 0)),
            pl.BlockSpec((1, NF), lambda i: (0, 0)),
            pl.BlockSpec((NF, NF), lambda i: (0, 0)),
            pl.BlockSpec((1, NF), lambda i: (0, 0)),
            pl.BlockSpec((N_ATOM_LAYERS, NF, NF), lambda i: (0, 0, 0)),
            pl.BlockSpec((N_ATOM_LAYERS, 1, NF), lambda i: (0, 0, 0)),
            pl.BlockSpec((N_ATOM_LAYERS, NF, NF), lambda i: (0, 0, 0)),
            pl.BlockSpec((N_ATOM_LAYERS, 1, NF), lambda i: (0, 0, 0)),
        ],
        out_specs=pl.BlockSpec((_DR_BLK, NF), lambda i: (i, 0)),
        out_shape=jax.ShapeDtypeStruct((N_ATOMS, NF), jnp.float32),
    )(part, feats, swt, sb, iwt, ib, awt, ab, rwt, rb)



def kernel(features, pair_first, pair_second, pair_dist, mu, sigma, int_weights,
           self_W, self_b, intres_W, intres_b, atom_W, atom_b, atomres_W, atomres_b):
    feats = features.astype(jnp.float32)
    dist3 = pair_dist.reshape(N_PAIRS // _CB, 1, _CB)
    pad = jnp.ones((N_BLOCKS, 32 - N_SENS), mu.dtype)
    mu3 = jnp.concatenate([mu, pad], axis=1).reshape(N_BLOCKS, 1, 1, 32)
    sig3 = jnp.concatenate([sigma, pad], axis=1).reshape(N_BLOCKS, 1, 1, 32)
    outs = [feats]
    for b in range(N_BLOCKS):
        wcat = jnp.transpose(int_weights[b], (1, 0, 2)).reshape(NF, N_SENS * NF)
        G = _gather_call(feats, pair_second)
        c = _contrib_tc(dist3, mu3[b], sig3[b], G, wcat.astype(jnp.bfloat16))
        part = _scatter_call(c, pair_first)
        feats = _dense_chain(
            part, feats,
            self_W[b].T, self_b[b].reshape(1, NF),
            intres_W[b].T, intres_b[b].reshape(1, NF),
            jnp.transpose(atom_W[b], (0, 2, 1)), atom_b[b].reshape(N_ATOM_LAYERS, 1, NF),
            jnp.transpose(atomres_W[b], (0, 2, 1)), atomres_b[b].reshape(N_ATOM_LAYERS, 1, NF),
        )
        outs.append(feats)
    return tuple(outs)

# --- scband reference (transcript-rebuilt; emitter-appended) ---
"""Pipeline reference for scband-hipnn-55937654063212 (READ-ONLY COPY).

The authoritative reference and input builder live on the scoring server;
editing this copy changes nothing except your own understanding.
"""

import jax, jax.numpy as jnp
import numpy as np

N_ATOMS = 10000
N_PAIRS = 320000
NF = 128
N_SENS = 20
N_BLOCKS = 2
N_ATOM_LAYERS = 3
DIST_SOFT_MIN = 0.75
DIST_SOFT_MAX = 5.0
DIST_HARD_MAX = 6.5


def setup_inputs(seed: int = 0):
    key = jax.random.key(seed)
    ks = jax.random.split(key, 12)
    std = float(np.sqrt(2.0 / (NF + NF)))
    features = jax.random.normal(ks[0], (N_ATOMS, NF), dtype=jnp.float32)
    pair_first = jax.random.randint(ks[1], (N_PAIRS,), 0, N_ATOMS, dtype=jnp.int32)
    pair_second = jax.random.randint(ks[2], (N_PAIRS,), 0, N_ATOMS, dtype=jnp.int32)
    pair_dist = jax.random.uniform(ks[3], (N_PAIRS,), dtype=jnp.float32, minval=0.5, maxval=DIST_HARD_MAX)
    inv_mu = np.linspace(1.0 / DIST_SOFT_MIN, 1.0 / DIST_SOFT_MAX, N_SENS).astype(np.float32)
    mu = jnp.asarray(np.tile(inv_mu[None, :], (N_BLOCKS, 1)))
    sig0 = (1.0 / DIST_SOFT_MIN - 1.0 / DIST_SOFT_MAX) / N_SENS
    sigma = jnp.full((N_BLOCKS, N_SENS), sig0, dtype=jnp.float32)
    int_weights = jax.random.normal(ks[4], (N_BLOCKS, N_SENS, NF, NF), dtype=jnp.float32) * std
    self_W = jax.random.normal(ks[5], (N_BLOCKS, NF, NF), dtype=jnp.float32) * std
    self_b = jnp.zeros((N_BLOCKS, NF), dtype=jnp.float32)
    intres_W = jax.random.normal(ks[6], (N_BLOCKS, NF, NF), dtype=jnp.float32) * std
    intres_b = jnp.zeros((N_BLOCKS, NF), dtype=jnp.float32)
    atom_W = jax.random.normal(ks[7], (N_BLOCKS, N_ATOM_LAYERS, NF, NF), dtype=jnp.float32) * std
    atom_b = jnp.zeros((N_BLOCKS, N_ATOM_LAYERS, NF), dtype=jnp.float32)
    atomres_W = jax.random.normal(ks[8], (N_BLOCKS, N_ATOM_LAYERS, NF, NF), dtype=jnp.float32) * std
    atomres_b = jnp.zeros((N_BLOCKS, N_ATOM_LAYERS, NF), dtype=jnp.float32)
    return {"features": features, "pair_first": pair_first, "pair_second": pair_second, "pair_dist": pair_dist, "mu": mu, "sigma": sigma, "int_weights": int_weights, "self_W": self_W, "self_b": self_b, "intres_W": intres_W, "intres_b": intres_b, "atom_W": atom_W, "atom_b": atom_b, "atomres_W": atomres_W, "atomres_b": atomres_b}


def _sensitivity(dist, mu_b, sigma_b):
    # InverseSensitivityModule: gaussians in inverse-distance space times cosine cutoff
    dinv = 1.0 / dist[:, None]
    base = jnp.exp(-((dinv - mu_b[None, :]) ** 2) / (2.0 * sigma_b[None, :] ** 2))
    cut = 0.5 * (jnp.cos(dist * (np.pi / DIST_HARD_MAX)) + 1.0)
    cut = cut * (dist <= DIST_HARD_MAX).astype(dist.dtype)
    return base * cut[:, None]


def _envsum(sense, feats, pair_first, pair_second, n_atoms):
    # env[i, s, f] = sum_{p: pair_first[p]==i} sense[p, s] * feats[pair_second[p], f]
    gathered = feats[pair_second]
    cols = [jax.ops.segment_sum(sense[:, s:s + 1] * gathered, pair_first, num_segments=n_atoms) for s in range(N_SENS)]
    return jnp.stack(cols, axis=1)


def _forward(features, pair_dist, mu, sigma, int_weights, self_W, self_b, intres_W, intres_b, atom_W, atom_b, atomres_W, atomres_b, pair_first, pair_second):
    feats = features.astype(pair_dist.dtype)
    n_atoms = feats.shape[0]
    outputs = [feats]
    for b in range(N_BLOCKS):
        skip = feats
        sense = _sensitivity(pair_dist, mu[b], sigma[b])
        env = _envsum(sense, feats, pair_first, pair_second, n_atoms)
        env = env.reshape(n_atoms, N_SENS * NF)
        base = env @ int_weights[b].reshape(N_SENS * NF, NF) + feats @ self_W[b].T + self_b[b]
        # ResNetWrapper around interaction layer (nf_in == nf_out -> identity skip)
        feats = jax.nn.softplus(base) @ intres_W[b].T + intres_b[b] + skip
        for j in range(N_ATOM_LAYERS):
            skip2 = feats
            base = feats @ atom_W[b, j].T + atom_b[b, j]
            feats = jax.nn.softplus(base) @ atomres_W[b, j].T + atomres_b[b, j] + skip2
        outputs.append(feats)
    return tuple(outputs)


def reference(features, pair_first, pair_second, pair_dist, mu, sigma, int_weights, self_W, self_b, intres_W, intres_b, atom_W, atom_b, atomres_W, atomres_b):
    return _forward(features, pair_dist, mu, sigma, int_weights, self_W, self_b, intres_W, intres_b, atom_W, atom_b, atomres_W, atomres_b, pair_first, pair_second)

if __name__ == "__main__":
    import jax
    _d = setup_inputs()
    print(jax.jit(kernel)(*tuple(_d.values())))

</pallas_src>

<mosaic_0001>
#map = affine_map<(d0, d1) -> (0, 0)>
#map1 = affine_map<(d0, d1) -> (0)>
module attributes {stable_mosaic.version = 14 : i64} {
  func.func @gk(%arg0: i32, %arg1: i32, %arg2: memref<10000x128xf32, #tpu.memory_space<hbm>>, %arg3: memref<320000xi32, #tpu.memory_space<hbm>>, %arg4: memref<320000x128xf32, #tpu.memory_space<hbm>>, %arg5: memref<10000xi32, #tpu.memory_space<vmem>>, %arg6: memref<128x128xf32, #tpu.memory_space<vmem>>, %arg7: memref<128x128xf32, #tpu.memory_space<vmem>>, %arg8: memref<!tpu.dma_semaphore, #tpu.memory_space<semaphore_mem>>, %arg9: memref<!tpu.dma_semaphore, #tpu.memory_space<semaphore_mem>>) attributes {dimension_semantics = [#tpu.dimension_semantics<core_parallel>, #tpu.dimension_semantics<subcore_parallel>], iteration_bounds = array<i64: 2, 16>, scalar_prefetch = 0 : i64, scratch_operands = 5 : i64, tpu.core_type = #tpu.core_type<sc_vector_subcore>, window_params = [{transform_indices = #map}, {transform_indices = #map1}, {transform_indices = #map}]} {
    %mul3A = arith.constant 16 : i32
    %mul3A_0 = arith.muli %arg0, %mul3A : i32
    %add3A = arith.addi %mul3A_0, %arg1 : i32
    %mul3A_1 = arith.constant 10000 : i32
    %mul3A_2 = arith.muli %add3A, %mul3A_1 : i32
    "tpu.region"() ({
      %run_scoped3A = tpu.sem_alloc : memref<!tpu.dma_semaphore, #tpu.memory_space<semaphore_mem>>
      %dma_start3A_30 = tpu.memref_slice %arg3[%mul3A_2] : memref<320000xi32, #tpu.memory_space<hbm>> -> memref<10000xi32, #tpu.memory_space<hbm>>
      %dma_start3A_31 = tpu.memref_slice %arg3[%mul3A_2] : memref<320000xi32, #tpu.memory_space<hbm>> -> memref<10000xi32, #tpu.memory_space<hbm>>
      tpu.enqueue_dma source(%dma_start3A_31 : memref<10000xi32, #tpu.memory_space<hbm>>) target(%arg5 : memref<10000xi32, #tpu.memory_space<vmem>>) target_semaphore(%run_scoped3A : memref<!tpu.dma_semaphore, #tpu.memory_space<semaphore_mem>>)
      %dma_wait3A_32 = tpu.memref_slice %arg3[%mul3A_2] : memref<320000xi32, #tpu.memory_space<hbm>> -> memref<10000xi32, #tpu.memory_space<hbm>>
      %dma_wait3A_33 = tpu.memref_slice %arg3[%mul3A_2] : memref<320000xi32, #tpu.memory_space<hbm>> -> memref<10000xi32, #tpu.memory_space<hbm>>
      tpu.wait_dma2 semaphore(%run_scoped3A : memref<!tpu.dma_semaphore, #tpu.memory_space<semaphore_mem>>) src(%dma_wait3A_33 : memref<10000xi32, #tpu.memory_space<hbm>>) dst(%arg5 : memref<10000xi32, #tpu.memory_space<vmem>>)
      tpu.yield
    }) : () -> ()
    %dma_start3A = arith.constant 0 : i32
    %dma_start3A_3 = tpu.memref_slice %arg5[%dma_start3A] : memref<10000xi32, #tpu.memory_space<vmem>> -> memref<128xi32, #tpu.memory_space<vmem>>
    %dma_start3A_4 = arith.constant 0 : i32
    %dma_start3A_5 = arith.constant 0 : i32
    %dma_start3A_6 = tpu.memref_slice %arg2[%dma_start3A_4, %dma_start3A_5] : memref<10000x128xf32, #tpu.memory_space<hbm>> -> memref<10000x128xf32, #tpu.memory_space<hbm>>
    tpu.enqueue_indirect_dma source(%dma_start3A_6 : memref<10000x128xf32, #tpu.memory_space<hbm>>) target(%arg6 : memref<128x128xf32, #tpu.memory_space<vmem>>) offsets(%dma_start3A_3 : memref<128xi32, #tpu.memory_space<vmem>>) semaphore(%arg8 : memref<!tpu.dma_semaphore, #tpu.memory_space<semaphore_mem>>)
    %scan3A = arith.constant 0 : i32
    %scan3A_7 = arith.constant 0 : i32
    %scan3A_8 = arith.constant 39 : i32
    %scan3A_9 = arith.addi %scan3A_7, %scan3A_8 : i32
    %scan3A_10 = arith.constant 1 : i32
    %scan3A_11 = scf.for %scan3A_30 = %scan3A_7 to %scan3A_9 step %scan3A_10 iter_args(%scan3A_31 = %scan3A) -> (i32)  : i32 {
      %mul3A_32 = arith.constant 2 : i32
      %mul3A_33 = arith.muli %scan3A_30, %mul3A_32 : i32
      %add3A_34 = arith.constant 1 : i32
      %add3A_35 = arith.addi %mul3A_33, %add3A_34 : i32
      %mul3A_36 = arith.constant 128 : i32
      %mul3A_37 = arith.muli %add3A_35, %mul3A_36 : i32
      %dma_start3A_38 = tpu.memref_slice %arg5[%mul3A_37] : memref<10000xi32, #tpu.memory_space<vmem>> -> memref<128xi32, #tpu.memory_space<vmem>>
      %dma_start3A_39 = arith.constant 0 : i32
      %dma_start3A_40 = arith.constant 0 : i32
      %dma_start3A_41 = tpu.memref_slice %arg2[%dma_start3A_39, %dma_start3A_40] : memref<10000x128xf32, #tpu.memory_space<hbm>> -> memref<10000x128xf32, #tpu.memory_space<hbm>>
      tpu.enqueue_indirect_dma source(%dma_start3A_41 : memref<10000x128xf32, #tpu.memory_space<hbm>>) target(%arg7 : memref<128x128xf32, #tpu.memory_space<vmem>>) offsets(%dma_start3A_38 : memref<128xi32, #tpu.memory_space<vmem>>) semaphore(%arg9 : memref<!tpu.dma_semaphore, #tpu.memory_space<semaphore_mem>>)
      %dma_wait3A_42 = arith.constant 0 : i32
      %dma_wait3A_43 = tpu.memref_slice %arg5[%dma_wait3A_42] : memref<10000xi32, #tpu.memory_space<vmem>> -> memref<128xi32, #tpu.memory_space<vmem>>
      %dma_wait3A_44 = arith.constant 0 : i32
      %dma_wait3A_45 = arith.constant 0 : i32
      %dma_wait3A_46 = tpu.memref_slice %arg2[%dma_wait3A_44, %dma_wait3A_45] : memref<10000x128xf32, #tpu.memory_space<hbm>> -> memref<10000x128xf32, #tpu.memory_space<hbm>>
      tpu.wait_indirect_dma semaphore(%arg8 : memref<!tpu.dma_semaphore, #tpu.memory_space<semaphore_mem>>) src(%dma_wait3A_46 : memref<10000x128xf32, #tpu.memory_space<hbm>>) dst(%arg6 : memref<128x128xf32, #tpu.memory_space<vmem>>)
      %mul3A_47 = arith.constant 128 : i32
      %mul3A_48 = arith.muli %mul3A_33, %mul3A_47 : i32
      %add3A_49 = arith.addi %mul3A_2, %mul3A_48 : i32
      "tpu.region"() ({
        %run_scoped3A = tpu.sem_alloc : memref<!tpu.dma_semaphore, #tpu.memory_space<semaphore_mem>>
        %dma_start3A_65 = arith.constant 0 : i32
        %dma_start3A_66 = tpu.memref_slice %arg4[%add3A_49, %dma_start3A_65] : memref<320000x128xf32, #tpu.memory_space<hbm>> -> memref<128x128xf32, #tpu.memory_space<hbm>>
        %dma_start3A_67 = arith.constant 0 : i32
        %dma_start3A_68 = tpu.memref_slice %arg4[%add3A_49, %dma_start3A_67] : memref<320000x128xf32, #tpu.memory_space<hbm>> -> memref<128x128xf32, #tpu.memory_space<hbm>>
        tpu.enqueue_dma source(%arg6 : memref<128x128xf32, #tpu.memory_space<vmem>>) target(%dma_start3A_68 : memref<128x128xf32, #tpu.memory_space<hbm>>) target_semaphore(%run_scoped3A : memref<!tpu.dma_semaphore, #tpu.memory_space<semaphore_mem>>)
        %dma_wait3A_69 = arith.constant 0 : i32
        %dma_wait3A_70 = tpu.memref_slice %arg4[%add3A_49, %dma_wait3A_69] : memref<320000x128xf32, #tpu.memory_space<hbm>> -> memref<128x128xf32, #tpu.memory_space<hbm>>
        %dma_wait3A_71 = arith.constant 0 : i32
        %dma_wait3A_72 = tpu.memref_slice %arg4[%add3A_49, %dma_wait3A_71] : memref<320000x128xf32, #tpu.memory_space<hbm>> -> memref<128x128xf32, #tpu.memory_space<hbm>>
        tpu.wait_dma2 semaphore(%run_scoped3A : memref<!tpu.dma_semaphore, #tpu.memory_space<semaphore_mem>>) src(%arg6 : memref<128x128xf32, #tpu.memory_space<vmem>>) dst(%dma_wait3A_72 : memref<128x128xf32, #tpu.memory_space<hbm>>)
        tpu.yield
      }) : () -> ()
      %add3A_50 = arith.constant 2 : i32
      %add3A_51 = arith.addi %mul3A_33, %add3A_50 : i32
      %lt3A = arith.constant 78 : i32
      %lt3A_52 = arith.cmpi slt, %add3A_51, %lt3A : i32
      %convert_element_type3A = arith.extui %lt3A_52 : i1 to i32
      %cond3A = arith.constant 0 : i32
      %cond3A_53 = arith.cmpi ne, %convert_element_type3A, %cond3A : i32
      scf.if %cond3A_53 {
        %add3A_65 = arith.constant 2 : i32
        %add3A_66 = arith.addi %mul3A_33, %add3A_65 : i32
        %mul3A_67 = arith.constant 128 : i32
        %mul3A_68 = arith.muli %add3A_66, %mul3A_67 : i32
        %dma_start3A_69 = tpu.memref_slice %arg5[%mul3A_68] : memref<10000xi32, #tpu.memory_space<vmem>> -> memref<128xi32, #tpu.memory_space<vmem>>
        %dma_start3A_70 = arith.constant 0 : i32
        %dma_start3A_71 = arith.constant 0 : i32
        %dma_start3A_72 = tpu.memref_slice %arg2[%dma_start3A_70, %dma_start3A_71] : memref<10000x128xf32, #tpu.memory_space<hbm>> -> memref<10000x128xf32, #tpu.memory_space<hbm>>
        tpu.enqueue_indirect_dma source(%dma_start3A_72 : memref<10000x128xf32, #tpu.memory_space<hbm>>) target(%arg6 : memref<128x128xf32, #tpu.memory_space<vmem>>) offsets(%dma_start3A_69 : memref<128xi32, #tpu.memory_space<vmem>>) semaphore(%arg8 : memref<!tpu.dma_semaphore, #tpu.memory_space<semaphore_mem>>)
      } else {
      }
      %dma_wait3A_54 = arith.constant 0 : i32
      %dma_wait3A_55 = tpu.memref_slice %arg5[%dma_wait3A_54] : memref<10000xi32, #tpu.memory_space<vmem>> -> memref<128xi32, #tpu.memory_space<vmem>>
      %dma_wait3A_56 = arith.constant 0 : i32
      %dma_wait3A_57 = arith.constant 0 : i32
      %dma_wait3A_58 = tpu.memref_slice %arg2[%dma_wait3A_56, %dma_wait3A_57] : memref<10000x128xf32, #tpu.memory_space<hbm>> -> memref<10000x128xf32, #tpu.memory_space<hbm>>
      tpu.wait_indirect_dma semaphore(%arg9 : memref<!tpu.dma_semaphore, #tpu.memory_space<semaphore_mem>>) src(%dma_wait3A_58 : memref<10000x128xf32, #tpu.memory_space<hbm>>) dst(%arg7 : memref<128x128xf32, #tpu.memory_space<vmem>>)
      %add3A_59 = arith.constant 1 : i32
      %add3A_60 = arith.addi %mul3A_33, %add3A_59 : i32
      %mul3A_61 = arith.constant 128 : i32
      %mul3A_62 = arith.muli %add3A_60, %mul3A_61 : i32
      %add3A_63 = arith.addi %mul3A_2, %mul3A_62 : i32
      "tpu.region"() ({
        %run_scoped3A = tpu.sem_alloc : memref<!tpu.dma_semaphore, #tpu.memory_space<semaphore_mem>>
        %dma_start3A_65 = arith.constant 0 : i32
        %dma_start3A_66 = tpu.memref_slice %arg4[%add3A_63, %dma_start3A_65] : memref<320000x128xf32, #tpu.memory_space<hbm>> -> memref<128x128xf32, #tpu.memory_space<hbm>>
        %dma_start3A_67 = arith.constant 0 : i32
        %dma_start3A_68 = tpu.memref_slice %arg4[%add3A_63, %dma_start3A_67] : memref<320000x128xf32, #tpu.memory_space<hbm>> -> memref<128x128xf32, #tpu.memory_space<hbm>>
        tpu.enqueue_dma source(%arg7 : memref<128x128xf32, #tpu.memory_space<vmem>>) target(%dma_start3A_68 : memref<128x128xf32, #tpu.memory_space<hbm>>) target_semaphore(%run_scoped3A : memref<!tpu.dma_semaphore, #tpu.memory_space<semaphore_mem>>)
        %dma_wait3A_69 = arith.constant 0 : i32
        %dma_wait3A_70 = tpu.memref_slice %arg4[%add3A_63, %dma_wait3A_69] : memref<320000x128xf32, #tpu.memory_space<hbm>> -> memref<128x128xf32, #tpu.memory_space<hbm>>
        %dma_wait3A_71 = arith.constant 0 : i32
        %dma_wait3A_72 = tpu.memref_slice %arg4[%add3A_63, %dma_wait3A_71] : memref<320000x128xf32, #tpu.memory_space<hbm>> -> memref<128x128xf32, #tpu.memory_space<hbm>>
        tpu.wait_dma2 semaphore(%run_scoped3A : memref<!tpu.dma_semaphore, #tpu.memory_space<semaphore_mem>>) src(%arg7 : memref<128x128xf32, #tpu.memory_space<vmem>>) dst(%dma_wait3A_72 : memref<128x128xf32, #tpu.memory_space<hbm>>)
        tpu.yield
      }) : () -> ()
      %scan3A_64 = arith.constant 0 : i32
      scf.yield %scan3A_64 : i32
    }
    %scan3A_12 = arith.constant 39 : i32
    %add3A_13 = arith.constant 9984 : i32
    %add3A_14 = arith.addi %mul3A_2, %add3A_13 : i32
    %dma_start3A_15 = arith.constant 0 : i32
    %dma_start3A_16 = arith.constant 0 : i32
    %dma_start3A_17 = tpu.memref_slice %arg6[%dma_start3A_15, %dma_start3A_16] : memref<128x128xf32, #tpu.memory_space<vmem>> -> memref<16x128xf32, #tpu.memory_space<vmem>>
    %dma_start3A_18 = arith.constant 9984 : i32
    %dma_start3A_19 = tpu.memref_slice %arg5[%dma_start3A_18] : memref<10000xi32, #tpu.memory_space<vmem>> -> memref<16xi32, #tpu.memory_space<vmem>>
    %dma_start3A_20 = arith.constant 0 : i32
    %dma_start3A_21 = arith.constant 0 : i32
    %dma_start3A_22 = tpu.memref_slice %arg2[%dma_start3A_20, %dma_start3A_21] : memref<10000x128xf32, #tpu.memory_space<hbm>> -> memref<10000x128xf32, #tpu.memory_space<hbm>>
    tpu.enqueue_indirect_dma source(%dma_start3A_22 : memref<10000x128xf32, #tpu.memory_space<hbm>>) target(%dma_start3A_17 : memref<16x128xf32, #tpu.memory_space<vmem>>) offsets(%dma_start3A_19 : memref<16xi32, #tpu.memory_space<vmem>>) semaphore(%arg8 : memref<!tpu.dma_semaphore, #tpu.memory_space<semaphore_mem>>)
    %dma_wait3A = arith.constant 0 : i32
    %dma_wait3A_23 = arith.constant 0 : i32
    %dma_wait3A_24 = tpu.memref_slice %arg6[%dma_wait3A, %dma_wait3A_23] : memref<128x128xf32, #tpu.memory_space<vmem>> -> memref<16x128xf32, #tpu.memory_space<vmem>>
    %dma_wait3A_25 = arith.constant 9984 : i32
    %dma_wait3A_26 = tpu.memref_slice %arg5[%dma_wait3A_25] : memref<10000xi32, #tpu.memory_space<vmem>> -> memref<16xi32, #tpu.memory_space<vmem>>
    %dma_wait3A_27 = arith.constant 0 : i32
    %dma_wait3A_28 = arith.constant 0 : i32
    %dma_wait3A_29 = tpu.memref_slice %arg2[%dma_wait3A_27, %dma_wait3A_28] : memref<10000x128xf32, #tpu.memory_space<hbm>> -> memref<10000x128xf32, #tpu.memory_space<hbm>>
    tpu.wait_indirect_dma semaphore(%arg8 : memref<!tpu.dma_semaphore, #tpu.memory_space<semaphore_mem>>) src(%dma_wait3A_29 : memref<10000x128xf32, #tpu.memory_space<hbm>>) dst(%dma_wait3A_24 : memref<16x128xf32, #tpu.memory_space<vmem>>)
    "tpu.region"() ({
      %run_scoped3A = tpu.sem_alloc : memref<!tpu.dma_semaphore, #tpu.memory_space<semaphore_mem>>
      %dma_start3A_30 = arith.constant 0 : i32
      %dma_start3A_31 = arith.constant 0 : i32
      %dma_start3A_32 = tpu.memref_slice %arg6[%dma_start3A_30, %dma_start3A_31] : memref<128x128xf32, #tpu.memory_space<vmem>> -> memref<16x128xf32, #tpu.memory_space<vmem>>
      %dma_start3A_33 = arith.constant 0 : i32
      %dma_start3A_34 = tpu.memref_slice %arg4[%add3A_14, %dma_start3A_33] : memref<320000x128xf32, #tpu.memory_space<hbm>> -> memref<16x128xf32, #tpu.memory_space<hbm>>
      %dma_start3A_35 = arith.constant 0 : i32
      %dma_start3A_36 = tpu.memref_slice %arg4[%add3A_14, %dma_start3A_35] : memref<320000x128xf32, #tpu.memory_space<hbm>> -> memref<16x128xf32, #tpu.memory_space<hbm>>
      %dma_start3A_37 = arith.constant 0 : i32
      %dma_start3A_38 = arith.constant 0 : i32
      %dma_start3A_39 = tpu.memref_slice %arg6[%dma_start3A_37, %dma_start3A_38] : memref<128x128xf32, #tpu.memory_space<vmem>> -> memref<16x128xf32, #tpu.memory_space<vmem>>
      tpu.enqueue_dma source(%dma_start3A_39 : memref<16x128xf32, #tpu.memory_space<vmem>>) target(%dma_start3A_36 : memref<16x128xf32, #tpu.memory_space<hbm>>) target_semaphore(%run_scoped3A : memref<!tpu.dma_semaphore, #tpu.memory_space<semaphore_mem>>)
      %dma_wait3A_40 = arith.constant 0 : i32
      %dma_wait3A_41 = arith.constant 0 : i32
      %dma_wait3A_42 = tpu.memref_slice %arg6[%dma_wait3A_40, %dma_wait3A_41] : memref<128x128xf32, #tpu.memory_space<vmem>> -> memref<16x128xf32, #tpu.memory_space<vmem>>
      %dma_wait3A_43 = arith.constant 0 : i32
      %dma_wait3A_44 = tpu.memref_slice %arg4[%add3A_14, %dma_wait3A_43] : memref<320000x128xf32, #tpu.memory_space<hbm>> -> memref<16x128xf32, #tpu.memory_space<hbm>>
      %dma_wait3A_45 = arith.constant 0 : i32
      %dma_wait3A_46 = tpu.memref_slice %arg4[%add3A_14, %dma_wait3A_45] : memref<320000x128xf32, #tpu.memory_space<hbm>> -> memref<16x128xf32, #tpu.memory_space<hbm>>
      %dma_wait3A_47 = arith.constant 0 : i32
      %dma_wait3A_48 = arith.constant 0 : i32
      %dma_wait3A_49 = tpu.memref_slice %arg6[%dma_wait3A_47, %dma_wait3A_48] : memref<128x128xf32, #tpu.memory_space<vmem>> -> memref<16x128xf32, #tpu.memory_space<vmem>>
      tpu.wait_dma2 semaphore(%run_scoped3A : memref<!tpu.dma_semaphore, #tpu.memory_space<semaphore_mem>>) src(%dma_wait3A_49 : memref<16x128xf32, #tpu.memory_space<vmem>>) dst(%dma_wait3A_46 : memref<16x128xf32, #tpu.memory_space<hbm>>)
      tpu.yield
    }) : () -> ()
    return
  }
}

#map = affine_map<(d0, d1) -> (0, 0)>
#map1 = affine_map<(d0, d1) -> (0)>
#map2 = affine_map<(d0, d1) -> (0, 0, 0)>
module attributes {stable_mosaic.version = 14 : i64} {
  func.func @sk(%arg0: i32, %arg1: i32, %arg2: memref<320000x128xf32, #tpu.memory_space<hbm>>, %arg3: memref<320000xi32, #tpu.memory_space<hbm>>, %arg4: memref<2x10000x128xf32, #tpu.memory_space<hbm>>, %arg5: memref<128xi32, #tpu.memory_space<vmem>>, %arg6: memref<128xi32, #tpu.memory_space<vmem>>, %arg7: memref<128x128xf32, #tpu.memory_space<vmem>>, %arg8: memref<128x128xf32, #tpu.memory_space<vmem>>, %arg9: memref<16xi32, #tpu.memory_space<vmem>>, %arg10: memref<104x128xf32, #tpu.memory_space<vmem>>, %arg11: memref<10000x128xf32, #tpu.memory_space<vmem_shared>>, %arg12: memref<!tpu.dma_semaphore, #tpu.memory_space<semaphore_mem>>, %arg13: memref<!tpu.dma_semaphore, #tpu.memory_space<semaphore_mem>>) attributes {dimension_semantics = [#tpu.dimension_semantics<core_parallel>, #tpu.dimension_semantics<subcore_parallel>], iteration_bounds = array<i64: 2, 16>, scalar_prefetch = 0 : i64, scratch_operands = 9 : i64, tpu.core_type = #tpu.core_type<sc_vector_subcore>, window_params = [{transform_indices = #map}, {transform_indices = #map1}, {transform_indices = #map2}]} {
    %mul3A = arith.constant 16 : i32
    %mul3A_0 = arith.muli %arg0, %mul3A : i32
    %add3A = arith.addi %mul3A_0, %arg1 : i32
    %scan3A = arith.constant 0 : i32
    %scan3A_1 = arith.constant 0 : i32
    %scan3A_2 = arith.constant 832 : i32
    %scan3A_3 = arith.addi %scan3A_1, %scan3A_2 : i32
    %scan3A_4 = arith.constant 1 : i32
    %scan3A_5 = scf.for %scan3A_66 = %scan3A_1 to %scan3A_3 step %scan3A_4 iter_args(%scan3A_67 = %scan3A) -> (i32)  : i32 {
      %broadcast_in_dim3A = arith.constant 0.000000e+00 : f32
      %broadcast_in_dim3A_68 = vector.broadcast %broadcast_in_dim3A : f32 to vector<16xf32>
      %jit3A = arith.constant 8 : i32
      %div3A = arith.divsi %scan3A_66, %jit3A : i32
      %sign3A = arith.constant 0 : i32
      %sign3A_69 = arith.cmpi sgt, %scan3A_66, %sign3A : i32
      %sign3A_70 = arith.extui %sign3A_69 : i1 to i32
      %sign3A_71 = arith.constant 0 : i32
      %sign3A_72 = arith.cmpi slt, %scan3A_66, %sign3A_71 : i32
      %sign3A_73 = arith.extui %sign3A_72 : i1 to i32
      %sign3A_74 = arith.subi %sign3A_70, %sign3A_73 : i32
      %sign3A_75 = arith.constant 0 : i32
      %sign3A_76 = arith.cmpi sgt, %jit3A, %sign3A_75 : i32
      %sign3A_77 = arith.extui %sign3A_76 : i1 to i32
      %sign3A_78 = arith.constant 0 : i32
      %sign3A_79 = arith.cmpi slt, %jit3A, %sign3A_78 : i32
      %sign3A_80 = arith.extui %sign3A_79 : i1 to i32
      %sign3A_81 = arith.subi %sign3A_77, %sign3A_80 : i32
      %ne3A = arith.cmpi ne, %sign3A_74, %sign3A_81 : i32
      %rem3A = arith.remsi %scan3A_66, %jit3A : i32
      %ne3A_82 = arith.constant 0 : i32
      %ne3A_83 = arith.cmpi ne, %rem3A, %ne3A_82 : i32
      %and3A = arith.andi %ne3A, %ne3A_83 : i1
      %sub3A = arith.constant 1 : i32
      %sub3A_84 = arith.subi %div3A, %sub3A : i32
      %select_n3A = arith.select %and3A, %sub3A_84, %div3A : i32
      %jit3A_85 = arith.constant 8 : i32
      %eq3A_86 = arith.constant 0 : i32
      %eq3A_87 = arith.cmpi eq, %jit3A_85, %eq3A_86 : i32
      %jit3A_88 = arith.constant 1 : i32
      %select_n3A_89 = arith.select %eq3A_87, %jit3A_88, %jit3A_85 : i32
      %rem3A_90 = arith.remsi %scan3A_66, %select_n3A_89 : i32
      %ne3A_91 = arith.constant 0 : i32
      %ne3A_92 = arith.cmpi ne, %rem3A_90, %ne3A_91 : i32
      %lt3A = arith.constant 0 : i32
      %lt3A_93 = arith.cmpi slt, %rem3A_90, %lt3A : i32
      %lt3A_94 = arith.constant 0 : i32
      %lt3A_95 = arith.cmpi slt, %select_n3A_89, %lt3A_94 : i32
      %ne3A_96 = arith.xori %lt3A_93, %lt3A_95 : i1
      %and3A_97 = arith.andi %ne3A_96, %ne3A_92 : i1
      %add3A_98 = arith.addi %rem3A_90, %select_n3A_89 : i32
      %select_n3A_99 = arith.select %and3A_97, %add3A_98, %rem3A_90 : i32
      %mul3A_100 = arith.constant 16 : i32
      %mul3A_101 = arith.muli %select_n3A_99, %mul3A_100 : i32
      %swap3A = arith.index_cast %select_n3A : i32 to index
      %swap3A_102 = arith.index_cast %mul3A_101 : i32 to index
      %swap3A_103 = tpu.vector_load %arg10[%swap3A, %swap3A_102] {strides = array<i32>} : memref<104x128xf32, #tpu.memory_space<vmem>>, vector<1x16xf32>,
      %swap3A_104 = vector.shape_cast %swap3A_103 : vector<1x16xf32> to vector<16xf32>
      %swap3A_105 = vector.shape_cast %broadcast_in_dim3A_68 : vector<16xf32> to vector<1x16xf32>
      tpu.vector_store %arg10[%swap3A, %swap3A_102], %swap3A_105 {strides = array<i32>} : memref<104x128xf32, #tpu.memory_space<vmem>>, vector<1x16xf32>,
      %scan3A_106 = arith.constant 0 : i32
      scf.yield %scan3A_106 : i32
    }
    %scan3A_6 = arith.constant 832 : i32
    %scan3A_7 = arith.constant 0 : i32
    %scan3A_8 = arith.constant 0 : i32
    %scan3A_9 = arith.constant 6 : i32
    %scan3A_10 = arith.addi %scan3A_8, %scan3A_9 : i32
    %scan3A_11 = arith.constant 1 : i32
    %scan3A_12 = scf.for %scan3A_66 = %scan3A_8 to %scan3A_10 step %scan3A_11 iter_args(%scan3A_67 = %scan3A_7) -> (i32)  : i32 {
      %mul3A_68 = arith.constant 624 : i32
      %mul3A_69 = arith.muli %arg1, %mul3A_68 : i32
      %mul3A_70 = arith.constant 104 : i32
      %mul3A_71 = arith.muli %scan3A_66, %mul3A_70 : i32
      %add3A_72 = arith.addi %mul3A_69, %mul3A_71 : i32
      "tpu.region"() ({
        %run_scoped3A = tpu.sem_alloc : memref<!tpu.dma_semaphore, #tpu.memory_space<semaphore_mem>>
        %dma_start3A_74 = arith.constant 0 : i32
        %dma_start3A_75 = tpu.memref_slice %arg11[%add3A_72, %dma_start3A_74] : memref<10000x128xf32, #tpu.memory_space<vmem_shared>> -> memref<104x128xf32, #tpu.memory_space<vmem_shared>>
        %dma_start3A_76 = arith.constant 0 : i32
        %dma_start3A_77 = tpu.memref_slice %arg11[%add3A_72, %dma_start3A_76] : memref<10000x128xf32, #tpu.memory_space<vmem_shared>> -> memref<104x128xf32, #tpu.memory_space<vmem_shared>>
        tpu.enqueue_dma source(%arg10 : memref<104x128xf32, #tpu.memory_space<vmem>>) target(%dma_start3A_77 : memref<104x128xf32, #tpu.memory_space<vmem_shared>>) target_semaphore(%run_scoped3A : memref<!tpu.dma_semaphore, #tpu.memory_space<semaphore_mem>>)
        %dma_wait3A_78 = arith.constant 0 : i32
        %dma_wait3A_79 = tpu.memref_slice %arg11[%add3A_72, %dma_wait3A_78] : memref<10000x128xf32, #tpu.memory_space<vmem_shared>> -> memref<104x128xf32, #tpu.memory_space<vmem_shared>>
        %dma_wait3A_80 = arith.constant 0 : i32
        %dma_wait3A_81 = tpu.memref_slice %arg11[%add3A_72, %dma_wait3A_80] : memref<10000x128xf32, #tpu.memory_space<vmem_shared>> -> memref<104x128xf32, #tpu.memory_space<vmem_shared>>
        tpu.wait_dma2 semaphore(%run_scoped3A : memref<!tpu.dma_semaphore, #tpu.memory_space<semaphore_mem>>) src(%arg10 : memref<104x128xf32, #tpu.memory_space<vmem>>) dst(%dma_wait3A_81 : memref<104x128xf32, #tpu.memory_space<vmem_shared>>)
        tpu.yield
      }) : () -> ()
      %scan3A_73 = arith.constant 0 : i32
      scf.yield %scan3A_73 : i32
    }
    %scan3A_13 = arith.constant 6 : i32
    %eq3A = arith.constant 15 : i32
    %eq3A_14 = arith.cmpi eq, %arg1, %eq3A : i32
    %convert_element_type3A = arith.extui %eq3A_14 : i1 to i32
    %cond3A = arith.constant 0 : i32
    %cond3A_15 = arith.cmpi ne, %convert_element_type3A, %cond3A : i32
    scf.if %cond3A_15 {
      "tpu.region"() ({
        %run_scoped3A = tpu.sem_alloc : memref<!tpu.dma_semaphore, #tpu.memory_space<semaphore_mem>>
        %dma_start3A_66 = arith.constant 0 : i32
        %dma_start3A_67 = arith.constant 0 : i32
        %dma_start3A_68 = tpu.memref_slice %arg10[%dma_start3A_66, %dma_start3A_67] : memref<104x128xf32, #tpu.memory_space<vmem>> -> memref<16x128xf32, #tpu.memory_space<vmem>>
        %dma_start3A_69 = arith.constant 9984 : i32
        %dma_start3A_70 = arith.constant 0 : i32
        %dma_start3A_71 = tpu.memref_slice %arg11[%dma_start3A_69, %dma_start3A_70] : memref<10000x128xf32, #tpu.memory_space<vmem_shared>> -> memref<16x128xf32, #tpu.memory_space<vmem_shared>>
        %dma_start3A_72 = arith.constant 9984 : i32
        %dma_start3A_73 = arith.constant 0 : i32
        %dma_start3A_74 = tpu.memref_slice %arg11[%dma_start3A_72, %dma_start3A_73] : memref<10000x128xf32, #tpu.memory_space<vmem_shared>> -> memref<16x128xf32, #tpu.memory_space<vmem_shared>>
        %dma_start3A_75 = arith.constant 0 : i32
        %dma_start3A_76 = arith.constant 0 : i32
        %dma_start3A_77 = tpu.memref_slice %arg10[%dma_start3A_75, %dma_start3A_76] : memref<104x128xf32, #tpu.memory_space<vmem>> -> memref<16x128xf32, #tpu.memory_space<vmem>>
        tpu.enqueue_dma source(%dma_start3A_77 : memref<16x128xf32, #tpu.memory_space<vmem>>) target(%dma_start3A_74 : memref<16x128xf32, #tpu.memory_space<vmem_shared>>) target_semaphore(%run_scoped3A : memref<!tpu.dma_semaphore, #tpu.memory_space<semaphore_mem>>)
        %dma_wait3A_78 = arith.constant 0 : i32
        %dma_wait3A_79 = arith.constant 0 : i32
        %dma_wait3A_80 = tpu.memref_slice %arg10[%dma_wait3A_78, %dma_wait3A_79] : memref<104x128xf32, #tpu.memory_space<vmem>> -> memref<16x128xf32, #tpu.memory_space<vmem>>
        %dma_wait3A_81 = arith.constant 9984 : i32
        %dma_wait3A_82 = arith.constant 0 : i32
        %dma_wait3A_83 = tpu.memref_slice %arg11[%dma_wait3A_81, %dma_wait3A_82] : memref<10000x128xf32, #tpu.memory_space<vmem_shared>> -> memref<16x128xf32, #tpu.memory_space<vmem_shared>>
        %dma_wait3A_84 = arith.constant 9984 : i32
        %dma_wait3A_85 = arith.constant 0 : i32
        %dma_wait3A_86 = tpu.memref_slice %arg11[%dma_wait3A_84, %dma_wait3A_85] : memref<10000x128xf32, #tpu.memory_space<vmem_shared>> -> memref<16x128xf32, #tpu.memory_space<vmem_shared>>
        %dma_wait3A_87 = arith.constant 0 : i32
        %dma_wait3A_88 = arith.constant 0 : i32
        %dma_wait3A_89 = tpu.memref_slice %arg10[%dma_wait3A_87, %dma_wait3A_88] : memref<104x128xf32, #tpu.memory_space<vmem>> -> memref<16x128xf32, #tpu.memory_space<vmem>>
        tpu.wait_dma2 semaphore(%run_scoped3A : memref<!tpu.dma_semaphore, #tpu.memory_space<semaphore_mem>>) src(%dma_wait3A_89 : memref<16x128xf32, #tpu.memory_space<vmem>>) dst(%dma_wait3A_86 : memref<16x128xf32, #tpu.memory_space<vmem_shared>>)
        tpu.yield
      }) : () -> ()
    } else {
    }
    %barrier3A = arith.constant 0 : index
    tpu.barrier barrier_id(%barrier3A)
    %mul3A_16 = arith.constant 10000 : i32
    %mul3A_17 = arith.muli %add3A, %mul3A_16 : i32
    %add3A_18 = arith.constant 0 : i32
    %add3A_19 = arith.addi %mul3A_17, %add3A_18 : i32
    %dma_start3A = tpu.memref_slice %arg3[%add3A_19] : memref<320000xi32, #tpu.memory_space<hbm>> -> memref<128xi32, #tpu.memory_space<hbm>>
    %dma_start3A_20 = tpu.memref_slice %arg3[%add3A_19] : memref<320000xi32, #tpu.memory_space<hbm>> -> memref<128xi32, #tpu.memory_space<hbm>>
    tpu.enqueue_dma source(%dma_start3A_20 : memref<128xi32, #tpu.memory_space<hbm>>) target(%arg5 : memref<128xi32, #tpu.memory_space<vmem>>) target_semaphore(%arg12 : memref<!tpu.dma_semaphore, #tpu.memory_space<semaphore_mem>>)
    %dma_start3A_21 = arith.constant 0 : i32
    %dma_start3A_22 = tpu.memref_slice %arg2[%add3A_19, %dma_start3A_21] : memref<320000x128xf32, #tpu.memory_space<hbm>> -> memref<128x128xf32, #tpu.memory_space<hbm>>
    %dma_start3A_23 = arith.constant 0 : i32
    %dma_start3A_24 = tpu.memref_slice %arg2[%add3A_19, %dma_start3A_23] : memref<320000x128xf32, #tpu.memory_space<hbm>> -> memref<128x128xf32, #tpu.memory_space<hbm>>
    tpu.enqueue_dma source(%dma_start3A_24 : memref<128x128xf32, #tpu.memory_space<hbm>>) target(%arg7 : memref<128x128xf32, #tpu.memory_space<vmem>>) target_semaphore(%arg12 : memref<!tpu.dma_semaphore, #tpu.memory_space<semaphore_mem>>)
    %scan3A_25 = arith.constant 0 : i32
    %scan3A_26 = arith.constant 0 : i32
    %scan3A_27 = arith.constant 39 : i32
    %scan3A_28 = arith.addi %scan3A_26, %scan3A_27 : i32
    %scan3A_29 = arith.constant 1 : i32
    %scan3A_30 = scf.for %scan3A_66 = %scan3A_26 to %scan3A_28 step %scan3A_29 iter_args(%scan3A_67 = %scan3A_25) -> (i32)  : i32 {
      %mul3A_68 = arith.constant 2 : i32
      %mul3A_69 = arith.muli %scan3A_66, %mul3A_68 : i32
      %add3A_70 = arith.constant 1 : i32
      %add3A_71 = arith.addi %mul3A_69, %add3A_70 : i32
      %mul3A_72 = arith.constant 128 : i32
      %mul3A_73 = arith.muli %add3A_71, %mul3A_72 : i32
      %add3A_74 = arith.addi %mul3A_17, %mul3A_73 : i32
      %dma_start3A_75 = tpu.memref_slice %arg3[%add3A_74] : memref<320000xi32, #tpu.memory_space<hbm>> -> memref<128xi32, #tpu.memory_space<hbm>>
      %dma_start3A_76 = tpu.memref_slice %arg3[%add3A_74] : memref<320000xi32, #tpu.memory_space<hbm>> -> memref<128xi32, #tpu.memory_space<hbm>>
      tpu.enqueue_dma source(%dma_start3A_76 : memref<128xi32, #tpu.memory_space<hbm>>) target(%arg6 : memref<128xi32, #tpu.memory_space<vmem>>) target_semaphore(%arg13 : memref<!tpu.dma_semaphore, #tpu.memory_space<semaphore_mem>>)
      %dma_start3A_77 = arith.constant 0 : i32
      %dma_start3A_78 = tpu.memref_slice %arg2[%add3A_74, %dma_start3A_77] : memref<320000x128xf32, #tpu.memory_space<hbm>> -> memref<128x128xf32, #tpu.memory_space<hbm>>
      %dma_start3A_79 = arith.constant 0 : i32
      %dma_start3A_80 = tpu.memref_slice %arg2[%add3A_74, %dma_start3A_79] : memref<320000x128xf32, #tpu.memory_space<hbm>> -> memref<128x128xf32, #tpu.memory_space<hbm>>
      tpu.enqueue_dma source(%dma_start3A_80 : memref<128x128xf32, #tpu.memory_space<hbm>>) target(%arg8 : memref<128x128xf32, #tpu.memory_space<vmem>>) target_semaphore(%arg13 : memref<!tpu.dma_semaphore, #tpu.memory_space<semaphore_mem>>)
      %dma_wait3A_81 = arith.constant 0 : i32
      %dma_wait3A_82 = tpu.memref_slice %arg3[%dma_wait3A_81] : memref<320000xi32, #tpu.memory_space<hbm>> -> memref<128xi32, #tpu.memory_space<hbm>>
      %dma_wait3A_83 = arith.constant 0 : i32
      %dma_wait3A_84 = tpu.memref_slice %arg3[%dma_wait3A_83] : memref<320000xi32, #tpu.memory_space<hbm>> -> memref<128xi32, #tpu.memory_space<hbm>>
      tpu.wait_dma2 semaphore(%arg12 : memref<!tpu.dma_semaphore, #tpu.memory_space<semaphore_mem>>) src(%dma_wait3A_84 : memref<128xi32, #tpu.memory_space<hbm>>) dst(%arg5 : memref<128xi32, #tpu.memory_space<vmem>>)
      %dma_wait3A_85 = arith.constant 0 : i32
      %dma_wait3A_86 = arith.constant 0 : i32
      %dma_wait3A_87 = tpu.memref_slice %arg2[%dma_wait3A_85, %dma_wait3A_86] : memref<320000x128xf32, #tpu.memory_space<hbm>> -> memref<128x128xf32, #tpu.memory_space<hbm>>
      %dma_wait3A_88 = arith.constant 0 : i32
      %dma_wait3A_89 = arith.constant 0 : i32
      %dma_wait3A_90 = tpu.memref_slice %arg2[%dma_wait3A_88, %dma_wait3A_89] : memref<320000x128xf32, #tpu.memory_space<hbm>> -> memref<128x128xf32, #tpu.memory_space<hbm>>
      tpu.wait_dma2 semaphore(%arg12 : memref<!tpu.dma_semaphore, #tpu.memory_space<semaphore_mem>>) src(%dma_wait3A_90 : memref<128x128xf32, #tpu.memory_space<hbm>>) dst(%arg7 : memref<128x128xf32, #tpu.memory_space<vmem>>)
      "tpu.region"() ({
        %run_scoped3A = tpu.sem_alloc : memref<!tpu.dma_semaphore, #tpu.memory_space<semaphore_mem>>
        %dma_start3A_108 = arith.constant 0 : i32
        %dma_start3A_109 = arith.constant 0 : i32
        %dma_start3A_110 = tpu.memref_slice %arg11[%dma_start3A_108, %dma_start3A_109] : memref<10000x128xf32, #tpu.memory_space<vmem_shared>> -> memref<10000x128xf32, #tpu.memory_space<vmem_shared>>
        tpu.enqueue_indirect_dma source(%arg7 : memref<128x128xf32, #tpu.memory_space<vmem>>) target(%dma_start3A_110 : memref<10000x128xf32, #tpu.memory_space<vmem_shared>>) offsets(%arg5 : memref<128xi32, #tpu.memory_space<vmem>>) semaphore(%run_scoped3A : memref<!tpu.dma_semaphore, #tpu.memory_space<semaphore_mem>>) {add = true}
        %dma_wait3A_111 = arith.constant 0 : i32
        %dma_wait3A_112 = arith.constant 0 : i32
        %dma_wait3A_113 = tpu.memref_slice %arg11[%dma_wait3A_111, %dma_wait3A_112] : memref<10000x128xf32, #tpu.memory_space<vmem_shared>> -> memref<10000x128xf32, #tpu.memory_space<vmem_shared>>
        tpu.wait_indirect_dma semaphore(%run_scoped3A : memref<!tpu.dma_semaphore, #tpu.memory_space<semaphore_mem>>) src(%arg7 : memref<128x128xf32, #tpu.memory_space<vmem>>) dst(%dma_wait3A_113 : memref<10000x128xf32, #tpu.memory_space<vmem_shared>>)
        tpu.yield
      }) : () -> ()
      %add3A_91 = arith.constant 2 : i32
      %add3A_92 = arith.addi %mul3A_69, %add3A_91 : i32
      %lt3A = arith.constant 78 : i32
      %lt3A_93 = arith.cmpi slt, %add3A_92, %lt3A : i32
      %convert_element_type3A_94 = arith.extui %lt3A_93 : i1 to i32
      %cond3A_95 = arith.constant 0 : i32
      %cond3A_96 = arith.cmpi ne, %convert_element_type3A_94, %cond3A_95 : i32
      scf.if %cond3A_96 {
        %add3A_108 = arith.constant 2 : i32
        %add3A_109 = arith.addi %mul3A_69, %add3A_108 : i32
        %mul3A_110 = arith.constant 128 : i32
        %mul3A_111 = arith.muli %add3A_109, %mul3A_110 : i32
        %add3A_112 = arith.addi %mul3A_17, %mul3A_111 : i32
        %dma_start3A_113 = tpu.memref_slice %arg3[%add3A_112] : memref<320000xi32, #tpu.memory_space<hbm>> -> memref<128xi32, #tpu.memory_space<hbm>>
        %dma_start3A_114 = tpu.memref_slice %arg3[%add3A_112] : memref<320000xi32, #tpu.memory_space<hbm>> -> memref<128xi32, #tpu.memory_space<hbm>>
        tpu.enqueue_dma source(%dma_start3A_114 : memref<128xi32, #tpu.memory_space<hbm>>) target(%arg5 : memref<128xi32, #tpu.memory_space<vmem>>) target_semaphore(%arg12 : memref<!tpu.dma_semaphore, #tpu.memory_space<semaphore_mem>>)
        %dma_start3A_115 = arith.constant 0 : i32
        %dma_start3A_116 = tpu.memref_slice %arg2[%add3A_112, %dma_start3A_115] : memref<320000x128xf32, #tpu.memory_space<hbm>> -> memref<128x128xf32, #tpu.memory_space<hbm>>
        %dma_start3A_117 = arith.constant 0 : i32
        %dma_start3A_118 = tpu.memref_slice %arg2[%add3A_112, %dma_start3A_117] : memref<320000x128xf32, #tpu.memory_space<hbm>> -> memref<128x128xf32, #tpu.memory_space<hbm>>
        tpu.enqueue_dma source(%dma_start3A_118 : memref<128x128xf32, #tpu.memory_space<hbm>>) target(%arg7 : memref<128x128xf32, #tpu.memory_space<vmem>>) target_semaphore(%arg12 : memref<!tpu.dma_semaphore, #tpu.memory_space<semaphore_mem>>)
      } else {
      }
      %dma_wait3A_97 = arith.constant 0 : i32
      %dma_wait3A_98 = tpu.memref_slice %arg3[%dma_wait3A_97] : memref<320000xi32, #tpu.memory_space<hbm>> -> memref<128xi32, #tpu.memory_space<hbm>>
      %dma_wait3A_99 = arith.constant 0 : i32
      %dma_wait3A_100 = tpu.memref_slice %arg3[%dma_wait3A_99] : memref<320000xi32, #tpu.memory_space<hbm>> -> memref<128xi32, #tpu.memory_space<hbm>>
      tpu.wait_dma2 semaphore(%arg13 : memref<!tpu.dma_semaphore, #tpu.memory_space<semaphore_mem>>) src(%dma_wait3A_100 : memref<128xi32, #tpu.memory_space<hbm>>) dst(%arg6 : memref<128xi32, #tpu.memory_space<vmem>>)
      %dma_wait3A_101 = arith.constant 0 : i32
      %dma_wait3A_102 = arith.constant 0 : i32
      %dma_wait3A_103 = tpu.memref_slice %arg2[%dma_wait3A_101, %dma_wait3A_102] : memref<320000x128xf32, #tpu.memory_space<hbm>> -> memref<128x128xf32, #tpu.memory_space<hbm>>
      %dma_wait3A_104 = arith.constant 0 : i32
      %dma_wait3A_105 = arith.constant 0 : i32
      %dma_wait3A_106 = tpu.memref_slice %arg2[%dma_wait3A_104, %dma_wait3A_105] : memref<320000x128xf32, #tpu.memory_space<hbm>> -> memref<128x128xf32, #tpu.memory_space<hbm>>
      tpu.wait_dma2 semaphore(%arg13 : memref<!tpu.dma_semaphore, #tpu.memory_space<semaphore_mem>>) src(%dma_wait3A_106 : memref<128x128xf32, #tpu.memory_space<hbm>>) dst(%arg8 : memref<128x128xf32, #tpu.memory_space<vmem>>)
      "tpu.region"() ({
        %run_scoped3A = tpu.sem_alloc : memref<!tpu.dma_semaphore, #tpu.memory_space<semaphore_mem>>
        %dma_start3A_108 = arith.constant 0 : i32
        %dma_start3A_109 = arith.constant 0 : i32
        %dma_start3A_110 = tpu.memref_slice %arg11[%dma_start3A_108, %dma_start3A_109] : memref<10000x128xf32, #tpu.memory_space<vmem_shared>> -> memref<10000x128xf32, #tpu.memory_space<vmem_shared>>
        tpu.enqueue_indirect_dma source(%arg8 : memref<128x128xf32, #tpu.memory_space<vmem>>) target(%dma_start3A_110 : memref<10000x128xf32, #tpu.memory_space<vmem_shared>>) offsets(%arg6 : memref<128xi32, #tpu.memory_space<vmem>>) semaphore(%run_scoped3A : memref<!tpu.dma_semaphore, #tpu.memory_space<semaphore_mem>>) {add = true}
        %dma_wait3A_111 = arith.constant 0 : i32
        %dma_wait3A_112 = arith.constant 0 : i32
        %dma_wait3A_113 = tpu.memref_slice %arg11[%dma_wait3A_111, %dma_wait3A_112] : memref<10000x128xf32, #tpu.memory_space<vmem_shared>> -> memref<10000x128xf32, #tpu.memory_space<vmem_shared>>
        tpu.wait_indirect_dma semaphore(%run_scoped3A : memref<!tpu.dma_semaphore, #tpu.memory_space<semaphore_mem>>) src(%arg8 : memref<128x128xf32, #tpu.memory_space<vmem>>) dst(%dma_wait3A_113 : memref<10000x128xf32, #tpu.memory_space<vmem_shared>>)
        tpu.yield
      }) : () -> ()
      %scan3A_107 = arith.constant 0 : i32
      scf.yield %scan3A_107 : i32
    }
    %scan3A_31 = arith.constant 39 : i32
    %add3A_32 = arith.constant 9984 : i32
    %add3A_33 = arith.addi %mul3A_17, %add3A_32 : i32
    "tpu.region"() ({
      %run_scoped3A = tpu.sem_alloc : memref<!tpu.dma_semaphore, #tpu.memory_space<semaphore_mem>>
      %dma_start3A_66 = tpu.memref_slice %arg3[%add3A_33] : memref<320000xi32, #tpu.memory_space<hbm>> -> memref<16xi32, #tpu.memory_space<hbm>>
      %dma_start3A_67 = tpu.memref_slice %arg3[%add3A_33] : memref<320000xi32, #tpu.memory_space<hbm>> -> memref<16xi32, #tpu.memory_space<hbm>>
      tpu.enqueue_dma source(%dma_start3A_67 : memref<16xi32, #tpu.memory_space<hbm>>) target(%arg9 : memref<16xi32, #tpu.memory_space<vmem>>) target_semaphore(%run_scoped3A : memref<!tpu.dma_semaphore, #tpu.memory_space<semaphore_mem>>)
      %dma_wait3A_68 = tpu.memref_slice %arg3[%add3A_33] : memref<320000xi32, #tpu.memory_space<hbm>> -> memref<16xi32, #tpu.memory_space<hbm>>
      %dma_wait3A_69 = tpu.memref_slice %arg3[%add3A_33] : memref<320000xi32, #tpu.memory_space<hbm>> -> memref<16xi32, #tpu.memory_space<hbm>>
      tpu.wait_dma2 semaphore(%run_scoped3A : memref<!tpu.dma_semaphore, #tpu.memory_space<semaphore_mem>>) src(%dma_wait3A_69 : memref<16xi32, #tpu.memory_space<hbm>>) dst(%arg9 : memref<16xi32, #tpu.memory_space<vmem>>)
      tpu.yield
    }) : () -> ()
    %dma_start3A_34 = arith.constant 0 : i32
    %dma_start3A_35 = arith.constant 0 : i32
    %dma_start3A_36 = tpu.memref_slice %arg7[%dma_start3A_34, %dma_start3A_35] : memref<128x128xf32, #tpu.memory_space<vmem>> -> memref<16x128xf32, #tpu.memory_space<vmem>>
    %dma_start3A_37 = arith.constant 0 : i32
    %dma_start3A_38 = tpu.memref_slice %arg2[%add3A_33, %dma_start3A_37] : memref<320000x128xf32, #tpu.memory_space<hbm>> -> memref<16x128xf32, #tpu.memory_space<hbm>>
    %dma_start3A_39 = arith.constant 0 : i32
    %dma_start3A_40 = arith.constant 0 : i32
    %dma_start3A_41 = tpu.memref_slice %arg7[%dma_start3A_39, %dma_start3A_40] : memref<128x128xf32, #tpu.memory_space<vmem>> -> memref<16x128xf32, #tpu.memory_space<vmem>>
    %dma_start3A_42 = arith.constant 0 : i32
    %dma_start3A_43 = tpu.memref_slice %arg2[%add3A_33, %dma_start3A_42] : memref<320000x128xf32, #tpu.memory_space<hbm>> -> memref<16x128xf32, #tpu.memory_space<hbm>>
    tpu.enqueue_dma source(%dma_start3A_43 : memref<16x128xf32, #tpu.memory_space<hbm>>) target(%dma_start3A_41 : memref<16x128xf32, #tpu.memory_space<vmem>>) target_semaphore(%arg12 : memref<!tpu.dma_semaphore, #tpu.memory_space<semaphore_mem>>)
    %dma_wait3A = arith.constant 0 : i32
    %dma_wait3A_44 = arith.constant 0 : i32
    %dma_wait3A_45 = tpu.memref_slice %arg7[%dma_wait3A, %dma_wait3A_44] : memref<128x128xf32, #tpu.memory_space<vmem>> -> memref<16x128xf32, #tpu.memory_space<vmem>>
    %dma_wait3A_46 = arith.constant 0 : i32
    %dma_wait3A_47 = tpu.memref_slice %arg2[%add3A_33, %dma_wait3A_46] : memref<320000x128xf32, #tpu.memory_space<hbm>> -> memref<16x128xf32, #tpu.memory_space<hbm>>
    %dma_wait3A_48 = arith.constant 0 : i32
    %dma_wait3A_49 = arith.constant 0 : i32
    %dma_wait3A_50 = tpu.memref_slice %arg7[%dma_wait3A_48, %dma_wait3A_49] : memref<128x128xf32, #tpu.memory_space<vmem>> -> memref<16x128xf32, #tpu.memory_space<vmem>>
    %dma_wait3A_51 = arith.constant 0 : i32
    %dma_wait3A_52 = tpu.memref_slice %arg2[%add3A_33, %dma_wait3A_51] : memref<320000x128xf32, #tpu.memory_space<hbm>> -> memref<16x128xf32, #tpu.memory_space<hbm>>
    tpu.wait_dma2 semaphore(%arg12 : memref<!tpu.dma_semaphore, #tpu.memory_space<semaphore_mem>>) src(%dma_wait3A_52 : memref<16x128xf32, #tpu.memory_space<hbm>>) dst(%dma_wait3A_50 : memref<16x128xf32, #tpu.memory_space<vmem>>)
    "tpu.region"() ({
      %run_scoped3A = tpu.sem_alloc : memref<!tpu.dma_semaphore, #tpu.memory_space<semaphore_mem>>
      %dma_start3A_66 = arith.constant 0 : i32
      %dma_start3A_67 = arith.constant 0 : i32
      %dma_start3A_68 = tpu.memref_slice %arg7[%dma_start3A_66, %dma_start3A_67] : memref<128x128xf32, #tpu.memory_space<vmem>> -> memref<16x128xf32, #tpu.memory_space<vmem>>
      %dma_start3A_69 = arith.constant 0 : i32
      %dma_start3A_70 = arith.constant 0 : i32
      %dma_start3A_71 = tpu.memref_slice %arg11[%dma_start3A_69, %dma_start3A_70] : memref<10000x128xf32, #tpu.memory_space<vmem_shared>> -> memref<10000x128xf32, #tpu.memory_space<vmem_shared>>
      tpu.enqueue_indirect_dma source(%dma_start3A_68 : memref<16x128xf32, #tpu.memory_space<vmem>>) target(%dma_start3A_71 : memref<10000x128xf32, #tpu.memory_space<vmem_shared>>) offsets(%arg9 : memref<16xi32, #tpu.memory_space<vmem>>) semaphore(%run_scoped3A : memref<!tpu.dma_semaphore, #tpu.memory_space<semaphore_mem>>) {add = true}
      %dma_wait3A_72 = arith.constant 0 : i32
      %dma_wait3A_73 = arith.constant 0 : i32
      %dma_wait3A_74 = tpu.memref_slice %arg7[%dma_wait3A_72, %dma_wait3A_73] : memref<128x128xf32, #tpu.memory_space<vmem>> -> memref<16x128xf32, #tpu.memory_space<vmem>>
      %dma_wait3A_75 = arith.constant 0 : i32
      %dma_wait3A_76 = arith.constant 0 : i32
      %dma_wait3A_77 = tpu.memref_slice %arg11[%dma_wait3A_75, %dma_wait3A_76] : memref<10000x128xf32, #tpu.memory_space<vmem_shared>> -> memref<10000x128xf32, #tpu.memory_space<vmem_shared>>
      tpu.wait_indirect_dma semaphore(%run_scoped3A : memref<!tpu.dma_semaphore, #tpu.memory_space<semaphore_mem>>) src(%dma_wait3A_74 : memref<16x128xf32, #tpu.memory_space<vmem>>) dst(%dma_wait3A_77 : memref<10000x128xf32, #tpu.memory_space<vmem_shared>>)
      tpu.yield
    }) : () -> ()
    %barrier3A_53 = arith.constant 0 : index
    tpu.barrier barrier_id(%barrier3A_53)
    %mul3A_54 = arith.constant 624 : i32
    %mul3A_55 = arith.muli %arg1, %mul3A_54 : i32
    %eq3A_56 = arith.constant 0 : i32
    %eq3A_57 = arith.cmpi eq, %arg0, %eq3A_56 : i32
    %convert_element_type3A_58 = arith.extui %eq3A_57 : i1 to i32
    %cond3A_59 = arith.constant 0 : i32
    %cond3A_60 = arith.cmpi ne, %convert_element_type3A_58, %cond3A_59 : i32
    scf.if %cond3A_60 {
      %run_scoped3A = arith.constant 0 : i32
      "tpu.region"() ({
        %run_scoped3A_71 = tpu.sem_alloc : memref<!tpu.dma_semaphore, #tpu.memory_space<semaphore_mem>>
        %dma_start3A_72 = arith.constant 0 : i32
        %dma_start3A_73 = tpu.memref_slice %arg4[%run_scoped3A, %mul3A_55, %dma_start3A_72] : memref<2x10000x128xf32, #tpu.memory_space<hbm>> -> memref<1x624x128xf32, #tpu.memory_space<hbm>>
        %dma_start3A_74 = tpu.memref_squeeze %dma_start3A_73 : memref<1x624x128xf32, #tpu.memory_space<hbm>> -> memref<624x128xf32, #tpu.memory_space<hbm>>
        %dma_start3A_75 = arith.constant 0 : i32
        %dma_start3A_76 = tpu.memref_slice %arg11[%mul3A_55, %dma_start3A_75] : memref<10000x128xf32, #tpu.memory_space<vmem_shared>> -> memref<624x128xf32, #tpu.memory_space<vmem_shared>>
        tpu.enqueue_dma source(%dma_start3A_76 : memref<624x128xf32, #tpu.memory_space<vmem_shared>>) target(%dma_start3A_74 : memref<624x128xf32, #tpu.memory_space<hbm>>) target_semaphore(%run_scoped3A_71 : memref<!tpu.dma_semaphore, #tpu.memory_space<semaphore_mem>>)
        %dma_wait3A_77 = arith.constant 0 : i32
        %dma_wait3A_78 = tpu.memref_slice %arg4[%run_scoped3A, %mul3A_55, %dma_wait3A_77] : memref<2x10000x128xf32, #tpu.memory_space<hbm>> -> memref<1x624x128xf32, #tpu.memory_space<hbm>>
        %dma_wait3A_79 = tpu.memref_squeeze %dma_wait3A_78 : memref<1x624x128xf32, #tpu.memory_space<hbm>> -> memref<624x128xf32, #tpu.memory_space<hbm>>
        %dma_wait3A_80 = arith.constant 0 : i32
        %dma_wait3A_81 = tpu.memref_slice %arg11[%mul3A_55, %dma_wait3A_80] : memref<10000x128xf32, #tpu.memory_space<vmem_shared>> -> memref<624x128xf32, #tpu.memory_space<vmem_shared>>
        tpu.wait_dma2 semaphore(%run_scoped3A_71 : memref<!tpu.dma_semaphore, #tpu.memory_space<semaphore_mem>>) src(%dma_wait3A_81 : memref<624x128xf32, #tpu.memory_space<vmem_shared>>) dst(%dma_wait3A_79 : memref<624x128xf32, #tpu.memory_space<hbm>>)
        tpu.yield
      }) : () -> ()
      %eq3A_66 = arith.constant 15 : i32
      %eq3A_67 = arith.cmpi eq, %arg1, %eq3A_66 : i32
      %convert_element_type3A_68 = arith.extui %eq3A_67 : i1 to i32
      %cond3A_69 = arith.constant 0 : i32
      %cond3A_70 = arith.cmpi ne, %convert_element_type3A_68, %cond3A_69 : i32
      scf.if %cond3A_70 {
        %run_scoped3A_71 = arith.constant 0 : i32
        "tpu.region"() ({
          %run_scoped3A_72 = tpu.sem_alloc : memref<!tpu.dma_semaphore, #tpu.memory_space<semaphore_mem>>
          %dma_start3A_73 = arith.constant 9984 : i32
          %dma_start3A_74 = arith.constant 0 : i32
          %dma_start3A_75 = tpu.memref_slice %arg4[%run_scoped3A_71, %dma_start3A_73, %dma_start3A_74] : memref<2x10000x128xf32, #tpu.memory_space<hbm>> -> memref<1x16x128xf32, #tpu.memory_space<hbm>>
          %dma_start3A_76 = tpu.memref_squeeze %dma_start3A_75 : memref<1x16x128xf32, #tpu.memory_space<hbm>> -> memref<16x128xf32, #tpu.memory_space<hbm>>
          %dma_start3A_77 = arith.constant 9984 : i32
          %dma_start3A_78 = arith.constant 0 : i32
          %dma_start3A_79 = tpu.memref_slice %arg11[%dma_start3A_77, %dma_start3A_78] : memref<10000x128xf32, #tpu.memory_space<vmem_shared>> -> memref<16x128xf32, #tpu.memory_space<vmem_shared>>
          tpu.enqueue_dma source(%dma_start3A_79 : memref<16x128xf32, #tpu.memory_space<vmem_shared>>) target(%dma_start3A_76 : memref<16x128xf32, #tpu.memory_space<hbm>>) target_semaphore(%run_scoped3A_72 : memref<!tpu.dma_semaphore, #tpu.memory_space<semaphore_mem>>)
          %dma_wait3A_80 = arith.constant 9984 : i32
          %dma_wait3A_81 = arith.constant 0 : i32
          %dma_wait3A_82 = tpu.memref_slice %arg4[%run_scoped3A_71, %dma_wait3A_80, %dma_wait3A_81] : memref<2x10000x128xf32, #tpu.memory_space<hbm>> -> memref<1x16x128xf32, #tpu.memory_space<hbm>>
          %dma_wait3A_83 = tpu.memref_squeeze %dma_wait3A_82 : memref<1x16x128xf32, #tpu.memory_space<hbm>> -> memref<16x128xf32, #tpu.memory_space<hbm>>
          %dma_wait3A_84 = arith.constant 9984 : i32
          %dma_wait3A_85 = arith.constant 0 : i32
          %dma_wait3A_86 = tpu.memref_slice %arg11[%dma_wait3A_84, %dma_wait3A_85] : memref<10000x128xf32, #tpu.memory_space<vmem_shared>> -> memref<16x128xf32, #tpu.memory_space<vmem_shared>>
          tpu.wait_dma2 semaphore(%run_scoped3A_72 : memref<!tpu.dma_semaphore, #tpu.memory_space<semaphore_mem>>) src(%dma_wait3A_86 : memref<16x128xf32, #tpu.memory_space<vmem_shared>>) dst(%dma_wait3A_83 : memref<16x128xf32, #tpu.memory_space<hbm>>)
          tpu.yield
        }) : () -> ()
      } else {
      }
    } else {
    }
    %eq3A_61 = arith.constant 1 : i32
    %eq3A_62 = arith.cmpi eq, %arg0, %eq3A_61 : i32
    %convert_element_type3A_63 = arith.extui %eq3A_62 : i1 to i32
    %cond3A_64 = arith.constant 0 : i32
    %cond3A_65 = arith.cmpi ne, %convert_element_type3A_63, %cond3A_64 : i32
    scf.if %cond3A_65 {
      %run_scoped3A = arith.constant 1 : i32
      "tpu.region"() ({
        %run_scoped3A_71 = tpu.sem_alloc : memref<!tpu.dma_semaphore, #tpu.memory_space<semaphore_mem>>
        %dma_start3A_72 = arith.constant 0 : i32
        %dma_start3A_73 = tpu.memref_slice %arg4[%run_scoped3A, %mul3A_55, %dma_start3A_72] : memref<2x10000x128xf32, #tpu.memory_space<hbm>> -> memref<1x624x128xf32, #tpu.memory_space<hbm>>
        %dma_start3A_74 = tpu.memref_squeeze %dma_start3A_73 : memref<1x624x128xf32, #tpu.memory_space<hbm>> -> memref<624x128xf32, #tpu.memory_space<hbm>>
        %dma_start3A_75 = arith.constant 0 : i32
        %dma_start3A_76 = tpu.memref_slice %arg11[%mul3A_55, %dma_start3A_75] : memref<10000x128xf32, #tpu.memory_space<vmem_shared>> -> memref<624x128xf32, #tpu.memory_space<vmem_shared>>
        tpu.enqueue_dma source(%dma_start3A_76 : memref<624x128xf32, #tpu.memory_space<vmem_shared>>) target(%dma_start3A_74 : memref<624x128xf32, #tpu.memory_space<hbm>>) target_semaphore(%run_scoped3A_71 : memref<!tpu.dma_semaphore, #tpu.memory_space<semaphore_mem>>)
        %dma_wait3A_77 = arith.constant 0 : i32
        %dma_wait3A_78 = tpu.memref_slice %arg4[%run_scoped3A, %mul3A_55, %dma_wait3A_77] : memref<2x10000x128xf32, #tpu.memory_space<hbm>> -> memref<1x624x128xf32, #tpu.memory_space<hbm>>
        %dma_wait3A_79 = tpu.memref_squeeze %dma_wait3A_78 : memref<1x624x128xf32, #tpu.memory_space<hbm>> -> memref<624x128xf32, #tpu.memory_space<hbm>>
        %dma_wait3A_80 = arith.constant 0 : i32
        %dma_wait3A_81 = tpu.memref_slice %arg11[%mul3A_55, %dma_wait3A_80] : memref<10000x128xf32, #tpu.memory_space<vmem_shared>> -> memref<624x128xf32, #tpu.memory_space<vmem_shared>>
        tpu.wait_dma2 semaphore(%run_scoped3A_71 : memref<!tpu.dma_semaphore, #tpu.memory_space<semaphore_mem>>) src(%dma_wait3A_81 : memref<624x128xf32, #tpu.memory_space<vmem_shared>>) dst(%dma_wait3A_79 : memref<624x128xf32, #tpu.memory_space<hbm>>)
        tpu.yield
      }) : () -> ()
      %eq3A_66 = arith.constant 15 : i32
      %eq3A_67 = arith.cmpi eq, %arg1, %eq3A_66 : i32
      %convert_element_type3A_68 = arith.extui %eq3A_67 : i1 to i32
      %cond3A_69 = arith.constant 0 : i32
      %cond3A_70 = arith.cmpi ne, %convert_element_type3A_68, %cond3A_69 : i32
      scf.if %cond3A_70 {
        %run_scoped3A_71 = arith.constant 1 : i32
        "tpu.region"() ({
          %run_scoped3A_72 = tpu.sem_alloc : memref<!tpu.dma_semaphore, #tpu.memory_space<semaphore_mem>>
          %dma_start3A_73 = arith.constant 9984 : i32
          %dma_start3A_74 = arith.constant 0 : i32
          %dma_start3A_75 = tpu.memref_slice %arg4[%run_scoped3A_71, %dma_start3A_73, %dma_start3A_74] : memref<2x10000x128xf32, #tpu.memory_space<hbm>> -> memref<1x16x128xf32, #tpu.memory_space<hbm>>
          %dma_start3A_76 = tpu.memref_squeeze %dma_start3A_75 : memref<1x16x128xf32, #tpu.memory_space<hbm>> -> memref<16x128xf32, #tpu.memory_space<hbm>>
          %dma_start3A_77 = arith.constant 9984 : i32
          %dma_start3A_78 = arith.constant 0 : i32
          %dma_start3A_79 = tpu.memref_slice %arg11[%dma_start3A_77, %dma_start3A_78] : memref<10000x128xf32, #tpu.memory_space<vmem_shared>> -> memref<16x128xf32, #tpu.memory_space<vmem_shared>>
          tpu.enqueue_dma source(%dma_start3A_79 : memref<16x128xf32, #tpu.memory_space<vmem_shared>>) target(%dma_start3A_76 : memref<16x128xf32, #tpu.memory_space<hbm>>) target_semaphore(%run_scoped3A_72 : memref<!tpu.dma_semaphore, #tpu.memory_space<semaphore_mem>>)
          %dma_wait3A_80 = arith.constant 9984 : i32
          %dma_wait3A_81 = arith.constant 0 : i32
          %dma_wait3A_82 = tpu.memref_slice %arg4[%run_scoped3A_71, %dma_wait3A_80, %dma_wait3A_81] : memref<2x10000x128xf32, #tpu.memory_space<hbm>> -> memref<1x16x128xf32, #tpu.memory_space<hbm>>
          %dma_wait3A_83 = tpu.memref_squeeze %dma_wait3A_82 : memref<1x16x128xf32, #tpu.memory_space<hbm>> -> memref<16x128xf32, #tpu.memory_space<hbm>>
          %dma_wait3A_84 = arith.constant 9984 : i32
          %dma_wait3A_85 = arith.constant 0 : i32
          %dma_wait3A_86 = tpu.memref_slice %arg11[%dma_wait3A_84, %dma_wait3A_85] : memref<10000x128xf32, #tpu.memory_space<vmem_shared>> -> memref<16x128xf32, #tpu.memory_space<vmem_shared>>
          tpu.wait_dma2 semaphore(%run_scoped3A_72 : memref<!tpu.dma_semaphore, #tpu.memory_space<semaphore_mem>>) src(%dma_wait3A_86 : memref<16x128xf32, #tpu.memory_space<vmem_shared>>) dst(%dma_wait3A_83 : memref<16x128xf32, #tpu.memory_space<hbm>>)
          tpu.yield
        }) : () -> ()
      } else {
      }
    } else {
    }
    return
  }
}

#map = affine_map<(d0, d1) -> (0, 0)>
#map1 = affine_map<(d0, d1) -> (0)>
module attributes {stable_mosaic.version = 14 : i64} {
  func.func @gk(%arg0: i32, %arg1: i32, %arg2: memref<10000x128xf32, #tpu.memory_space<hbm>>, %arg3: memref<320000xi32, #tpu.memory_space<hbm>>, %arg4: memref<320000x128xf32, #tpu.memory_space<hbm>>, %arg5: memref<10000xi32, #tpu.memory_space<vmem>>, %arg6: memref<128x128xf32, #tpu.memory_space<vmem>>, %arg7: memref<128x128xf32, #tpu.memory_space<vmem>>, %arg8: memref<!tpu.dma_semaphore, #tpu.memory_space<semaphore_mem>>, %arg9: memref<!tpu.dma_semaphore, #tpu.memory_space<semaphore_mem>>) attributes {dimension_semantics = [#tpu.dimension_semantics<core_parallel>, #tpu.dimension_semantics<subcore_parallel>], iteration_bounds = array<i64: 2, 16>, scalar_prefetch = 0 : i64, scratch_operands = 5 : i64, tpu.core_type = #tpu.core_type<sc_vector_subcore>, window_params = [{transform_indices = #map}, {transform_indices = #map1}, {transform_indices = #map}]} {
    %mul3A = arith.constant 16 : i32
    %mul3A_0 = arith.muli %arg0, %mul3A : i32
    %add3A = arith.addi %mul3A_0, %arg1 : i32
    %mul3A_1 = arith.constant 10000 : i32
    %mul3A_2 = arith.muli %add3A, %mul3A_1 : i32
    "tpu.region"() ({
      %run_scoped3A = tpu.sem_alloc : memref<!tpu.dma_semaphore, #tpu.memory_space<semaphore_mem>>
      %dma_start3A_30 = tpu.memref_slice %arg3[%mul3A_2] : memref<320000xi32, #tpu.memory_space<hbm>> -> memref<10000xi32, #tpu.memory_space<hbm>>
      %dma_start3A_31 = tpu.memref_slice %arg3[%mul3A_2] : memref<320000xi32, #tpu.memory_space<hbm>> -> memref<10000xi32, #tpu.memory_space<hbm>>
      tpu.enqueue_dma source(%dma_start3A_31 : memref<10000xi32, #tpu.memory_space<hbm>>) target(%arg5 : memref<10000xi32, #tpu.memory_space<vmem>>) target_semaphore(%run_scoped3A : memref<!tpu.dma_semaphore, #tpu.memory_space<semaphore_mem>>)
      %dma_wait3A_32 = tpu.memref_slice %arg3[%mul3A_2] : memref<320000xi32, #tpu.memory_space<hbm>> -> memref<10000xi32, #tpu.memory_space<hbm>>
      %dma_wait3A_33 = tpu.memref_slice %arg3[%mul3A_2] : memref<320000xi32, #tpu.memory_space<hbm>> -> memref<10000xi32, #tpu.memory_space<hbm>>
      tpu.wait_dma2 semaphore(%run_scoped3A : memref<!tpu.dma_semaphore, #tpu.memory_space<semaphore_mem>>) src(%dma_wait3A_33 : memref<10000xi32, #tpu.memory_space<hbm>>) dst(%arg5 : memref<10000xi32, #tpu.memory_space<vmem>>)
      tpu.yield
    }) : () -> ()
    %dma_start3A = arith.constant 0 : i32
    %dma_start3A_3 = tpu.memref_slice %arg5[%dma_start3A] : memref<10000xi32, #tpu.memory_space<vmem>> -> memref<128xi32, #tpu.memory_space<vmem>>
    %dma_start3A_4 = arith.constant 0 : i32
    %dma_start3A_5 = arith.constant 0 : i32
    %dma_start3A_6 = tpu.memref_slice %arg2[%dma_start3A_4, %dma_start3A_5] : memref<10000x128xf32, #tpu.memory_space<hbm>> -> memref<10000x128xf32, #tpu.memory_space<hbm>>
    tpu.enqueue_indirect_dma source(%dma_start3A_6 : memref<10000x128xf32, #tpu.memory_space<hbm>>) target(%arg6 : memref<128x128xf32, #tpu.memory_space<vmem>>) offsets(%dma_start3A_3 : memref<128xi32, #tpu.memory_space<vmem>>) semaphore(%arg8 : memref<!tpu.dma_semaphore, #tpu.memory_space<semaphore_mem>>)
    %scan3A = arith.constant 0 : i32
    %scan3A_7 = arith.constant 0 : i32
    %scan3A_8 = arith.constant 39 : i32
    %scan3A_9 = arith.addi %scan3A_7, %scan3A_8 : i32
    %scan3A_10 = arith.constant 1 : i32
    %scan3A_11 = scf.for %scan3A_30 = %scan3A_7 to %scan3A_9 step %scan3A_10 iter_args(%scan3A_31 = %scan3A) -> (i32)  : i32 {
      %mul3A_32 = arith.constant 2 : i32
      %mul3A_33 = arith.muli %scan3A_30, %mul3A_32 : i32
      %add3A_34 = arith.constant 1 : i32
      %add3A_35 = arith.addi %mul3A_33, %add3A_34 : i32
      %mul3A_36 = arith.constant 128 : i32
      %mul3A_37 = arith.muli %add3A_35, %mul3A_36 : i32
      %dma_start3A_38 = tpu.memref_slice %arg5[%mul3A_37] : memref<10000xi32, #tpu.memory_space<vmem>> -> memref<128xi32, #tpu.memory_space<vmem>>
      %dma_start3A_39 = arith.constant 0 : i32
      %dma_start3A_40 = arith.constant 0 : i32
      %dma_start3A_41 = tpu.memref_slice %arg2[%dma_start3A_39, %dma_start3A_40] : memref<10000x128xf32, #tpu.memory_space<hbm>> -> memref<10000x128xf32, #tpu.memory_space<hbm>>
      tpu.enqueue_indirect_dma source(%dma_start3A_41 : memref<10000x128xf32, #tpu.memory_space<hbm>>) target(%arg7 : memref<128x128xf32, #tpu.memory_space<vmem>>) offsets(%dma_start3A_38 : memref<128xi32, #tpu.memory_space<vmem>>) semaphore(%arg9 : memref<!tpu.dma_semaphore, #tpu.memory_space<semaphore_mem>>)
      %dma_wait3A_42 = arith.constant 0 : i32
      %dma_wait3A_43 = tpu.memref_slice %arg5[%dma_wait3A_42] : memref<10000xi32, #tpu.memory_space<vmem>> -> memref<128xi32, #tpu.memory_space<vmem>>
      %dma_wait3A_44 = arith.constant 0 : i32
      %dma_wait3A_45 = arith.constant 0 : i32
      %dma_wait3A_46 = tpu.memref_slice %arg2[%dma_wait3A_44, %dma_wait3A_45] : memref<10000x128xf32, #tpu.memory_space<hbm>> -> memref<10000x128xf32, #tpu.memory_space<hbm>>
      tpu.wait_indirect_dma semaphore(%arg8 : memref<!tpu.dma_semaphore, #tpu.memory_space<semaphore_mem>>) src(%dma_wait3A_46 : memref<10000x128xf32, #tpu.memory_space<hbm>>) dst(%arg6 : memref<128x128xf32, #tpu.memory_space<vmem>>)
      %mul3A_47 = arith.constant 128 : i32
      %mul3A_48 = arith.muli %mul3A_33, %mul3A_47 : i32
      %add3A_49 = arith.addi %mul3A_2, %mul3A_48 : i32
      "tpu.region"() ({
        %run_scoped3A = tpu.sem_alloc : memref<!tpu.dma_semaphore, #tpu.memory_space<semaphore_mem>>
        %dma_start3A_65 = arith.constant 0 : i32
        %dma_start3A_66 = tpu.memref_slice %arg4[%add3A_49, %dma_start3A_65] : memref<320000x128xf32, #tpu.memory_space<hbm>> -> memref<128x128xf32, #tpu.memory_space<hbm>>
        %dma_start3A_67 = arith.constant 0 : i32
        %dma_start3A_68 = tpu.memref_slice %arg4[%add3A_49, %dma_start3A_67] : memref<320000x128xf32, #tpu.memory_space<hbm>> -> memref<128x128xf32, #tpu.memory_space<hbm>>
        tpu.enqueue_dma source(%arg6 : memref<128x128xf32, #tpu.memory_space<vmem>>) target(%dma_start3A_68 : memref<128x128xf32, #tpu.memory_space<hbm>>) target_semaphore(%run_scoped3A : memref<!tpu.dma_semaphore, #tpu.memory_space<semaphore_mem>>)
        %dma_wait3A_69 = arith.constant 0 : i32
        %dma_wait3A_70 = tpu.memref_slice %arg4[%add3A_49, %dma_wait3A_69] : memref<320000x128xf32, #tpu.memory_space<hbm>> -> memref<128x128xf32, #tpu.memory_space<hbm>>
        %dma_wait3A_71 = arith.constant 0 : i32
        %dma_wait3A_72 = tpu.memref_slice %arg4[%add3A_49, %dma_wait3A_71] : memref<320000x128xf32, #tpu.memory_space<hbm>> -> memref<128x128xf32, #tpu.memory_space<hbm>>
        tpu.wait_dma2 semaphore(%run_scoped3A : memref<!tpu.dma_semaphore, #tpu.memory_space<semaphore_mem>>) src(%arg6 : memref<128x128xf32, #tpu.memory_space<vmem>>) dst(%dma_wait3A_72 : memref<128x128xf32, #tpu.memory_space<hbm>>)
        tpu.yield
      }) : () -> ()
      %add3A_50 = arith.constant 2 : i32
      %add3A_51 = arith.addi %mul3A_33, %add3A_50 : i32
      %lt3A = arith.constant 78 : i32
      %lt3A_52 = arith.cmpi slt, %add3A_51, %lt3A : i32
      %convert_element_type3A = arith.extui %lt3A_52 : i1 to i32
      %cond3A = arith.constant 0 : i32
      %cond3A_53 = arith.cmpi ne, %convert_element_type3A, %cond3A : i32
      scf.if %cond3A_53 {
        %add3A_65 = arith.constant 2 : i32
        %add3A_66 = arith.addi %mul3A_33, %add3A_65 : i32
        %mul3A_67 = arith.constant 128 : i32
        %mul3A_68 = arith.muli %add3A_66, %mul3A_67 : i32
        %dma_start3A_69 = tpu.memref_slice %arg5[%mul3A_68] : memref<10000xi32, #tpu.memory_space<vmem>> -> memref<128xi32, #tpu.memory_space<vmem>>
        %dma_start3A_70 = arith.constant 0 : i32
        %dma_start3A_71 = arith.constant 0 : i32
        %dma_start3A_72 = tpu.memref_slice %arg2[%dma_start3A_70, %dma_start3A_71] : memref<10000x128xf32, #tpu.memory_space<hbm>> -> memref<10000x128xf32, #tpu.memory_space<hbm>>
        tpu.enqueue_indirect_dma source(%dma_start3A_72 : memref<10000x128xf32, #tpu.memory_space<hbm>>) target(%arg6 : memref<128x128xf32, #tpu.memory_space<vmem>>) offsets(%dma_start3A_69 : memref<128xi32, #tpu.memory_space<vmem>>) semaphore(%arg8 : memref<!tpu.dma_semaphore, #tpu.memory_space<semaphore_mem>>)
      } else {
      }
      %dma_wait3A_54 = arith.constant 0 : i32
      %dma_wait3A_55 = tpu.memref_slice %arg5[%dma_wait3A_54] : memref<10000xi32, #tpu.memory_space<vmem>> -> memref<128xi32, #tpu.memory_space<vmem>>
      %dma_wait3A_56 = arith.constant 0 : i32
      %dma_wait3A_57 = arith.constant 0 : i32
      %dma_wait3A_58 = tpu.memref_slice %arg2[%dma_wait3A_56, %dma_wait3A_57] : memref<10000x128xf32, #tpu.memory_space<hbm>> -> memref<10000x128xf32, #tpu.memory_space<hbm>>
      tpu.wait_indirect_dma semaphore(%arg9 : memref<!tpu.dma_semaphore, #tpu.memory_space<semaphore_mem>>) src(%dma_wait3A_58 : memref<10000x128xf32, #tpu.memory_space<hbm>>) dst(%arg7 : memref<128x128xf32, #tpu.memory_space<vmem>>)
      %add3A_59 = arith.constant 1 : i32
      %add3A_60 = arith.addi %mul3A_33, %add3A_59 : i32
      %mul3A_61 = arith.constant 128 : i32
      %mul3A_62 = arith.muli %add3A_60, %mul3A_61 : i32
      %add3A_63 = arith.addi %mul3A_2, %mul3A_62 : i32
      "tpu.region"() ({
        %run_scoped3A = tpu.sem_alloc : memref<!tpu.dma_semaphore, #tpu.memory_space<semaphore_mem>>
        %dma_start3A_65 = arith.constant 0 : i32
        %dma_start3A_66 = tpu.memref_slice %arg4[%add3A_63, %dma_start3A_65] : memref<320000x128xf32, #tpu.memory_space<hbm>> -> memref<128x128xf32, #tpu.memory_space<hbm>>
        %dma_start3A_67 = arith.constant 0 : i32
        %dma_start3A_68 = tpu.memref_slice %arg4[%add3A_63, %dma_start3A_67] : memref<320000x128xf32, #tpu.memory_space<hbm>> -> memref<128x128xf32, #tpu.memory_space<hbm>>
        tpu.enqueue_dma source(%arg7 : memref<128x128xf32, #tpu.memory_space<vmem>>) target(%dma_start3A_68 : memref<128x128xf32, #tpu.memory_space<hbm>>) target_semaphore(%run_scoped3A : memref<!tpu.dma_semaphore, #tpu.memory_space<semaphore_mem>>)
        %dma_wait3A_69 = arith.constant 0 : i32
        %dma_wait3A_70 = tpu.memref_slice %arg4[%add3A_63, %dma_wait3A_69] : memref<320000x128xf32, #tpu.memory_space<hbm>> -> memref<128x128xf32, #tpu.memory_space<hbm>>
        %dma_wait3A_71 = arith.constant 0 : i32
        %dma_wait3A_72 = tpu.memref_slice %arg4[%add3A_63, %dma_wait3A_71] : memref<320000x128xf32, #tpu.memory_space<hbm>> -> memref<128x128xf32, #tpu.memory_space<hbm>>
        tpu.wait_dma2 semaphore(%run_scoped3A : memref<!tpu.dma_semaphore, #tpu.memory_space<semaphore_mem>>) src(%arg7 : memref<128x128xf32, #tpu.memory_space<vmem>>) dst(%dma_wait3A_72 : memref<128x128xf32, #tpu.memory_space<hbm>>)
        tpu.yield
      }) : () -> ()
      %scan3A_64 = arith.constant 0 : i32
      scf.yield %scan3A_64 : i32
    }
    %scan3A_12 = arith.constant 39 : i32
    %add3A_13 = arith.constant 9984 : i32
    %add3A_14 = arith.addi %mul3A_2, %add3A_13 : i32
    %dma_start3A_15 = arith.constant 0 : i32
    %dma_start3A_16 = arith.constant 0 : i32
    %dma_start3A_17 = tpu.memref_slice %arg6[%dma_start3A_15, %dma_start3A_16] : memref<128x128xf32, #tpu.memory_space<vmem>> -> memref<16x128xf32, #tpu.memory_space<vmem>>
    %dma_start3A_18 = arith.constant 9984 : i32
    %dma_start3A_19 = tpu.memref_slice %arg5[%dma_start3A_18] : memref<10000xi32, #tpu.memory_space<vmem>> -> memref<16xi32, #tpu.memory_space<vmem>>
    %dma_start3A_20 = arith.constant 0 : i32
    %dma_start3A_21 = arith.constant 0 : i32
    %dma_start3A_22 = tpu.memref_slice %arg2[%dma_start3A_20, %dma_start3A_21] : memref<10000x128xf32, #tpu.memory_space<hbm>> -> memref<10000x128xf32, #tpu.memory_space<hbm>>
    tpu.enqueue_indirect_dma source(%dma_start3A_22 : memref<10000x128xf32, #tpu.memory_space<hbm>>) target(%dma_start3A_17 : memref<16x128xf32, #tpu.memory_space<vmem>>) offsets(%dma_start3A_19 : memref<16xi32, #tpu.memory_space<vmem>>) semaphore(%arg8 : memref<!tpu.dma_semaphore, #tpu.memory_space<semaphore_mem>>)
    %dma_wait3A = arith.constant 0 : i32
    %dma_wait3A_23 = arith.constant 0 : i32
    %dma_wait3A_24 = tpu.memref_slice %arg6[%dma_wait3A, %dma_wait3A_23] : memref<128x128xf32, #tpu.memory_space<vmem>> -> memref<16x128xf32, #tpu.memory_space<vmem>>
    %dma_wait3A_25 = arith.constant 9984 : i32
    %dma_wait3A_26 = tpu.memref_slice %arg5[%dma_wait3A_25] : memref<10000xi32, #tpu.memory_space<vmem>> -> memref<16xi32, #tpu.memory_space<vmem>>
    %dma_wait3A_27 = arith.constant 0 : i32
    %dma_wait3A_28 = arith.constant 0 : i32
    %dma_wait3A_29 = tpu.memref_slice %arg2[%dma_wait3A_27, %dma_wait3A_28] : memref<10000x128xf32, #tpu.memory_space<hbm>> -> memref<10000x128xf32, #tpu.memory_space<hbm>>
    tpu.wait_indirect_dma semaphore(%arg8 : memref<!tpu.dma_semaphore, #tpu.memory_space<semaphore_mem>>) src(%dma_wait3A_29 : memref<10000x128xf32, #tpu.memory_space<hbm>>) dst(%dma_wait3A_24 : memref<16x128xf32, #tpu.memory_space<vmem>>)
    "tpu.region"() ({
      %run_scoped3A = tpu.sem_alloc : memref<!tpu.dma_semaphore, #tpu.memory_space<semaphore_mem>>
      %dma_start3A_30 = arith.constant 0 : i32
      %dma_start3A_31 = arith.constant 0 : i32
      %dma_start3A_32 = tpu.memref_slice %arg6[%dma_start3A_30, %dma_start3A_31] : memref<128x128xf32, #tpu.memory_space<vmem>> -> memref<16x128xf32, #tpu.memory_space<vmem>>
      %dma_start3A_33 = arith.constant 0 : i32
      %dma_start3A_34 = tpu.memref_slice %arg4[%add3A_14, %dma_start3A_33] : memref<320000x128xf32, #tpu.memory_space<hbm>> -> memref<16x128xf32, #tpu.memory_space<hbm>>
      %dma_start3A_35 = arith.constant 0 : i32
      %dma_start3A_36 = tpu.memref_slice %arg4[%add3A_14, %dma_start3A_35] : memref<320000x128xf32, #tpu.memory_space<hbm>> -> memref<16x128xf32, #tpu.memory_space<hbm>>
      %dma_start3A_37 = arith.constant 0 : i32
      %dma_start3A_38 = arith.constant 0 : i32
      %dma_start3A_39 = tpu.memref_slice %arg6[%dma_start3A_37, %dma_start3A_38] : memref<128x128xf32, #tpu.memory_space<vmem>> -> memref<16x128xf32, #tpu.memory_space<vmem>>
      tpu.enqueue_dma source(%dma_start3A_39 : memref<16x128xf32, #tpu.memory_space<vmem>>) target(%dma_start3A_36 : memref<16x128xf32, #tpu.memory_space<hbm>>) target_semaphore(%run_scoped3A : memref<!tpu.dma_semaphore, #tpu.memory_space<semaphore_mem>>)
      %dma_wait3A_40 = arith.constant 0 : i32
      %dma_wait3A_41 = arith.constant 0 : i32
      %dma_wait3A_42 = tpu.memref_slice %arg6[%dma_wait3A_40, %dma_wait3A_41] : memref<128x128xf32, #tpu.memory_space<vmem>> -> memref<16x128xf32, #tpu.memory_space<vmem>>
      %dma_wait3A_43 = arith.constant 0 : i32
      %dma_wait3A_44 = tpu.memref_slice %arg4[%add3A_14, %dma_wait3A_43] : memref<320000x128xf32, #tpu.memory_space<hbm>> -> memref<16x128xf32, #tpu.memory_space<hbm>>
      %dma_wait3A_45 = arith.constant 0 : i32
      %dma_wait3A_46 = tpu.memref_slice %arg4[%add3A_14, %dma_wait3A_45] : memref<320000x128xf32, #tpu.memory_space<hbm>> -> memref<16x128xf32, #tpu.memory_space<hbm>>
      %dma_wait3A_47 = arith.constant 0 : i32
      %dma_wait3A_48 = arith.constant 0 : i32
      %dma_wait3A_49 = tpu.memref_slice %arg6[%dma_wait3A_47, %dma_wait3A_48] : memref<128x128xf32, #tpu.memory_space<vmem>> -> memref<16x128xf32, #tpu.memory_space<vmem>>
      tpu.wait_dma2 semaphore(%run_scoped3A : memref<!tpu.dma_semaphore, #tpu.memory_space<semaphore_mem>>) src(%dma_wait3A_49 : memref<16x128xf32, #tpu.memory_space<vmem>>) dst(%dma_wait3A_46 : memref<16x128xf32, #tpu.memory_space<hbm>>)
      tpu.yield
    }) : () -> ()
    return
  }
}

#map = affine_map<(d0, d1) -> (0, 0)>
#map1 = affine_map<(d0, d1) -> (0)>
#map2 = affine_map<(d0, d1) -> (0, 0, 0)>
module attributes {stable_mosaic.version = 14 : i64} {
  func.func @sk(%arg0: i32, %arg1: i32, %arg2: memref<320000x128xf32, #tpu.memory_space<hbm>>, %arg3: memref<320000xi32, #tpu.memory_space<hbm>>, %arg4: memref<2x10000x128xf32, #tpu.memory_space<hbm>>, %arg5: memref<128xi32, #tpu.memory_space<vmem>>, %arg6: memref<128xi32, #tpu.memory_space<vmem>>, %arg7: memref<128x128xf32, #tpu.memory_space<vmem>>, %arg8: memref<128x128xf32, #tpu.memory_space<vmem>>, %arg9: memref<16xi32, #tpu.memory_space<vmem>>, %arg10: memref<104x128xf32, #tpu.memory_space<vmem>>, %arg11: memref<10000x128xf32, #tpu.memory_space<vmem_shared>>, %arg12: memref<!tpu.dma_semaphore, #tpu.memory_space<semaphore_mem>>, %arg13: memref<!tpu.dma_semaphore, #tpu.memory_space<semaphore_mem>>) attributes {dimension_semantics = [#tpu.dimension_semantics<core_parallel>, #tpu.dimension_semantics<subcore_parallel>], iteration_bounds = array<i64: 2, 16>, scalar_prefetch = 0 : i64, scratch_operands = 9 : i64, tpu.core_type = #tpu.core_type<sc_vector_subcore>, window_params = [{transform_indices = #map}, {transform_indices = #map1}, {transform_indices = #map2}]} {
    %mul3A = arith.constant 16 : i32
    %mul3A_0 = arith.muli %arg0, %mul3A : i32
    %add3A = arith.addi %mul3A_0, %arg1 : i32
    %scan3A = arith.constant 0 : i32
    %scan3A_1 = arith.constant 0 : i32
    %scan3A_2 = arith.constant 832 : i32
    %scan3A_3 = arith.addi %scan3A_1, %scan3A_2 : i32
    %scan3A_4 = arith.constant 1 : i32
    %scan3A_5 = scf.for %scan3A_66 = %scan3A_1 to %scan3A_3 step %scan3A_4 iter_args(%scan3A_67 = %scan3A) -> (i32)  : i32 {
      %broadcast_in_dim3A = arith.constant 0.000000e+00 : f32
      %broadcast_in_dim3A_68 = vector.broadcast %broadcast_in_dim3A : f32 to vector<16xf32>
      %jit3A = arith.constant 8 : i32
      %div3A = arith.divsi %scan3A_66, %jit3A : i32
      %sign3A = arith.constant 0 : i32
      %sign3A_69 = arith.cmpi sgt, %scan3A_66, %sign3A : i32
      %sign3A_70 = arith.extui %sign3A_69 : i1 to i32
      %sign3A_71 = arith.constant 0 : i32
      %sign3A_72 = arith.cmpi slt, %scan3A_66, %sign3A_71 : i32
      %sign3A_73 = arith.extui %sign3A_72 : i1 to i32
      %sign3A_74 = arith.subi %sign3A_70, %sign3A_73 : i32
      %sign3A_75 = arith.constant 0 : i32
      %sign3A_76 = arith.cmpi sgt, %jit3A, %sign3A_75 : i32
      %sign3A_77 = arith.extui %sign3A_76 : i1 to i32
      %sign3A_78 = arith.constant 0 : i32
      %sign3A_79 = arith.cmpi slt, %jit3A, %sign3A_78 : i32
      %sign3A_80 = arith.extui %sign3A_79 : i1 to i32
      %sign3A_81 = arith.subi %sign3A_77, %sign3A_80 : i32
      %ne3A = arith.cmpi ne, %sign3A_74, %sign3A_81 : i32
      %rem3A = arith.remsi %scan3A_66, %jit3A : i32
      %ne3A_82 = arith.constant 0 : i32
      %ne3A_83 = arith.cmpi ne, %rem3A, %ne3A_82 : i32
      %and3A = arith.andi %ne3A, %ne3A_83 : i1
      %sub3A = arith.constant 1 : i32
      %sub3A_84 = arith.subi %div3A, %sub3A : i32
      %select_n3A = arith.select %and3A, %sub3A_84, %div3A : i32
      %jit3A_85 = arith.constant 8 : i32
      %eq3A_86 = arith.constant 0 : i32
      %eq3A_87 = arith.cmpi eq, %jit3A_85, %eq3A_86 : i32
      %jit3A_88 = arith.constant 1 : i32
      %select_n3A_89 = arith.select %eq3A_87, %jit3A_88, %jit3A_85 : i32
      %rem3A_90 = arith.remsi %scan3A_66, %select_n3A_89 : i32
      %ne3A_91 = arith.constant 0 : i32
      %ne3A_92 = arith.cmpi ne, %rem3A_90, %ne3A_91 : i32
      %lt3A = arith.constant 0 : i32
      %lt3A_93 = arith.cmpi slt, %rem3A_90, %lt3A : i32
      %lt3A_94 = arith.constant 0 : i32
      %lt3A_95 = arith.cmpi slt, %select_n3A_89, %lt3A_94 : i32
      %ne3A_96 = arith.xori %lt3A_93, %lt3A_95 : i1
      %and3A_97 = arith.andi %ne3A_96, %ne3A_92 : i1
      %add3A_98 = arith.addi %rem3A_90, %select_n3A_89 : i32
      %select_n3A_99 = arith.select %and3A_97, %add3A_98, %rem3A_90 : i32
      %mul3A_100 = arith.constant 16 : i32
      %mul3A_101 = arith.muli %select_n3A_99, %mul3A_100 : i32
      %swap3A = arith.index_cast %select_n3A : i32 to index
      %swap3A_102 = arith.index_cast %mul3A_101 : i32 to index
      %swap3A_103 = tpu.vector_load %arg10[%swap3A, %swap3A_102] {strides = array<i32>} : memref<104x128xf32, #tpu.memory_space<vmem>>, vector<1x16xf32>,
      %swap3A_104 = vector.shape_cast %swap3A_103 : vector<1x16xf32> to vector<16xf32>
      %swap3A_105 = vector.shape_cast %broadcast_in_dim3A_68 : vector<16xf32> to vector<1x16xf32>
      tpu.vector_store %arg10[%swap3A, %swap3A_102], %swap3A_105 {strides = array<i32>} : memref<104x128xf32, #tpu.memory_space<vmem>>, vector<1x16xf32>,
      %scan3A_106 = arith.constant 0 : i32
      scf.yield %scan3A_106 : i32
    }
    %scan3A_6 = arith.constant 832 : i32
    %scan3A_7 = arith.constant 0 : i32
    %scan3A_8 = arith.constant 0 : i32
    %scan3A_9 = arith.constant 6 : i32
    %scan3A_10 = arith.addi %scan3A_8, %scan3A_9 : i32
    %scan3A_11 = arith.constant 1 : i32
    %scan3A_12 = scf.for %scan3A_66 = %scan3A_8 to %scan3A_10 step %scan3A_11 iter_args(%scan3A_67 = %scan3A_7) -> (i32)  : i32 {
      %mul3A_68 = arith.constant 624 : i32
      %mul3A_69 = arith.muli %arg1, %mul3A_68 : i32
      %mul3A_70 = arith.constant 104 : i32
      %mul3A_71 = arith.muli %scan3A_66, %mul3A_70 : i32
      %add3A_72 = arith.addi %mul3A_69, %mul3A_71 : i32
      "tpu.region"() ({
        %run_scoped3A = tpu.sem_alloc : memref<!tpu.dma_semaphore, #tpu.memory_space<semaphore_mem>>
        %dma_start3A_74 = arith.constant 0 : i32
        %dma_start3A_75 = tpu.memref_slice %arg11[%add3A_72, %dma_start3A_74] : memref<10000x128xf32, #tpu.memory_space<vmem_shared>> -> memref<104x128xf32, #tpu.memory_space<vmem_shared>>
        %dma_start3A_76 = arith.constant 0 : i32
        %dma_start3A_77 = tpu.memref_slice %arg11[%add3A_72, %dma_start3A_76] : memref<10000x128xf32, #tpu.memory_space<vmem_shared>> -> memref<104x128xf32, #tpu.memory_space<vmem_shared>>
        tpu.enqueue_dma source(%arg10 : memref<104x128xf32, #tpu.memory_space<vmem>>) target(%dma_start3A_77 : memref<104x128xf32, #tpu.memory_space<vmem_shared>>) target_semaphore(%run_scoped3A : memref<!tpu.dma_semaphore, #tpu.memory_space<semaphore_mem>>)
        %dma_wait3A_78 = arith.constant 0 : i32
        %dma_wait3A_79 = tpu.memref_slice %arg11[%add3A_72, %dma_wait3A_78] : memref<10000x128xf32, #tpu.memory_space<vmem_shared>> -> memref<104x128xf32, #tpu.memory_space<vmem_shared>>
        %dma_wait3A_80 = arith.constant 0 : i32
        %dma_wait3A_81 = tpu.memref_slice %arg11[%add3A_72, %dma_wait3A_80] : memref<10000x128xf32, #tpu.memory_space<vmem_shared>> -> memref<104x128xf32, #tpu.memory_space<vmem_shared>>
        tpu.wait_dma2 semaphore(%run_scoped3A : memref<!tpu.dma_semaphore, #tpu.memory_space<semaphore_mem>>) src(%arg10 : memref<104x128xf32, #tpu.memory_space<vmem>>) dst(%dma_wait3A_81 : memref<104x128xf32, #tpu.memory_space<vmem_shared>>)
        tpu.yield
      }) : () -> ()
      %scan3A_73 = arith.constant 0 : i32
      scf.yield %scan3A_73 : i32
    }
    %scan3A_13 = arith.constant 6 : i32
    %eq3A = arith.constant 15 : i32
    %eq3A_14 = arith.cmpi eq, %arg1, %eq3A : i32
    %convert_element_type3A = arith.extui %eq3A_14 : i1 to i32
    %cond3A = arith.constant 0 : i32
    %cond3A_15 = arith.cmpi ne, %convert_element_type3A, %cond3A : i32
    scf.if %cond3A_15 {
      "tpu.region"() ({
        %run_scoped3A = tpu.sem_alloc : memref<!tpu.dma_semaphore, #tpu.memory_space<semaphore_mem>>
        %dma_start3A_66 = arith.constant 0 : i32
        %dma_start3A_67 = arith.constant 0 : i32
        %dma_start3A_68 = tpu.memref_slice %arg10[%dma_start3A_66, %dma_start3A_67] : memref<104x128xf32, #tpu.memory_space<vmem>> -> memref<16x128xf32, #tpu.memory_space<vmem>>
        %dma_start3A_69 = arith.constant 9984 : i32
        %dma_start3A_70 = arith.constant 0 : i32
        %dma_start3A_71 = tpu.memref_slice %arg11[%dma_start3A_69, %dma_start3A_70] : memref<10000x128xf32, #tpu.memory_space<vmem_shared>> -> memref<16x128xf32, #tpu.memory_space<vmem_shared>>
        %dma_start3A_72 = arith.constant 9984 : i32
        %dma_start3A_73 = arith.constant 0 : i32
        %dma_start3A_74 = tpu.memref_slice %arg11[%dma_start3A_72, %dma_start3A_73] : memref<10000x128xf32, #tpu.memory_space<vmem_shared>> -> memref<16x128xf32, #tpu.memory_space<vmem_shared>>
        %dma_start3A_75 = arith.constant 0 : i32
        %dma_start3A_76 = arith.constant 0 : i32
        %dma_start3A_77 = tpu.memref_slice %arg10[%dma_start3A_75, %dma_start3A_76] : memref<104x128xf32, #tpu.memory_space<vmem>> -> memref<16x128xf32, #tpu.memory_space<vmem>>
        tpu.enqueue_dma source(%dma_start3A_77 : memref<16x128xf32, #tpu.memory_space<vmem>>) target(%dma_start3A_74 : memref<16x128xf32, #tpu.memory_space<vmem_shared>>) target_semaphore(%run_scoped3A : memref<!tpu.dma_semaphore, #tpu.memory_space<semaphore_mem>>)
        %dma_wait3A_78 = arith.constant 0 : i32
        %dma_wait3A_79 = arith.constant 0 : i32
        %dma_wait3A_80 = tpu.memref_slice %arg10[%dma_wait3A_78, %dma_wait3A_79] : memref<104x128xf32, #tpu.memory_space<vmem>> -> memref<16x128xf32, #tpu.memory_space<vmem>>
        %dma_wait3A_81 = arith.constant 9984 : i32
        %dma_wait3A_82 = arith.constant 0 : i32
        %dma_wait3A_83 = tpu.memref_slice %arg11[%dma_wait3A_81, %dma_wait3A_82] : memref<10000x128xf32, #tpu.memory_space<vmem_shared>> -> memref<16x128xf32, #tpu.memory_space<vmem_shared>>
        %dma_wait3A_84 = arith.constant 9984 : i32
        %dma_wait3A_85 = arith.constant 0 : i32
        %dma_wait3A_86 = tpu.memref_slice %arg11[%dma_wait3A_84, %dma_wait3A_85] : memref<10000x128xf32, #tpu.memory_space<vmem_shared>> -> memref<16x128xf32, #tpu.memory_space<vmem_shared>>
        %dma_wait3A_87 = arith.constant 0 : i32
        %dma_wait3A_88 = arith.constant 0 : i32
        %dma_wait3A_89 = tpu.memref_slice %arg10[%dma_wait3A_87, %dma_wait3A_88] : memref<104x128xf32, #tpu.memory_space<vmem>> -> memref<16x128xf32, #tpu.memory_space<vmem>>
        tpu.wait_dma2 semaphore(%run_scoped3A : memref<!tpu.dma_semaphore, #tpu.memory_space<semaphore_mem>>) src(%dma_wait3A_89 : memref<16x128xf32, #tpu.memory_space<vmem>>) dst(%dma_wait3A_86 : memref<16x128xf32, #tpu.memory_space<vmem_shared>>)
        tpu.yield
      }) : () -> ()
    } else {
    }
    %barrier3A = arith.constant 0 : index
    tpu.barrier barrier_id(%barrier3A)
    %mul3A_16 = arith.constant 10000 : i32
    %mul3A_17 = arith.muli %add3A, %mul3A_16 : i32
    %add3A_18 = arith.constant 0 : i32
    %add3A_19 = arith.addi %mul3A_17, %add3A_18 : i32
    %dma_start3A = tpu.memref_slice %arg3[%add3A_19] : memref<320000xi32, #tpu.memory_space<hbm>> -> memref<128xi32, #tpu.memory_space<hbm>>
    %dma_start3A_20 = tpu.memref_slice %arg3[%add3A_19] : memref<320000xi32, #tpu.memory_space<hbm>> -> memref<128xi32, #tpu.memory_space<hbm>>
    tpu.enqueue_dma source(%dma_start3A_20 : memref<128xi32, #tpu.memory_space<hbm>>) target(%arg5 : memref<128xi32, #tpu.memory_space<vmem>>) target_semaphore(%arg12 : memref<!tpu.dma_semaphore, #tpu.memory_space<semaphore_mem>>)
    %dma_start3A_21 = arith.constant 0 : i32
    %dma_start3A_22 = tpu.memref_slice %arg2[%add3A_19, %dma_start3A_21] : memref<320000x128xf32, #tpu.memory_space<hbm>> -> memref<128x128xf32, #tpu.memory_space<hbm>>
    %dma_start3A_23 = arith.constant 0 : i32
    %dma_start3A_24 = tpu.memref_slice %arg2[%add3A_19, %dma_start3A_23] : memref<320000x128xf32, #tpu.memory_space<hbm>> -> memref<128x128xf32, #tpu.memory_space<hbm>>
    tpu.enqueue_dma source(%dma_start3A_24 : memref<128x128xf32, #tpu.memory_space<hbm>>) target(%arg7 : memref<128x128xf32, #tpu.memory_space<vmem>>) target_semaphore(%arg12 : memref<!tpu.dma_semaphore, #tpu.memory_space<semaphore_mem>>)
    %scan3A_25 = arith.constant 0 : i32
    %scan3A_26 = arith.constant 0 : i32
    %scan3A_27 = arith.constant 39 : i32
    %scan3A_28 = arith.addi %scan3A_26, %scan3A_27 : i32
    %scan3A_29 = arith.constant 1 : i32
    %scan3A_30 = scf.for %scan3A_66 = %scan3A_26 to %scan3A_28 step %scan3A_29 iter_args(%scan3A_67 = %scan3A_25) -> (i32)  : i32 {
      %mul3A_68 = arith.constant 2 : i32
      %mul3A_69 = arith.muli %scan3A_66, %mul3A_68 : i32
      %add3A_70 = arith.constant 1 : i32
      %add3A_71 = arith.addi %mul3A_69, %add3A_70 : i32
      %mul3A_72 = arith.constant 128 : i32
      %mul3A_73 = arith.muli %add3A_71, %mul3A_72 : i32
      %add3A_74 = arith.addi %mul3A_17, %mul3A_73 : i32
      %dma_start3A_75 = tpu.memref_slice %arg3[%add3A_74] : memref<320000xi32, #tpu.memory_space<hbm>> -> memref<128xi32, #tpu.memory_space<hbm>>
      %dma_start3A_76 = tpu.memref_slice %arg3[%add3A_74] : memref<320000xi32, #tpu.memory_space<hbm>> -> memref<128xi32, #tpu.memory_space<hbm>>
      tpu.enqueue_dma source(%dma_start3A_76 : memref<128xi32, #tpu.memory_space<hbm>>) target(%arg6 : memref<128xi32, #tpu.memory_space<vmem>>) target_semaphore(%arg13 : memref<!tpu.dma_semaphore, #tpu.memory_space<semaphore_mem>>)
      %dma_start3A_77 = arith.constant 0 : i32
      %dma_start3A_78 = tpu.memref_slice %arg2[%add3A_74, %dma_start3A_77] : memref<320000x128xf32, #tpu.memory_space<hbm>> -> memref<128x128xf32, #tpu.memory_space<hbm>>
      %dma_start3A_79 = arith.constant 0 : i32
      %dma_start3A_80 = tpu.memref_slice %arg2[%add3A_74, %dma_start3A_79] : memref<320000x128xf32, #tpu.memory_space<hbm>> -> memref<128x128xf32, #tpu.memory_space<hbm>>
      tpu.enqueue_dma source(%dma_start3A_80 : memref<128x128xf32, #tpu.memory_space<hbm>>) target(%arg8 : memref<128x128xf32, #tpu.memory_space<vmem>>) target_semaphore(%arg13 : memref<!tpu.dma_semaphore, #tpu.memory_space<semaphore_mem>>)
      %dma_wait3A_81 = arith.constant 0 : i32
      %dma_wait3A_82 = tpu.memref_slice %arg3[%dma_wait3A_81] : memref<320000xi32, #tpu.memory_space<hbm>> -> memref<128xi32, #tpu.memory_space<hbm>>
      %dma_wait3A_83 = arith.constant 0 : i32
      %dma_wait3A_84 = tpu.memref_slice %arg3[%dma_wait3A_83] : memref<320000xi32, #tpu.memory_space<hbm>> -> memref<128xi32, #tpu.memory_space<hbm>>
      tpu.wait_dma2 semaphore(%arg12 : memref<!tpu.dma_semaphore, #tpu.memory_space<semaphore_mem>>) src(%dma_wait3A_84 : memref<128xi32, #tpu.memory_space<hbm>>) dst(%arg5 : memref<128xi32, #tpu.memory_space<vmem>>)
      %dma_wait3A_85 = arith.constant 0 : i32
      %dma_wait3A_86 = arith.constant 0 : i32
      %dma_wait3A_87 = tpu.memref_slice %arg2[%dma_wait3A_85, %dma_wait3A_86] : memref<320000x128xf32, #tpu.memory_space<hbm>> -> memref<128x128xf32, #tpu.memory_space<hbm>>
      %dma_wait3A_88 = arith.constant 0 : i32
      %dma_wait3A_89 = arith.constant 0 : i32
      %dma_wait3A_90 = tpu.memref_slice %arg2[%dma_wait3A_88, %dma_wait3A_89] : memref<320000x128xf32, #tpu.memory_space<hbm>> -> memref<128x128xf32, #tpu.memory_space<hbm>>
      tpu.wait_dma2 semaphore(%arg12 : memref<!tpu.dma_semaphore, #tpu.memory_space<semaphore_mem>>) src(%dma_wait3A_90 : memref<128x128xf32, #tpu.memory_space<hbm>>) dst(%arg7 : memref<128x128xf32, #tpu.memory_space<vmem>>)
      "tpu.region"() ({
        %run_scoped3A = tpu.sem_alloc : memref<!tpu.dma_semaphore, #tpu.memory_space<semaphore_mem>>
        %dma_start3A_108 = arith.constant 0 : i32
        %dma_start3A_109 = arith.constant 0 : i32
        %dma_start3A_110 = tpu.memref_slice %arg11[%dma_start3A_108, %dma_start3A_109] : memref<10000x128xf32, #tpu.memory_space<vmem_shared>> -> memref<10000x128xf32, #tpu.memory_space<vmem_shared>>
        tpu.enqueue_indirect_dma source(%arg7 : memref<128x128xf32, #tpu.memory_space<vmem>>) target(%dma_start3A_110 : memref<10000x128xf32, #tpu.memory_space<vmem_shared>>) offsets(%arg5 : memref<128xi32, #tpu.memory_space<vmem>>) semaphore(%run_scoped3A : memref<!tpu.dma_semaphore, #tpu.memory_space<semaphore_mem>>) {add = true}
        %dma_wait3A_111 = arith.constant 0 : i32
        %dma_wait3A_112 = arith.constant 0 : i32
        %dma_wait3A_113 = tpu.memref_slice %arg11[%dma_wait3A_111, %dma_wait3A_112] : memref<10000x128xf32, #tpu.memory_space<vmem_shared>> -> memref<10000x128xf32, #tpu.memory_space<vmem_shared>>
        tpu.wait_indirect_dma semaphore(%run_scoped3A : memref<!tpu.dma_semaphore, #tpu.memory_space<semaphore_mem>>) src(%arg7 : memref<128x128xf32, #tpu.memory_space<vmem>>) dst(%dma_wait3A_113 : memref<10000x128xf32, #tpu.memory_space<vmem_shared>>)
        tpu.yield
      }) : () -> ()
      %add3A_91 = arith.constant 2 : i32
      %add3A_92 = arith.addi %mul3A_69, %add3A_91 : i32
      %lt3A = arith.constant 78 : i32
      %lt3A_93 = arith.cmpi slt, %add3A_92, %lt3A : i32
      %convert_element_type3A_94 = arith.extui %lt3A_93 : i1 to i32
      %cond3A_95 = arith.constant 0 : i32
      %cond3A_96 = arith.cmpi ne, %convert_element_type3A_94, %cond3A_95 : i32
      scf.if %cond3A_96 {
        %add3A_108 = arith.constant 2 : i32
        %add3A_109 = arith.addi %mul3A_69, %add3A_108 : i32
        %mul3A_110 = arith.constant 128 : i32
        %mul3A_111 = arith.muli %add3A_109, %mul3A_110 : i32
        %add3A_112 = arith.addi %mul3A_17, %mul3A_111 : i32
        %dma_start3A_113 = tpu.memref_slice %arg3[%add3A_112] : memref<320000xi32, #tpu.memory_space<hbm>> -> memref<128xi32, #tpu.memory_space<hbm>>
        %dma_start3A_114 = tpu.memref_slice %arg3[%add3A_112] : memref<320000xi32, #tpu.memory_space<hbm>> -> memref<128xi32, #tpu.memory_space<hbm>>
        tpu.enqueue_dma source(%dma_start3A_114 : memref<128xi32, #tpu.memory_space<hbm>>) target(%arg5 : memref<128xi32, #tpu.memory_space<vmem>>) target_semaphore(%arg12 : memref<!tpu.dma_semaphore, #tpu.memory_space<semaphore_mem>>)
        %dma_start3A_115 = arith.constant 0 : i32
        %dma_start3A_116 = tpu.memref_slice %arg2[%add3A_112, %dma_start3A_115] : memref<320000x128xf32, #tpu.memory_space<hbm>> -> memref<128x128xf32, #tpu.memory_space<hbm>>
        %dma_start3A_117 = arith.constant 0 : i32
        %dma_start3A_118 = tpu.memref_slice %arg2[%add3A_112, %dma_start3A_117] : memref<320000x128xf32, #tpu.memory_space<hbm>> -> memref<128x128xf32, #tpu.memory_space<hbm>>
        tpu.enqueue_dma source(%dma_start3A_118 : memref<128x128xf32, #tpu.memory_space<hbm>>) target(%arg7 : memref<128x128xf32, #tpu.memory_space<vmem>>) target_semaphore(%arg12 : memref<!tpu.dma_semaphore, #tpu.memory_space<semaphore_mem>>)
      } else {
      }
      %dma_wait3A_97 = arith.constant 0 : i32
      %dma_wait3A_98 = tpu.memref_slice %arg3[%dma_wait3A_97] : memref<320000xi32, #tpu.memory_space<hbm>> -> memref<128xi32, #tpu.memory_space<hbm>>
      %dma_wait3A_99 = arith.constant 0 : i32
      %dma_wait3A_100 = tpu.memref_slice %arg3[%dma_wait3A_99] : memref<320000xi32, #tpu.memory_space<hbm>> -> memref<128xi32, #tpu.memory_space<hbm>>
      tpu.wait_dma2 semaphore(%arg13 : memref<!tpu.dma_semaphore, #tpu.memory_space<semaphore_mem>>) src(%dma_wait3A_100 : memref<128xi32, #tpu.memory_space<hbm>>) dst(%arg6 : memref<128xi32, #tpu.memory_space<vmem>>)
      %dma_wait3A_101 = arith.constant 0 : i32
      %dma_wait3A_102 = arith.constant 0 : i32
      %dma_wait3A_103 = tpu.memref_slice %arg2[%dma_wait3A_101, %dma_wait3A_102] : memref<320000x128xf32, #tpu.memory_space<hbm>> -> memref<128x128xf32, #tpu.memory_space<hbm>>
      %dma_wait3A_104 = arith.constant 0 : i32
      %dma_wait3A_105 = arith.constant 0 : i32
      %dma_wait3A_106 = tpu.memref_slice %arg2[%dma_wait3A_104, %dma_wait3A_105] : memref<320000x128xf32, #tpu.memory_space<hbm>> -> memref<128x128xf32, #tpu.memory_space<hbm>>
      tpu.wait_dma2 semaphore(%arg13 : memref<!tpu.dma_semaphore, #tpu.memory_space<semaphore_mem>>) src(%dma_wait3A_106 : memref<128x128xf32, #tpu.memory_space<hbm>>) dst(%arg8 : memref<128x128xf32, #tpu.memory_space<vmem>>)
      "tpu.region"() ({
        %run_scoped3A = tpu.sem_alloc : memref<!tpu.dma_semaphore, #tpu.memory_space<semaphore_mem>>
        %dma_start3A_108 = arith.constant 0 : i32
        %dma_start3A_109 = arith.constant 0 : i32
        %dma_start3A_110 = tpu.memref_slice %arg11[%dma_start3A_108, %dma_start3A_109] : memref<10000x128xf32, #tpu.memory_space<vmem_shared>> -> memref<10000x128xf32, #tpu.memory_space<vmem_shared>>
        tpu.enqueue_indirect_dma source(%arg8 : memref<128x128xf32, #tpu.memory_space<vmem>>) target(%dma_start3A_110 : memref<10000x128xf32, #tpu.memory_space<vmem_shared>>) offsets(%arg6 : memref<128xi32, #tpu.memory_space<vmem>>) semaphore(%run_scoped3A : memref<!tpu.dma_semaphore, #tpu.memory_space<semaphore_mem>>) {add = true}
        %dma_wait3A_111 = arith.constant 0 : i32
        %dma_wait3A_112 = arith.constant 0 : i32
        %dma_wait3A_113 = tpu.memref_slice %arg11[%dma_wait3A_111, %dma_wait3A_112] : memref<10000x128xf32, #tpu.memory_space<vmem_shared>> -> memref<10000x128xf32, #tpu.memory_space<vmem_shared>>
        tpu.wait_indirect_dma semaphore(%run_scoped3A : memref<!tpu.dma_semaphore, #tpu.memory_space<semaphore_mem>>) src(%arg8 : memref<128x128xf32, #tpu.memory_space<vmem>>) dst(%dma_wait3A_113 : memref<10000x128xf32, #tpu.memory_space<vmem_shared>>)
        tpu.yield
      }) : () -> ()
      %scan3A_107 = arith.constant 0 : i32
      scf.yield %scan3A_107 : i32
    }
    %scan3A_31 = arith.constant 39 : i32
    %add3A_32 = arith.constant 9984 : i32
    %add3A_33 = arith.addi %mul3A_17, %add3A_32 : i32
    "tpu.region"() ({
      %run_scoped3A = tpu.sem_alloc : memref<!tpu.dma_semaphore, #tpu.memory_space<semaphore_mem>>
      %dma_start3A_66 = tpu.memref_slice %arg3[%add3A_33] : memref<320000xi32, #tpu.memory_space<hbm>> -> memref<16xi32, #tpu.memory_space<hbm>>
      %dma_start3A_67 = tpu.memref_slice %arg3[%add3A_33] : memref<320000xi32, #tpu.memory_space<hbm>> -> memref<16xi32, #tpu.memory_space<hbm>>
      tpu.enqueue_dma source(%dma_start3A_67 : memref<16xi32, #tpu.memory_space<hbm>>) target(%arg9 : memref<16xi32, #tpu.memory_space<vmem>>) target_semaphore(%run_scoped3A : memref<!tpu.dma_semaphore, #tpu.memory_space<semaphore_mem>>)
      %dma_wait3A_68 = tpu.memref_slice %arg3[%add3A_33] : memref<320000xi32, #tpu.memory_space<hbm>> -> memref<16xi32, #tpu.memory_space<hbm>>
      %dma_wait3A_69 = tpu.memref_slice %arg3[%add3A_33] : memref<320000xi32, #tpu.memory_space<hbm>> -> memref<16xi32, #tpu.memory_space<hbm>>
      tpu.wait_dma2 semaphore(%run_scoped3A : memref<!tpu.dma_semaphore, #tpu.memory_space<semaphore_mem>>) src(%dma_wait3A_69 : memref<16xi32, #tpu.memory_space<hbm>>) dst(%arg9 : memref<16xi32, #tpu.memory_space<vmem>>)
      tpu.yield
    }) : () -> ()
    %dma_start3A_34 = arith.constant 0 : i32
    %dma_start3A_35 = arith.constant 0 : i32
    %dma_start3A_36 = tpu.memref_slice %arg7[%dma_start3A_34, %dma_start3A_35] : memref<128x128xf32, #tpu.memory_space<vmem>> -> memref<16x128xf32, #tpu.memory_space<vmem>>
    %dma_start3A_37 = arith.constant 0 : i32
    %dma_start3A_38 = tpu.memref_slice %arg2[%add3A_33, %dma_start3A_37] : memref<320000x128xf32, #tpu.memory_space<hbm>> -> memref<16x128xf32, #tpu.memory_space<hbm>>
    %dma_start3A_39 = arith.constant 0 : i32
    %dma_start3A_40 = arith.constant 0 : i32
    %dma_start3A_41 = tpu.memref_slice %arg7[%dma_start3A_39, %dma_start3A_40] : memref<128x128xf32, #tpu.memory_space<vmem>> -> memref<16x128xf32, #tpu.memory_space<vmem>>
    %dma_start3A_42 = arith.constant 0 : i32
    %dma_start3A_43 = tpu.memref_slice %arg2[%add3A_33, %dma_start3A_42] : memref<320000x128xf32, #tpu.memory_space<hbm>> -> memref<16x128xf32, #tpu.memory_space<hbm>>
    tpu.enqueue_dma source(%dma_start3A_43 : memref<16x128xf32, #tpu.memory_space<hbm>>) target(%dma_start3A_41 : memref<16x128xf32, #tpu.memory_space<vmem>>) target_semaphore(%arg12 : memref<!tpu.dma_semaphore, #tpu.memory_space<semaphore_mem>>)
    %dma_wait3A = arith.constant 0 : i32
    %dma_wait3A_44 = arith.constant 0 : i32
    %dma_wait3A_45 = tpu.memref_slice %arg7[%dma_wait3A, %dma_wait3A_44] : memref<128x128xf32, #tpu.memory_space<vmem>> -> memref<16x128xf32, #tpu.memory_space<vmem>>
    %dma_wait3A_46 = arith.constant 0 : i32
    %dma_wait3A_47 = tpu.memref_slice %arg2[%add3A_33, %dma_wait3A_46] : memref<320000x128xf32, #tpu.memory_space<hbm>> -> memref<16x128xf32, #tpu.memory_space<hbm>>
    %dma_wait3A_48 = arith.constant 0 : i32
    %dma_wait3A_49 = arith.constant 0 : i32
    %dma_wait3A_50 = tpu.memref_slice %arg7[%dma_wait3A_48, %dma_wait3A_49] : memref<128x128xf32, #tpu.memory_space<vmem>> -> memref<16x128xf32, #tpu.memory_space<vmem>>
    %dma_wait3A_51 = arith.constant 0 : i32
    %dma_wait3A_52 = tpu.memref_slice %arg2[%add3A_33, %dma_wait3A_51] : memref<320000x128xf32, #tpu.memory_space<hbm>> -> memref<16x128xf32, #tpu.memory_space<hbm>>
    tpu.wait_dma2 semaphore(%arg12 : memref<!tpu.dma_semaphore, #tpu.memory_space<semaphore_mem>>) src(%dma_wait3A_52 : memref<16x128xf32, #tpu.memory_space<hbm>>) dst(%dma_wait3A_50 : memref<16x128xf32, #tpu.memory_space<vmem>>)
    "tpu.region"() ({
      %run_scoped3A = tpu.sem_alloc : memref<!tpu.dma_semaphore, #tpu.memory_space<semaphore_mem>>
      %dma_start3A_66 = arith.constant 0 : i32
      %dma_start3A_67 = arith.constant 0 : i32
      %dma_start3A_68 = tpu.memref_slice %arg7[%dma_start3A_66, %dma_start3A_67] : memref<128x128xf32, #tpu.memory_space<vmem>> -> memref<16x128xf32, #tpu.memory_space<vmem>>
      %dma_start3A_69 = arith.constant 0 : i32
      %dma_start3A_70 = arith.constant 0 : i32
      %dma_start3A_71 = tpu.memref_slice %arg11[%dma_start3A_69, %dma_start3A_70] : memref<10000x128xf32, #tpu.memory_space<vmem_shared>> -> memref<10000x128xf32, #tpu.memory_space<vmem_shared>>
      tpu.enqueue_indirect_dma source(%dma_start3A_68 : memref<16x128xf32, #tpu.memory_space<vmem>>) target(%dma_start3A_71 : memref<10000x128xf32, #tpu.memory_space<vmem_shared>>) offsets(%arg9 : memref<16xi32, #tpu.memory_space<vmem>>) semaphore(%run_scoped3A : memref<!tpu.dma_semaphore, #tpu.memory_space<semaphore_mem>>) {add = true}
      %dma_wait3A_72 = arith.constant 0 : i32
      %dma_wait3A_73 = arith.constant 0 : i32
      %dma_wait3A_74 = tpu.memref_slice %arg7[%dma_wait3A_72, %dma_wait3A_73] : memref<128x128xf32, #tpu.memory_space<vmem>> -> memref<16x128xf32, #tpu.memory_space<vmem>>
      %dma_wait3A_75 = arith.constant 0 : i32
      %dma_wait3A_76 = arith.constant 0 : i32
      %dma_wait3A_77 = tpu.memref_slice %arg11[%dma_wait3A_75, %dma_wait3A_76] : memref<10000x128xf32, #tpu.memory_space<vmem_shared>> -> memref<10000x128xf32, #tpu.memory_space<vmem_shared>>
      tpu.wait_indirect_dma semaphore(%run_scoped3A : memref<!tpu.dma_semaphore, #tpu.memory_space<semaphore_mem>>) src(%dma_wait3A_74 : memref<16x128xf32, #tpu.memory_space<vmem>>) dst(%dma_wait3A_77 : memref<10000x128xf32, #tpu.memory_space<vmem_shared>>)
      tpu.yield
    }) : () -> ()
    %barrier3A_53 = arith.constant 0 : index
    tpu.barrier barrier_id(%barrier3A_53)
    %mul3A_54 = arith.constant 624 : i32
    %mul3A_55 = arith.muli %arg1, %mul3A_54 : i32
    %eq3A_56 = arith.constant 0 : i32
    %eq3A_57 = arith.cmpi eq, %arg0, %eq3A_56 : i32
    %convert_element_type3A_58 = arith.extui %eq3A_57 : i1 to i32
    %cond3A_59 = arith.constant 0 : i32
    %cond3A_60 = arith.cmpi ne, %convert_element_type3A_58, %cond3A_59 : i32
    scf.if %cond3A_60 {
      %run_scoped3A = arith.constant 0 : i32
      "tpu.region"() ({
        %run_scoped3A_71 = tpu.sem_alloc : memref<!tpu.dma_semaphore, #tpu.memory_space<semaphore_mem>>
        %dma_start3A_72 = arith.constant 0 : i32
        %dma_start3A_73 = tpu.memref_slice %arg4[%run_scoped3A, %mul3A_55, %dma_start3A_72] : memref<2x10000x128xf32, #tpu.memory_space<hbm>> -> memref<1x624x128xf32, #tpu.memory_space<hbm>>
        %dma_start3A_74 = tpu.memref_squeeze %dma_start3A_73 : memref<1x624x128xf32, #tpu.memory_space<hbm>> -> memref<624x128xf32, #tpu.memory_space<hbm>>
        %dma_start3A_75 = arith.constant 0 : i32
        %dma_start3A_76 = tpu.memref_slice %arg11[%mul3A_55, %dma_start3A_75] : memref<10000x128xf32, #tpu.memory_space<vmem_shared>> -> memref<624x128xf32, #tpu.memory_space<vmem_shared>>
        tpu.enqueue_dma source(%dma_start3A_76 : memref<624x128xf32, #tpu.memory_space<vmem_shared>>) target(%dma_start3A_74 : memref<624x128xf32, #tpu.memory_space<hbm>>) target_semaphore(%run_scoped3A_71 : memref<!tpu.dma_semaphore, #tpu.memory_space<semaphore_mem>>)
        %dma_wait3A_77 = arith.constant 0 : i32
        %dma_wait3A_78 = tpu.memref_slice %arg4[%run_scoped3A, %mul3A_55, %dma_wait3A_77] : memref<2x10000x128xf32, #tpu.memory_space<hbm>> -> memref<1x624x128xf32, #tpu.memory_space<hbm>>
        %dma_wait3A_79 = tpu.memref_squeeze %dma_wait3A_78 : memref<1x624x128xf32, #tpu.memory_space<hbm>> -> memref<624x128xf32, #tpu.memory_space<hbm>>
        %dma_wait3A_80 = arith.constant 0 : i32
        %dma_wait3A_81 = tpu.memref_slice %arg11[%mul3A_55, %dma_wait3A_80] : memref<10000x128xf32, #tpu.memory_space<vmem_shared>> -> memref<624x128xf32, #tpu.memory_space<vmem_shared>>
        tpu.wait_dma2 semaphore(%run_scoped3A_71 : memref<!tpu.dma_semaphore, #tpu.memory_space<semaphore_mem>>) src(%dma_wait3A_81 : memref<624x128xf32, #tpu.memory_space<vmem_shared>>) dst(%dma_wait3A_79 : memref<624x128xf32, #tpu.memory_space<hbm>>)
        tpu.yield
      }) : () -> ()
      %eq3A_66 = arith.constant 15 : i32
      %eq3A_67 = arith.cmpi eq, %arg1, %eq3A_66 : i32
      %convert_element_type3A_68 = arith.extui %eq3A_67 : i1 to i32
      %cond3A_69 = arith.constant 0 : i32
      %cond3A_70 = arith.cmpi ne, %convert_element_type3A_68, %cond3A_69 : i32
      scf.if %cond3A_70 {
        %run_scoped3A_71 = arith.constant 0 : i32
        "tpu.region"() ({
          %run_scoped3A_72 = tpu.sem_alloc : memref<!tpu.dma_semaphore, #tpu.memory_space<semaphore_mem>>
          %dma_start3A_73 = arith.constant 9984 : i32
          %dma_start3A_74 = arith.constant 0 : i32
          %dma_start3A_75 = tpu.memref_slice %arg4[%run_scoped3A_71, %dma_start3A_73, %dma_start3A_74] : memref<2x10000x128xf32, #tpu.memory_space<hbm>> -> memref<1x16x128xf32, #tpu.memory_space<hbm>>
          %dma_start3A_76 = tpu.memref_squeeze %dma_start3A_75 : memref<1x16x128xf32, #tpu.memory_space<hbm>> -> memref<16x128xf32, #tpu.memory_space<hbm>>
          %dma_start3A_77 = arith.constant 9984 : i32
          %dma_start3A_78 = arith.constant 0 : i32
          %dma_start3A_79 = tpu.memref_slice %arg11[%dma_start3A_77, %dma_start3A_78] : memref<10000x128xf32, #tpu.memory_space<vmem_shared>> -> memref<16x128xf32, #tpu.memory_space<vmem_shared>>
          tpu.enqueue_dma source(%dma_start3A_79 : memref<16x128xf32, #tpu.memory_space<vmem_shared>>) target(%dma_start3A_76 : memref<16x128xf32, #tpu.memory_space<hbm>>) target_semaphore(%run_scoped3A_72 : memref<!tpu.dma_semaphore, #tpu.memory_space<semaphore_mem>>)
          %dma_wait3A_80 = arith.constant 9984 : i32
          %dma_wait3A_81 = arith.constant 0 : i32
          %dma_wait3A_82 = tpu.memref_slice %arg4[%run_scoped3A_71, %dma_wait3A_80, %dma_wait3A_81] : memref<2x10000x128xf32, #tpu.memory_space<hbm>> -> memref<1x16x128xf32, #tpu.memory_space<hbm>>
          %dma_wait3A_83 = tpu.memref_squeeze %dma_wait3A_82 : memref<1x16x128xf32, #tpu.memory_space<hbm>> -> memref<16x128xf32, #tpu.memory_space<hbm>>
          %dma_wait3A_84 = arith.constant 9984 : i32
          %dma_wait3A_85 = arith.constant 0 : i32
          %dma_wait3A_86 = tpu.memref_slice %arg11[%dma_wait3A_84, %dma_wait3A_85] : memref<10000x128xf32, #tpu.memory_space<vmem_shared>> -> memref<16x128xf32, #tpu.memory_space<vmem_shared>>
          tpu.wait_dma2 semaphore(%run_scoped3A_72 : memref<!tpu.dma_semaphore, #tpu.memory_space<semaphore_mem>>) src(%dma_wait3A_86 : memref<16x128xf32, #tpu.memory_space<vmem_shared>>) dst(%dma_wait3A_83 : memref<16x128xf32, #tpu.memory_space<hbm>>)
          tpu.yield
        }) : () -> ()
      } else {
      }
    } else {
    }
    %eq3A_61 = arith.constant 1 : i32
    %eq3A_62 = arith.cmpi eq, %arg0, %eq3A_61 : i32
    %convert_element_type3A_63 = arith.extui %eq3A_62 : i1 to i32
    %cond3A_64 = arith.constant 0 : i32
    %cond3A_65 = arith.cmpi ne, %convert_element_type3A_63, %cond3A_64 : i32
    scf.if %cond3A_65 {
      %run_scoped3A = arith.constant 1 : i32
      "tpu.region"() ({
        %run_scoped3A_71 = tpu.sem_alloc : memref<!tpu.dma_semaphore, #tpu.memory_space<semaphore_mem>>
        %dma_start3A_72 = arith.constant 0 : i32
        %dma_start3A_73 = tpu.memref_slice %arg4[%run_scoped3A, %mul3A_55, %dma_start3A_72] : memref<2x10000x128xf32, #tpu.memory_space<hbm>> -> memref<1x624x128xf32, #tpu.memory_space<hbm>>
        %dma_start3A_74 = tpu.memref_squeeze %dma_start3A_73 : memref<1x624x128xf32, #tpu.memory_space<hbm>> -> memref<624x128xf32, #tpu.memory_space<hbm>>
        %dma_start3A_75 = arith.constant 0 : i32
        %dma_start3A_76 = tpu.memref_slice %arg11[%mul3A_55, %dma_start3A_75] : memref<10000x128xf32, #tpu.memory_space<vmem_shared>> -> memref<624x128xf32, #tpu.memory_space<vmem_shared>>
        tpu.enqueue_dma source(%dma_start3A_76 : memref<624x128xf32, #tpu.memory_space<vmem_shared>>) target(%dma_start3A_74 : memref<624x128xf32, #tpu.memory_space<hbm>>) target_semaphore(%run_scoped3A_71 : memref<!tpu.dma_semaphore, #tpu.memory_space<semaphore_mem>>)
        %dma_wait3A_77 = arith.constant 0 : i32
        %dma_wait3A_78 = tpu.memref_slice %arg4[%run_scoped3A, %mul3A_55, %dma_wait3A_77] : memref<2x10000x128xf32, #tpu.memory_space<hbm>> -> memref<1x624x128xf32, #tpu.memory_space<hbm>>
        %dma_wait3A_79 = tpu.memref_squeeze %dma_wait3A_78 : memref<1x624x128xf32, #tpu.memory_space<hbm>> -> memref<624x128xf32, #tpu.memory_space<hbm>>
        %dma_wait3A_80 = arith.constant 0 : i32
        %dma_wait3A_81 = tpu.memref_slice %arg11[%mul3A_55, %dma_wait3A_80] : memref<10000x128xf32, #tpu.memory_space<vmem_shared>> -> memref<624x128xf32, #tpu.memory_space<vmem_shared>>
        tpu.wait_dma2 semaphore(%run_scoped3A_71 : memref<!tpu.dma_semaphore, #tpu.memory_space<semaphore_mem>>) src(%dma_wait3A_81 : memref<624x128xf32, #tpu.memory_space<vmem_shared>>) dst(%dma_wait3A_79 : memref<624x128xf32, #tpu.memory_space<hbm>>)
        tpu.yield
      }) : () -> ()
      %eq3A_66 = arith.constant 15 : i32
      %eq3A_67 = arith.cmpi eq, %arg1, %eq3A_66 : i32
      %convert_element_type3A_68 = arith.extui %eq3A_67 : i1 to i32
      %cond3A_69 = arith.constant 0 : i32
      %cond3A_70 = arith.cmpi ne, %convert_element_type3A_68, %cond3A_69 : i32
      scf.if %cond3A_70 {
        %run_scoped3A_71 = arith.constant 1 : i32
        "tpu.region"() ({
          %run_scoped3A_72 = tpu.sem_alloc : memref<!tpu.dma_semaphore, #tpu.memory_space<semaphore_mem>>
          %dma_start3A_73 = arith.constant 9984 : i32
          %dma_start3A_74 = arith.constant 0 : i32
          %dma_start3A_75 = tpu.memref_slice %arg4[%run_scoped3A_71, %dma_start3A_73, %dma_start3A_74] : memref<2x10000x128xf32, #tpu.memory_space<hbm>> -> memref<1x16x128xf32, #tpu.memory_space<hbm>>
          %dma_start3A_76 = tpu.memref_squeeze %dma_start3A_75 : memref<1x16x128xf32, #tpu.memory_space<hbm>> -> memref<16x128xf32, #tpu.memory_space<hbm>>
          %dma_start3A_77 = arith.constant 9984 : i32
          %dma_start3A_78 = arith.constant 0 : i32
          %dma_start3A_79 = tpu.memref_slice %arg11[%dma_start3A_77, %dma_start3A_78] : memref<10000x128xf32, #tpu.memory_space<vmem_shared>> -> memref<16x128xf32, #tpu.memory_space<vmem_shared>>
          tpu.enqueue_dma source(%dma_start3A_79 : memref<16x128xf32, #tpu.memory_space<vmem_shared>>) target(%dma_start3A_76 : memref<16x128xf32, #tpu.memory_space<hbm>>) target_semaphore(%run_scoped3A_72 : memref<!tpu.dma_semaphore, #tpu.memory_space<semaphore_mem>>)
          %dma_wait3A_80 = arith.constant 9984 : i32
          %dma_wait3A_81 = arith.constant 0 : i32
          %dma_wait3A_82 = tpu.memref_slice %arg4[%run_scoped3A_71, %dma_wait3A_80, %dma_wait3A_81] : memref<2x10000x128xf32, #tpu.memory_space<hbm>> -> memref<1x16x128xf32, #tpu.memory_space<hbm>>
          %dma_wait3A_83 = tpu.memref_squeeze %dma_wait3A_82 : memref<1x16x128xf32, #tpu.memory_space<hbm>> -> memref<16x128xf32, #tpu.memory_space<hbm>>
          %dma_wait3A_84 = arith.constant 9984 : i32
          %dma_wait3A_85 = arith.constant 0 : i32
          %dma_wait3A_86 = tpu.memref_slice %arg11[%dma_wait3A_84, %dma_wait3A_85] : memref<10000x128xf32, #tpu.memory_space<vmem_shared>> -> memref<16x128xf32, #tpu.memory_space<vmem_shared>>
          tpu.wait_dma2 semaphore(%run_scoped3A_72 : memref<!tpu.dma_semaphore, #tpu.memory_space<semaphore_mem>>) src(%dma_wait3A_86 : memref<16x128xf32, #tpu.memory_space<vmem_shared>>) dst(%dma_wait3A_83 : memref<16x128xf32, #tpu.memory_space<hbm>>)
          tpu.yield
        }) : () -> ()
      } else {
      }
    } else {
    }
    return
  }
}

module attributes {stable_mosaic.version = 14 : i64} {
  func.func @_contrib_body(%arg0: i32, %arg1: memref<1x1x2000xf32, #tpu.memory_space<vmem>>, %arg2: memref<1x1x32xf32, #tpu.memory_space<vmem>>, %arg3: memref<1x1x32xf32, #tpu.memory_space<vmem>>, %arg4: memref<2000x128xf32, #tpu.memory_space<vmem>>, %arg5: memref<128x2560xbf16, #tpu.memory_space<vmem>>, %arg6: memref<2000x128xf32, #tpu.memory_space<vmem>>) attributes {dimension_semantics = [#tpu.dimension_semantics<arbitrary>], iteration_bounds = array<i64: 160>, scalar_prefetch = 0 : i64, scratch_operands = 0 : i64, tpu.core_type = #tpu.core_type<tc>, window_params = [{transform_indices = @transform_0, window_bounds = array<i64: 1, 1, 2000>}, {pipeline_mode = #tpu.pipeline_mode<synchronous>, transform_indices = @transform_1, window_bounds = array<i64: 1, 1, 32>}, {pipeline_mode = #tpu.pipeline_mode<synchronous>, transform_indices = @transform_2, window_bounds = array<i64: 1, 1, 32>}, {transform_indices = @transform_3, window_bounds = array<i64: 2000, 128>}, {pipeline_mode = #tpu.pipeline_mode<synchronous>, transform_indices = @transform_4, window_bounds = array<i64: 128, 2560>}, {transform_indices = @transform_5, window_bounds = array<i64: 2000, 128>}]} {
    %get3A = arith.constant 0 : index
    %get3A_0 = arith.constant 0 : index
    %get3A_1 = arith.constant 0 : index
    %get3A_2 = vector.load %arg1[%get3A, %get3A_0, %get3A_1] : memref<1x1x2000xf32, #tpu.memory_space<vmem>>, vector<1x1x2000xf32>
    %get3A_3 = vector.shape_cast %get3A_2 : vector<1x1x2000xf32> to vector<2000xf32>
    %broadcast_in_dim3A = vector.shape_cast %get3A_3 : vector<2000xf32> to vector<2000x1xf32>
    %div3A = arith.constant 1.000000e+00 : f32
    %div3A_4 = vector.broadcast %div3A : f32 to vector<2000x1xf32>
    %div3A_5 = arith.divf %div3A_4, %broadcast_in_dim3A : vector<2000x1xf32>
    %get3A_6 = arith.constant 0 : index
    %get3A_7 = arith.constant 0 : index
    %get3A_8 = arith.constant 0 : index
    %get3A_9 = vector.load %arg2[%get3A_6, %get3A_7, %get3A_8] : memref<1x1x32xf32, #tpu.memory_space<vmem>>, vector<1x1x32xf32>
    %get3A_10 = vector.shape_cast %get3A_9 : vector<1x1x32xf32> to vector<1x32xf32>
    %get3A_11 = arith.constant 0 : index
    %get3A_12 = arith.constant 0 : index
    %get3A_13 = arith.constant 0 : index
    %get3A_14 = vector.load %arg3[%get3A_11, %get3A_12, %get3A_13] : memref<1x1x32xf32, #tpu.memory_space<vmem>>, vector<1x1x32xf32>
    %get3A_15 = vector.shape_cast %get3A_14 : vector<1x1x32xf32> to vector<1x32xf32>
    %sub3A = vector.broadcast %div3A_5 : vector<2000x1xf32> to vector<2000x32xf32>
    %sub3A_16 = vector.broadcast %get3A_10 : vector<1x32xf32> to vector<2000x32xf32>
    %sub3A_17 = arith.subf %sub3A, %sub3A_16 : vector<2000x32xf32>
    %integer_pow3A = arith.mulf %sub3A_17, %sub3A_17 : vector<2000x32xf32>
    %neg3A = arith.constant 0.000000e+00 : f32
    %neg3A_18 = vector.broadcast %neg3A : f32 to vector<2000x32xf32>
    %neg3A_19 = arith.subf %neg3A_18, %integer_pow3A : vector<2000x32xf32>
    %mul3A = arith.constant 2.000000e+00 : f32
    %mul3A_20 = vector.broadcast %mul3A : f32 to vector<1x32xf32>
    %mul3A_21 = arith.mulf %mul3A_20, %get3A_15 : vector<1x32xf32>
    %mul3A_22 = arith.mulf %mul3A_21, %get3A_15 : vector<1x32xf32>
    %div3A_23 = vector.broadcast %mul3A_22 : vector<1x32xf32> to vector<2000x32xf32>
    %div3A_24 = arith.divf %neg3A_19, %div3A_23 : vector<2000x32xf32>
    %exp3A = math.exp %div3A_24 : vector<2000x32xf32>
    %mul3A_25 = arith.constant 0.483321935 : f32
    %mul3A_26 = vector.broadcast %mul3A_25 : f32 to vector<2000x1xf32>
    %mul3A_27 = arith.mulf %broadcast_in_dim3A, %mul3A_26 : vector<2000x1xf32>
    %cos3A = math.cos %mul3A_27 : vector<2000x1xf32>
    %add3A = arith.constant 1.000000e+00 : f32
    %add3A_28 = vector.broadcast %add3A : f32 to vector<2000x1xf32>
    %add3A_29 = arith.addf %cos3A, %add3A_28 : vector<2000x1xf32>
    %mul3A_30 = arith.constant 5.000000e-01 : f32
    %mul3A_31 = vector.broadcast %mul3A_30 : f32 to vector<2000x1xf32>
    %mul3A_32 = arith.mulf %mul3A_31, %add3A_29 : vector<2000x1xf32>
    %le3A = arith.constant 6.500000e+00 : f32
    %le3A_33 = vector.broadcast %le3A : f32 to vector<2000x1xf32>
    %le3A_34 = arith.cmpf ole, %broadcast_in_dim3A, %le3A_33 : vector<2000x1xf32>
    %jit3A = arith.constant 0.000000e+00 : f32
    %broadcast_in_dim3A_35 = vector.broadcast %jit3A : f32 to vector<2000x1xf32>
    %select_n3A = arith.select %le3A_34, %mul3A_32, %broadcast_in_dim3A_35 : vector<2000x1xi1>, vector<2000x1xf32>
    %mul3A_36 = vector.broadcast %select_n3A : vector<2000x1xf32> to vector<2000x32xf32>
    %mul3A_37 = arith.mulf %exp3A, %mul3A_36 : vector<2000x32xf32>
    %get3A_38 = arith.constant 0 : index
    %get3A_39 = arith.constant 0 : index
    %get3A_40 = vector.load %arg4[%get3A_38, %get3A_39] : memref<2000x128xf32, #tpu.memory_space<vmem>>, vector<2000x128xf32>
    %convert_element_type3A = arith.truncf %get3A_40 : vector<2000x128xf32> to vector<2000x128xbf16>
    %get3A_41 = arith.constant 0 : index
    %get3A_42 = arith.constant 0 : index
    %get3A_43 = vector.load %arg5[%get3A_41, %get3A_42] : memref<128x2560xbf16, #tpu.memory_space<vmem>>, vector<128x2560xbf16>
    %dot_general3A = arith.constant dense<0.000000e+00> : vector<2000x2560xf32>
    %dot_general3A_44 = tpu.matmul %convert_element_type3A, %get3A_43, %dot_general3A {dimension_numbers = #tpu.dot_dimension_numbers<[1], [0], [0], [1], [0, 0, 1, 1], [], []>, transpose_lhs_hint = false} : vector<2000x128xbf16>, vector<128x2560xbf16>, vector<2000x2560xf32> -> vector<2000x2560xf32>
    %slice3A = vector.extract_strided_slice %mul3A_37 {offsets = [0, 0], sizes = [2000, 1], strides = [1, 1]} : vector<2000x32xf32> to vector<2000x1xf32>
    %slice3A_45 = vector.extract_strided_slice %dot_general3A_44 {offsets = [0, 0], sizes = [2000, 128], strides = [1, 1]} : vector<2000x2560xf32> to vector<2000x128xf32>
    %mul3A_46 = vector.broadcast %slice3A : vector<2000x1xf32> to vector<2000x128xf32>
    %mul3A_47 = arith.mulf %mul3A_46, %slice3A_45 : vector<2000x128xf32>
    %slice3A_48 = vector.extract_strided_slice %mul3A_37 {offsets = [0, 1], sizes = [2000, 1], strides = [1, 1]} : vector<2000x32xf32> to vector<2000x1xf32>
    %slice3A_49 = vector.extract_strided_slice %dot_general3A_44 {offsets = [0, 128], sizes = [2000, 128], strides = [1, 1]} : vector<2000x2560xf32> to vector<2000x128xf32>
    %mul3A_50 = vector.broadcast %slice3A_48 : vector<2000x1xf32> to vector<2000x128xf32>
    %mul3A_51 = arith.mulf %mul3A_50, %slice3A_49 : vector<2000x128xf32>
    %add3A_52 = arith.addf %mul3A_47, %mul3A_51 : vector<2000x128xf32>
    %slice3A_53 = vector.extract_strided_slice %mul3A_37 {offsets = [0, 2], sizes = [2000, 1], strides = [1, 1]} : vector<2000x32xf32> to vector<2000x1xf32>
    %slice3A_54 = vector.extract_strided_slice %dot_general3A_44 {offsets = [0, 256], sizes = [2000, 128], strides = [1, 1]} : vector<2000x2560xf32> to vector<2000x128xf32>
    %mul3A_55 = vector.broadcast %slice3A_53 : vector<2000x1xf32> to vector<2000x128xf32>
    %mul3A_56 = arith.mulf %mul3A_55, %slice3A_54 : vector<2000x128xf32>
    %add3A_57 = arith.addf %add3A_52, %mul3A_56 : vector<2000x128xf32>
    %slice3A_58 = vector.extract_strided_slice %mul3A_37 {offsets = [0, 3], sizes = [2000, 1], strides = [1, 1]} : vector<2000x32xf32> to vector<2000x1xf32>
    %slice3A_59 = vector.extract_strided_slice %dot_general3A_44 {offsets = [0, 384], sizes = [2000, 128], strides = [1, 1]} : vector<2000x2560xf32> to vector<2000x128xf32>
    %mul3A_60 = vector.broadcast %slice3A_58 : vector<2000x1xf32> to vector<2000x128xf32>
    %mul3A_61 = arith.mulf %mul3A_60, %slice3A_59 : vector<2000x128xf32>
    %add3A_62 = arith.addf %add3A_57, %mul3A_61 : vector<2000x128xf32>
    %slice3A_63 = vector.extract_strided_slice %mul3A_37 {offsets = [0, 4], sizes = [2000, 1], strides = [1, 1]} : vector<2000x32xf32> to vector<2000x1xf32>
    %slice3A_64 = vector.extract_strided_slice %dot_general3A_44 {offsets = [0, 512], sizes = [2000, 128], strides = [1, 1]} : vector<2000x2560xf32> to vector<2000x128xf32>
    %mul3A_65 = vector.broadcast %slice3A_63 : vector<2000x1xf32> to vector<2000x128xf32>
    %mul3A_66 = arith.mulf %mul3A_65, %slice3A_64 : vector<2000x128xf32>
    %add3A_67 = arith.addf %add3A_62, %mul3A_66 : vector<2000x128xf32>
    %slice3A_68 = vector.extract_strided_slice %mul3A_37 {offsets = [0, 5], sizes = [2000, 1], strides = [1, 1]} : vector<2000x32xf32> to vector<2000x1xf32>
    %slice3A_69 = vector.extract_strided_slice %dot_general3A_44 {offsets = [0, 640], sizes = [2000, 128], strides = [1, 1]} : vector<2000x2560xf32> to vector<2000x128xf32>
    %mul3A_70 = vector.broadcast %slice3A_68 : vector<2000x1xf32> to vector<2000x128xf32>
    %mul3A_71 = arith.mulf %mul3A_70, %slice3A_69 : vector<2000x128xf32>
    %add3A_72 = arith.addf %add3A_67, %mul3A_71 : vector<2000x128xf32>
    %slice3A_73 = vector.extract_strided_slice %mul3A_37 {offsets = [0, 6], sizes = [2000, 1], strides = [1, 1]} : vector<2000x32xf32> to vector<2000x1xf32>
    %slice3A_74 = vector.extract_strided_slice %dot_general3A_44 {offsets = [0, 768], sizes = [2000, 128], strides = [1, 1]} : vector<2000x2560xf32> to vector<2000x128xf32>
    %mul3A_75 = vector.broadcast %slice3A_73 : vector<2000x1xf32> to vector<2000x128xf32>
    %mul3A_76 = arith.mulf %mul3A_75, %slice3A_74 : vector<2000x128xf32>
    %add3A_77 = arith.addf %add3A_72, %mul3A_76 : vector<2000x128xf32>
    %slice3A_78 = vector.extract_strided_slice %mul3A_37 {offsets = [0, 7], sizes = [2000, 1], strides = [1, 1]} : vector<2000x32xf32> to vector<2000x1xf32>
    %slice3A_79 = vector.extract_strided_slice %dot_general3A_44 {offsets = [0, 896], sizes = [2000, 128], strides = [1, 1]} : vector<2000x2560xf32> to vector<2000x128xf32>
    %mul3A_80 = vector.broadcast %slice3A_78 : vector<2000x1xf32> to vector<2000x128xf32>
    %mul3A_81 = arith.mulf %mul3A_80, %slice3A_79 : vector<2000x128xf32>
    %add3A_82 = arith.addf %add3A_77, %mul3A_81 : vector<2000x128xf32>
    %slice3A_83 = vector.extract_strided_slice %mul3A_37 {offsets = [0, 8], sizes = [2000, 1], strides = [1, 1]} : vector<2000x32xf32> to vector<2000x1xf32>
    %slice3A_84 = vector.extract_strided_slice %dot_general3A_44 {offsets = [0, 1024], sizes = [2000, 128], strides = [1, 1]} : vector<2000x2560xf32> to vector<2000x128xf32>
    %mul3A_85 = vector.broadcast %slice3A_83 : vector<2000x1xf32> to vector<2000x128xf32>
    %mul3A_86 = arith.mulf %mul3A_85, %slice3A_84 : vector<2000x128xf32>
    %add3A_87 = arith.addf %add3A_82, %mul3A_86 : vector<2000x128xf32>
    %slice3A_88 = vector.extract_strided_slice %mul3A_37 {offsets = [0, 9], sizes = [2000, 1], strides = [1, 1]} : vector<2000x32xf32> to vector<2000x1xf32>
    %slice3A_89 = vector.extract_strided_slice %dot_general3A_44 {offsets = [0, 1152], sizes = [2000, 128], strides = [1, 1]} : vector<2000x2560xf32> to vector<2000x128xf32>
    %mul3A_90 = vector.broadcast %slice3A_88 : vector<2000x1xf32> to vector<2000x128xf32>
    %mul3A_91 = arith.mulf %mul3A_90, %slice3A_89 : vector<2000x128xf32>
    %add3A_92 = arith.addf %add3A_87, %mul3A_91 : vector<2000x128xf32>
    %slice3A_93 = vector.extract_strided_slice %mul3A_37 {offsets = [0, 10], sizes = [2000, 1], strides = [1, 1]} : vector<2000x32xf32> to vector<2000x1xf32>
    %slice3A_94 = vector.extract_strided_slice %dot_general3A_44 {offsets = [0, 1280], sizes = [2000, 128], strides = [1, 1]} : vector<2000x2560xf32> to vector<2000x128xf32>
    %mul3A_95 = vector.broadcast %slice3A_93 : vector<2000x1xf32> to vector<2000x128xf32>
    %mul3A_96 = arith.mulf %mul3A_95, %slice3A_94 : vector<2000x128xf32>
    %add3A_97 = arith.addf %add3A_92, %mul3A_96 : vector<2000x128xf32>
    %slice3A_98 = vector.extract_strided_slice %mul3A_37 {offsets = [0, 11], sizes = [2000, 1], strides = [1, 1]} : vector<2000x32xf32> to vector<2000x1xf32>
    %slice3A_99 = vector.extract_strided_slice %dot_general3A_44 {offsets = [0, 1408], sizes = [2000, 128], strides = [1, 1]} : vector<2000x2560xf32> to vector<2000x128xf32>
    %mul3A_100 = vector.broadcast %slice3A_98 : vector<2000x1xf32> to vector<2000x128xf32>
    %mul3A_101 = arith.mulf %mul3A_100, %slice3A_99 : vector<2000x128xf32>
    %add3A_102 = arith.addf %add3A_97, %mul3A_101 : vector<2000x128xf32>
    %slice3A_103 = vector.extract_strided_slice %mul3A_37 {offsets = [0, 12], sizes = [2000, 1], strides = [1, 1]} : vector<2000x32xf32> to vector<2000x1xf32>
    %slice3A_104 = vector.extract_strided_slice %dot_general3A_44 {offsets = [0, 1536], sizes = [2000, 128], strides = [1, 1]} : vector<2000x2560xf32> to vector<2000x128xf32>
    %mul3A_105 = vector.broadcast %slice3A_103 : vector<2000x1xf32> to vector<2000x128xf32>
    %mul3A_106 = arith.mulf %mul3A_105, %slice3A_104 : vector<2000x128xf32>
    %add3A_107 = arith.addf %add3A_102, %mul3A_106 : vector<2000x128xf32>
    %slice3A_108 = vector.extract_strided_slice %mul3A_37 {offsets = [0, 13], sizes = [2000, 1], strides = [1, 1]} : vector<2000x32xf32> to vector<2000x1xf32>
    %slice3A_109 = vector.extract_strided_slice %dot_general3A_44 {offsets = [0, 1664], sizes = [2000, 128], strides = [1, 1]} : vector<2000x2560xf32> to vector<2000x128xf32>
    %mul3A_110 = vector.broadcast %slice3A_108 : vector<2000x1xf32> to vector<2000x128xf32>
    %mul3A_111 = arith.mulf %mul3A_110, %slice3A_109 : vector<2000x128xf32>
    %add3A_112 = arith.addf %add3A_107, %mul3A_111 : vector<2000x128xf32>
    %slice3A_113 = vector.extract_strided_slice %mul3A_37 {offsets = [0, 14], sizes = [2000, 1], strides = [1, 1]} : vector<2000x32xf32> to vector<2000x1xf32>
    %slice3A_114 = vector.extract_strided_slice %dot_general3A_44 {offsets = [0, 1792], sizes = [2000, 128], strides = [1, 1]} : vector<2000x2560xf32> to vector<2000x128xf32>
    %mul3A_115 = vector.broadcast %slice3A_113 : vector<2000x1xf32> to vector<2000x128xf32>
    %mul3A_116 = arith.mulf %mul3A_115, %slice3A_114 : vector<2000x128xf32>
    %add3A_117 = arith.addf %add3A_112, %mul3A_116 : vector<2000x128xf32>
    %slice3A_118 = vector.extract_strided_slice %mul3A_37 {offsets = [0, 15], sizes = [2000, 1], strides = [1, 1]} : vector<2000x32xf32> to vector<2000x1xf32>
    %slice3A_119 = vector.extract_strided_slice %dot_general3A_44 {offsets = [0, 1920], sizes = [2000, 128], strides = [1, 1]} : vector<2000x2560xf32> to vector<2000x128xf32>
    %mul3A_120 = vector.broadcast %slice3A_118 : vector<2000x1xf32> to vector<2000x128xf32>
    %mul3A_121 = arith.mulf %mul3A_120, %slice3A_119 : vector<2000x128xf32>
    %add3A_122 = arith.addf %add3A_117, %mul3A_121 : vector<2000x128xf32>
    %slice3A_123 = vector.extract_strided_slice %mul3A_37 {offsets = [0, 16], sizes = [2000, 1], strides = [1, 1]} : vector<2000x32xf32> to vector<2000x1xf32>
    %slice3A_124 = vector.extract_strided_slice %dot_general3A_44 {offsets = [0, 2048], sizes = [2000, 128], strides = [1, 1]} : vector<2000x2560xf32> to vector<2000x128xf32>
    %mul3A_125 = vector.broadcast %slice3A_123 : vector<2000x1xf32> to vector<2000x128xf32>
    %mul3A_126 = arith.mulf %mul3A_125, %slice3A_124 : vector<2000x128xf32>
    %add3A_127 = arith.addf %add3A_122, %mul3A_126 : vector<2000x128xf32>
    %slice3A_128 = vector.extract_strided_slice %mul3A_37 {offsets = [0, 17], sizes = [2000, 1], strides = [1, 1]} : vector<2000x32xf32> to vector<2000x1xf32>
    %slice3A_129 = vector.extract_strided_slice %dot_general3A_44 {offsets = [0, 2176], sizes = [2000, 128], strides = [1, 1]} : vector<2000x2560xf32> to vector<2000x128xf32>
    %mul3A_130 = vector.broadcast %slice3A_128 : vector<2000x1xf32> to vector<2000x128xf32>
    %mul3A_131 = arith.mulf %mul3A_130, %slice3A_129 : vector<2000x128xf32>
    %add3A_132 = arith.addf %add3A_127, %mul3A_131 : vector<2000x128xf32>
    %slice3A_133 = vector.extract_strided_slice %mul3A_37 {offsets = [0, 18], sizes = [2000, 1], strides = [1, 1]} : vector<2000x32xf32> to vector<2000x1xf32>
    %slice3A_134 = vector.extract_strided_slice %dot_general3A_44 {offsets = [0, 2304], sizes = [2000, 128], strides = [1, 1]} : vector<2000x2560xf32> to vector<2000x128xf32>
    %mul3A_135 = vector.broadcast %slice3A_133 : vector<2000x1xf32> to vector<2000x128xf32>
    %mul3A_136 = arith.mulf %mul3A_135, %slice3A_134 : vector<2000x128xf32>
    %add3A_137 = arith.addf %add3A_132, %mul3A_136 : vector<2000x128xf32>
    %slice3A_138 = vector.extract_strided_slice %mul3A_37 {offsets = [0, 19], sizes = [2000, 1], strides = [1, 1]} : vector<2000x32xf32> to vector<2000x1xf32>
    %slice3A_139 = vector.extract_strided_slice %dot_general3A_44 {offsets = [0, 2432], sizes = [2000, 128], strides = [1, 1]} : vector<2000x2560xf32> to vector<2000x128xf32>
    %mul3A_140 = vector.broadcast %slice3A_138 : vector<2000x1xf32> to vector<2000x128xf32>
    %mul3A_141 = arith.mulf %mul3A_140, %slice3A_139 : vector<2000x128xf32>
    %add3A_142 = arith.addf %add3A_137, %mul3A_141 : vector<2000x128xf32>
    %swap3A = arith.constant 0 : index
    %swap3A_143 = arith.constant 0 : index
    %swap3A_144 = vector.load %arg6[%swap3A, %swap3A_143] : memref<2000x128xf32, #tpu.memory_space<vmem>>, vector<2000x128xf32>
    tpu.vector_store %arg6[%swap3A, %swap3A_143], %add3A_142 {strides = array<i32>} : memref<2000x128xf32, #tpu.memory_space<vmem>>, vector<2000x128xf32>,
    return
  }
  func.func @transform_0(%arg0: i32) -> (i32, i32, i32) {
    %c0_i32 = arith.constant 0 : i32
    %c0_i32_0 = arith.constant 0 : i32
    %c0_i32_1 = arith.constant 0 : i32
    return %arg0, %c0_i32, %c0_i32_0 : i32, i32, i32
  }
  func.func @transform_1(%arg0: i32) -> (i32, i32, i32) {
    %c0_i32 = arith.constant 0 : i32
    %c0_i32_0 = arith.constant 0 : i32
    %c0_i32_1 = arith.constant 0 : i32
    %c0_i32_2 = arith.constant 0 : i32
    return %c0_i32, %c0_i32_0, %c0_i32_1 : i32, i32, i32
  }
  func.func @transform_2(%arg0: i32) -> (i32, i32, i32) {
    %c0_i32 = arith.constant 0 : i32
    %c0_i32_0 = arith.constant 0 : i32
    %c0_i32_1 = arith.constant 0 : i32
    %c0_i32_2 = arith.constant 0 : i32
    return %c0_i32, %c0_i32_0, %c0_i32_1 : i32, i32, i32
  }
  func.func @transform_3(%arg0: i32) -> (i32, i32) {
    %c0_i32 = arith.constant 0 : i32
    %c0_i32_0 = arith.constant 0 : i32
    return %arg0, %c0_i32 : i32, i32
  }
  func.func @transform_4(%arg0: i32) -> (i32, i32) {
    %c0_i32 = arith.constant 0 : i32
    %c0_i32_0 = arith.constant 0 : i32
    %c0_i32_1 = arith.constant 0 : i32
    return %c0_i32, %c0_i32_0 : i32, i32
  }
  func.func @transform_5(%arg0: i32) -> (i32, i32) {
    %c0_i32 = arith.constant 0 : i32
    %c0_i32_0 = arith.constant 0 : i32
    return %arg0, %c0_i32 : i32, i32
  }
}

module attributes {stable_mosaic.version = 14 : i64} {
  func.func @_dense_body(%arg0: i32, %arg1: memref<2x1000x128xf32, #tpu.memory_space<vmem>>, %arg2: memref<1000x128xf32, #tpu.memory_space<vmem>>, %arg3: memref<128x128xf32, #tpu.memory_space<vmem>>, %arg4: memref<1x128xf32, #tpu.memory_space<vmem>>, %arg5: memref<128x128xf32, #tpu.memory_space<vmem>>, %arg6: memref<1x128xf32, #tpu.memory_space<vmem>>, %arg7: memref<3x128x128xf32, #tpu.memory_space<vmem>>, %arg8: memref<3x1x128xf32, #tpu.memory_space<vmem>>, %arg9: memref<3x128x128xf32, #tpu.memory_space<vmem>>, %arg10: memref<3x1x128xf32, #tpu.memory_space<vmem>>, %arg11: memref<1000x128xf32, #tpu.memory_space<vmem>>) attributes {dimension_semantics = [#tpu.dimension_semantics<arbitrary>], iteration_bounds = array<i64: 10>, scalar_prefetch = 0 : i64, scratch_operands = 0 : i64, tpu.core_type = #tpu.core_type<tc>, window_params = [{transform_indices = @transform_0, window_bounds = array<i64: 2, 1000, 128>}, {transform_indices = @transform_1, window_bounds = array<i64: 1000, 128>}, {pipeline_mode = #tpu.pipeline_mode<synchronous>, transform_indices = @transform_2, window_bounds = array<i64: 128, 128>}, {pipeline_mode = #tpu.pipeline_mode<synchronous>, transform_indices = @transform_3, window_bounds = array<i64: 1, 128>}, {pipeline_mode = #tpu.pipeline_mode<synchronous>, transform_indices = @transform_4, window_bounds = array<i64: 128, 128>}, {pipeline_mode = #tpu.pipeline_mode<synchronous>, transform_indices = @transform_5, window_bounds = array<i64: 1, 128>}, {pipeline_mode = #tpu.pipeline_mode<synchronous>, transform_indices = @transform_6, window_bounds = array<i64: 3, 128, 128>}, {pipeline_mode = #tpu.pipeline_mode<synchronous>, transform_indices = @transform_7, window_bounds = array<i64: 3, 1, 128>}, {pipeline_mode = #tpu.pipeline_mode<synchronous>, transform_indices = @transform_8, window_bounds = array<i64: 3, 128, 128>}, {pipeline_mode = #tpu.pipeline_mode<synchronous>, transform_indices = @transform_9, window_bounds = array<i64: 3, 1, 128>}, {transform_indices = @transform_10, window_bounds = array<i64: 1000, 128>}]} {
    %get3A = arith.constant 0 : index
    %get3A_0 = arith.constant 0 : index
    %get3A_1 = vector.load %arg2[%get3A, %get3A_0] : memref<1000x128xf32, #tpu.memory_space<vmem>>, vector<1000x128xf32>
    %get3A_2 = arith.constant 0 : index
    %get3A_3 = arith.constant 0 : index
    %get3A_4 = arith.constant 0 : index
    %get3A_5 = vector.load %arg1[%get3A_2, %get3A_3, %get3A_4] : memref<2x1000x128xf32, #tpu.memory_space<vmem>>, vector<1x1000x128xf32>
    %get3A_6 = vector.shape_cast %get3A_5 : vector<1x1000x128xf32> to vector<1000x128xf32>
    %get3A_7 = arith.constant 1 : index
    %get3A_8 = arith.constant 0 : index
    %get3A_9 = arith.constant 0 : index
    %get3A_10 = vector.load %arg1[%get3A_7, %get3A_8, %get3A_9] : memref<2x1000x128xf32, #tpu.memory_space<vmem>>, vector<1x1000x128xf32>
    %get3A_11 = vector.shape_cast %get3A_10 : vector<1x1000x128xf32> to vector<1000x128xf32>
    %add3A = arith.addf %get3A_6, %get3A_11 : vector<1000x128xf32>
    %get3A_12 = arith.constant 0 : index
    %get3A_13 = arith.constant 0 : index
    %get3A_14 = vector.load %arg3[%get3A_12, %get3A_13] : memref<128x128xf32, #tpu.memory_space<vmem>>, vector<128x128xf32>
    %dot_general3A = arith.constant dense<0.000000e+00> : vector<1000x128xf32>
    %dot_general3A_15 = tpu.matmul %get3A_1, %get3A_14, %dot_general3A {dimension_numbers = #tpu.dot_dimension_numbers<[1], [0], [0], [1], [0, 0, 1, 1], [], []>, transpose_lhs_hint = false} : vector<1000x128xf32>, vector<128x128xf32>, vector<1000x128xf32> -> vector<1000x128xf32>
    %add3A_16 = arith.addf %add3A, %dot_general3A_15 : vector<1000x128xf32>
    %get3A_17 = arith.constant 0 : index
    %get3A_18 = arith.constant 0 : index
    %get3A_19 = vector.load %arg4[%get3A_17, %get3A_18] : memref<1x128xf32, #tpu.memory_space<vmem>>, vector<1x128xf32>
    %add3A_20 = vector.broadcast %get3A_19 : vector<1x128xf32> to vector<1000x128xf32>
    %add3A_21 = arith.addf %add3A_16, %add3A_20 : vector<1000x128xf32>
    %max3A = arith.constant 0.000000e+00 : f32
    %max3A_22 = vector.broadcast %max3A : f32 to vector<1000x128xf32>
    %max3A_23 = arith.maximumf %add3A_21, %max3A_22 : vector<1000x128xf32>
    %abs3A = math.absf %add3A_21 : vector<1000x128xf32>
    %neg3A = arith.constant 0.000000e+00 : f32
    %neg3A_24 = vector.broadcast %neg3A : f32 to vector<1000x128xf32>
    %neg3A_25 = arith.subf %neg3A_24, %abs3A : vector<1000x128xf32>
    %exp3A = math.exp %neg3A_25 : vector<1000x128xf32>
    %log1p3A = math.log1p %exp3A : vector<1000x128xf32>
    %add3A_26 = arith.addf %max3A_23, %log1p3A : vector<1000x128xf32>
    %get3A_27 = arith.constant 0 : index
    %get3A_28 = arith.constant 0 : index
    %get3A_29 = vector.load %arg5[%get3A_27, %get3A_28] : memref<128x128xf32, #tpu.memory_space<vmem>>, vector<128x128xf32>
    %dot_general3A_30 = arith.constant dense<0.000000e+00> : vector<1000x128xf32>
    %dot_general3A_31 = tpu.matmul %add3A_26, %get3A_29, %dot_general3A_30 {dimension_numbers = #tpu.dot_dimension_numbers<[1], [0], [0], [1], [0, 0, 1, 1], [], []>, transpose_lhs_hint = false} : vector<1000x128xf32>, vector<128x128xf32>, vector<1000x128xf32> -> vector<1000x128xf32>
    %get3A_32 = arith.constant 0 : index
    %get3A_33 = arith.constant 0 : index
    %get3A_34 = vector.load %arg6[%get3A_32, %get3A_33] : memref<1x128xf32, #tpu.memory_space<vmem>>, vector<1x128xf32>
    %add3A_35 = vector.broadcast %get3A_34 : vector<1x128xf32> to vector<1000x128xf32>
    %add3A_36 = arith.addf %dot_general3A_31, %add3A_35 : vector<1000x128xf32>
    %add3A_37 = arith.addf %add3A_36, %get3A_1 : vector<1000x128xf32>
    %get3A_38 = arith.constant 0 : index
    %get3A_39 = arith.constant 0 : index
    %get3A_40 = arith.constant 0 : index
    %get3A_41 = vector.load %arg7[%get3A_38, %get3A_39, %get3A_40] : memref<3x128x128xf32, #tpu.memory_space<vmem>>, vector<1x128x128xf32>
    %get3A_42 = vector.shape_cast %get3A_41 : vector<1x128x128xf32> to vector<128x128xf32>
    %dot_general3A_43 = arith.constant dense<0.000000e+00> : vector<1000x128xf32>
    %dot_general3A_44 = tpu.matmul %add3A_37, %get3A_42, %dot_general3A_43 {dimension_numbers = #tpu.dot_dimension_numbers<[1], [0], [0], [1], [0, 0, 1, 1], [], []>, transpose_lhs_hint = false} : vector<1000x128xf32>, vector<128x128xf32>, vector<1000x128xf32> -> vector<1000x128xf32>
    %get3A_45 = arith.constant 0 : index
    %get3A_46 = arith.constant 0 : index
    %get3A_47 = arith.constant 0 : index
    %get3A_48 = vector.load %arg8[%get3A_45, %get3A_46, %get3A_47] : memref<3x1x128xf32, #tpu.memory_space<vmem>>, vector<1x1x128xf32>
    %get3A_49 = vector.shape_cast %get3A_48 : vector<1x1x128xf32> to vector<1x128xf32>
    %add3A_50 = vector.broadcast %get3A_49 : vector<1x128xf32> to vector<1000x128xf32>
    %add3A_51 = arith.addf %dot_general3A_44, %add3A_50 : vector<1000x128xf32>
    %max3A_52 = arith.constant 0.000000e+00 : f32
    %max3A_53 = vector.broadcast %max3A_52 : f32 to vector<1000x128xf32>
    %max3A_54 = arith.maximumf %add3A_51, %max3A_53 : vector<1000x128xf32>
    %abs3A_55 = math.absf %add3A_51 : vector<1000x128xf32>
    %neg3A_56 = arith.constant 0.000000e+00 : f32
    %neg3A_57 = vector.broadcast %neg3A_56 : f32 to vector<1000x128xf32>
    %neg3A_58 = arith.subf %neg3A_57, %abs3A_55 : vector<1000x128xf32>
    %exp3A_59 = math.exp %neg3A_58 : vector<1000x128xf32>
    %log1p3A_60 = math.log1p %exp3A_59 : vector<1000x128xf32>
    %add3A_61 = arith.addf %max3A_54, %log1p3A_60 : vector<1000x128xf32>
    %get3A_62 = arith.constant 0 : index
    %get3A_63 = arith.constant 0 : index
    %get3A_64 = arith.constant 0 : index
    %get3A_65 = vector.load %arg9[%get3A_62, %get3A_63, %get3A_64] : memref<3x128x128xf32, #tpu.memory_space<vmem>>, vector<1x128x128xf32>
    %get3A_66 = vector.shape_cast %get3A_65 : vector<1x128x128xf32> to vector<128x128xf32>
    %dot_general3A_67 = arith.constant dense<0.000000e+00> : vector<1000x128xf32>
    %dot_general3A_68 = tpu.matmul %add3A_61, %get3A_66, %dot_general3A_67 {dimension_numbers = #tpu.dot_dimension_numbers<[1], [0], [0], [1], [0, 0, 1, 1], [], []>, transpose_lhs_hint = false} : vector<1000x128xf32>, vector<128x128xf32>, vector<1000x128xf32> -> vector<1000x128xf32>
    %get3A_69 = arith.constant 0 : index
    %get3A_70 = arith.constant 0 : index
    %get3A_71 = arith.constant 0 : index
    %get3A_72 = vector.load %arg10[%get3A_69, %get3A_70, %get3A_71] : memref<3x1x128xf32, #tpu.memory_space<vmem>>, vector<1x1x128xf32>
    %get3A_73 = vector.shape_cast %get3A_72 : vector<1x1x128xf32> to vector<1x128xf32>
    %add3A_74 = vector.broadcast %get3A_73 : vector<1x128xf32> to vector<1000x128xf32>
    %add3A_75 = arith.addf %dot_general3A_68, %add3A_74 : vector<1000x128xf32>
    %add3A_76 = arith.addf %add3A_75, %add3A_37 : vector<1000x128xf32>
    %get3A_77 = arith.constant 1 : index
    %get3A_78 = arith.constant 0 : index
    %get3A_79 = arith.constant 0 : index
    %get3A_80 = vector.load %arg7[%get3A_77, %get3A_78, %get3A_79] : memref<3x128x128xf32, #tpu.memory_space<vmem>>, vector<1x128x128xf32>
    %get3A_81 = vector.shape_cast %get3A_80 : vector<1x128x128xf32> to vector<128x128xf32>
    %dot_general3A_82 = arith.constant dense<0.000000e+00> : vector<1000x128xf32>
    %dot_general3A_83 = tpu.matmul %add3A_76, %get3A_81, %dot_general3A_82 {dimension_numbers = #tpu.dot_dimension_numbers<[1], [0], [0], [1], [0, 0, 1, 1], [], []>, transpose_lhs_hint = false} : vector<1000x128xf32>, vector<128x128xf32>, vector<1000x128xf32> -> vector<1000x128xf32>
    %get3A_84 = arith.constant 1 : index
    %get3A_85 = arith.constant 0 : index
    %get3A_86 = arith.constant 0 : index
    %get3A_87 = vector.load %arg8[%get3A_84, %get3A_85, %get3A_86] : memref<3x1x128xf32, #tpu.memory_space<vmem>>, vector<1x1x128xf32>
    %get3A_88 = vector.shape_cast %get3A_87 : vector<1x1x128xf32> to vector<1x128xf32>
    %add3A_89 = vector.broadcast %get3A_88 : vector<1x128xf32> to vector<1000x128xf32>
    %add3A_90 = arith.addf %dot_general3A_83, %add3A_89 : vector<1000x128xf32>
    %max3A_91 = arith.constant 0.000000e+00 : f32
    %max3A_92 = vector.broadcast %max3A_91 : f32 to vector<1000x128xf32>
    %max3A_93 = arith.maximumf %add3A_90, %max3A_92 : vector<1000x128xf32>
    %abs3A_94 = math.absf %add3A_90 : vector<1000x128xf32>
    %neg3A_95 = arith.constant 0.000000e+00 : f32
    %neg3A_96 = vector.broadcast %neg3A_95 : f32 to vector<1000x128xf32>
    %neg3A_97 = arith.subf %neg3A_96, %abs3A_94 : vector<1000x128xf32>
    %exp3A_98 = math.exp %neg3A_97 : vector<1000x128xf32>
    %log1p3A_99 = math.log1p %exp3A_98 : vector<1000x128xf32>
    %add3A_100 = arith.addf %max3A_93, %log1p3A_99 : vector<1000x128xf32>
    %get3A_101 = arith.constant 1 : index
    %get3A_102 = arith.constant 0 : index
    %get3A_103 = arith.constant 0 : index
    %get3A_104 = vector.load %arg9[%get3A_101, %get3A_102, %get3A_103] : memref<3x128x128xf32, #tpu.memory_space<vmem>>, vector<1x128x128xf32>
    %get3A_105 = vector.shape_cast %get3A_104 : vector<1x128x128xf32> to vector<128x128xf32>
    %dot_general3A_106 = arith.constant dense<0.000000e+00> : vector<1000x128xf32>
    %dot_general3A_107 = tpu.matmul %add3A_100, %get3A_105, %dot_general3A_106 {dimension_numbers = #tpu.dot_dimension_numbers<[1], [0], [0], [1], [0, 0, 1, 1], [], []>, transpose_lhs_hint = false} : vector<1000x128xf32>, vector<128x128xf32>, vector<1000x128xf32> -> vector<1000x128xf32>
    %get3A_108 = arith.constant 1 : index
    %get3A_109 = arith.constant 0 : index
    %get3A_110 = arith.constant 0 : index
    %get3A_111 = vector.load %arg10[%get3A_108, %get3A_109, %get3A_110] : memref<3x1x128xf32, #tpu.memory_space<vmem>>, vector<1x1x128xf32>
    %get3A_112 = vector.shape_cast %get3A_111 : vector<1x1x128xf32> to vector<1x128xf32>
    %add3A_113 = vector.broadcast %get3A_112 : vector<1x128xf32> to vector<1000x128xf32>
    %add3A_114 = arith.addf %dot_general3A_107, %add3A_113 : vector<1000x128xf32>
    %add3A_115 = arith.addf %add3A_114, %add3A_76 : vector<1000x128xf32>
    %get3A_116 = arith.constant 2 : index
    %get3A_117 = arith.constant 0 : index
    %get3A_118 = arith.constant 0 : index
    %get3A_119 = vector.load %arg7[%get3A_116, %get3A_117, %get3A_118] : memref<3x128x128xf32, #tpu.memory_space<vmem>>, vector<1x128x128xf32>
    %get3A_120 = vector.shape_cast %get3A_119 : vector<1x128x128xf32> to vector<128x128xf32>
    %dot_general3A_121 = arith.constant dense<0.000000e+00> : vector<1000x128xf32>
    %dot_general3A_122 = tpu.matmul %add3A_115, %get3A_120, %dot_general3A_121 {dimension_numbers = #tpu.dot_dimension_numbers<[1], [0], [0], [1], [0, 0, 1, 1], [], []>, transpose_lhs_hint = false} : vector<1000x128xf32>, vector<128x128xf32>, vector<1000x128xf32> -> vector<1000x128xf32>
    %get3A_123 = arith.constant 2 : index
    %get3A_124 = arith.constant 0 : index
    %get3A_125 = arith.constant 0 : index
    %get3A_126 = vector.load %arg8[%get3A_123, %get3A_124, %get3A_125] : memref<3x1x128xf32, #tpu.memory_space<vmem>>, vector<1x1x128xf32>
    %get3A_127 = vector.shape_cast %get3A_126 : vector<1x1x128xf32> to vector<1x128xf32>
    %add3A_128 = vector.broadcast %get3A_127 : vector<1x128xf32> to vector<1000x128xf32>
    %add3A_129 = arith.addf %dot_general3A_122, %add3A_128 : vector<1000x128xf32>
    %max3A_130 = arith.constant 0.000000e+00 : f32
    %max3A_131 = vector.broadcast %max3A_130 : f32 to vector<1000x128xf32>
    %max3A_132 = arith.maximumf %add3A_129, %max3A_131 : vector<1000x128xf32>
    %abs3A_133 = math.absf %add3A_129 : vector<1000x128xf32>
    %neg3A_134 = arith.constant 0.000000e+00 : f32
    %neg3A_135 = vector.broadcast %neg3A_134 : f32 to vector<1000x128xf32>
    %neg3A_136 = arith.subf %neg3A_135, %abs3A_133 : vector<1000x128xf32>
    %exp3A_137 = math.exp %neg3A_136 : vector<1000x128xf32>
    %log1p3A_138 = math.log1p %exp3A_137 : vector<1000x128xf32>
    %add3A_139 = arith.addf %max3A_132, %log1p3A_138 : vector<1000x128xf32>
    %get3A_140 = arith.constant 2 : index
    %get3A_141 = arith.constant 0 : index
    %get3A_142 = arith.constant 0 : index
    %get3A_143 = vector.load %arg9[%get3A_140, %get3A_141, %get3A_142] : memref<3x128x128xf32, #tpu.memory_space<vmem>>, vector<1x128x128xf32>
    %get3A_144 = vector.shape_cast %get3A_143 : vector<1x128x128xf32> to vector<128x128xf32>
    %dot_general3A_145 = arith.constant dense<0.000000e+00> : vector<1000x128xf32>
    %dot_general3A_146 = tpu.matmul %add3A_139, %get3A_144, %dot_general3A_145 {dimension_numbers = #tpu.dot_dimension_numbers<[1], [0], [0], [1], [0, 0, 1, 1], [], []>, transpose_lhs_hint = false} : vector<1000x128xf32>, vector<128x128xf32>, vector<1000x128xf32> -> vector<1000x128xf32>
    %get3A_147 = arith.constant 2 : index
    %get3A_148 = arith.constant 0 : index
    %get3A_149 = arith.constant 0 : index
    %get3A_150 = vector.load %arg10[%get3A_147, %get3A_148, %get3A_149] : memref<3x1x128xf32, #tpu.memory_space<vmem>>, vector<1x1x128xf32>
    %get3A_151 = vector.shape_cast %get3A_150 : vector<1x1x128xf32> to vector<1x128xf32>
    %add3A_152 = vector.broadcast %get3A_151 : vector<1x128xf32> to vector<1000x128xf32>
    %add3A_153 = arith.addf %dot_general3A_146, %add3A_152 : vector<1000x128xf32>
    %add3A_154 = arith.addf %add3A_153, %add3A_115 : vector<1000x128xf32>
    %swap3A = arith.constant 0 : index
    %swap3A_155 = arith.constant 0 : index
    %swap3A_156 = vector.load %arg11[%swap3A, %swap3A_155] : memref<1000x128xf32, #tpu.memory_space<vmem>>, vector<1000x128xf32>
    tpu.vector_store %arg11[%swap3A, %swap3A_155], %add3A_154 {strides = array<i32>} : memref<1000x128xf32, #tpu.memory_space<vmem>>, vector<1000x128xf32>,
    return
  }
  func.func @transform_0(%arg0: i32) -> (i32, i32, i32) {
    %c0_i32 = arith.constant 0 : i32
    %c0_i32_0 = arith.constant 0 : i32
    %c0_i32_1 = arith.constant 0 : i32
    return %c0_i32, %arg0, %c0_i32_0 : i32, i32, i32
  }
  func.func @transform_1(%arg0: i32) -> (i32, i32) {
    %c0_i32 = arith.constant 0 : i32
    %c0_i32_0 = arith.constant 0 : i32
    return %arg0, %c0_i32 : i32, i32
  }
  func.func @transform_2(%arg0: i32) -> (i32, i32) {
    %c0_i32 = arith.constant 0 : i32
    %c0_i32_0 = arith.constant 0 : i32
    %c0_i32_1 = arith.constant 0 : i32
    return %c0_i32, %c0_i32_0 : i32, i32
  }
  func.func @transform_3(%arg0: i32) -> (i32, i32) {
    %c0_i32 = arith.constant 0 : i32
    %c0_i32_0 = arith.constant 0 : i32
    %c0_i32_1 = arith.constant 0 : i32
    return %c0_i32, %c0_i32_0 : i32, i32
  }
  func.func @transform_4(%arg0: i32) -> (i32, i32) {
    %c0_i32 = arith.constant 0 : i32
    %c0_i32_0 = arith.constant 0 : i32
    %c0_i32_1 = arith.constant 0 : i32
    return %c0_i32, %c0_i32_0 : i32, i32
  }
  func.func @transform_5(%arg0: i32) -> (i32, i32) {
    %c0_i32 = arith.constant 0 : i32
    %c0_i32_0 = arith.constant 0 : i32
    %c0_i32_1 = arith.constant 0 : i32
    return %c0_i32, %c0_i32_0 : i32, i32
  }
  func.func @transform_6(%arg0: i32) -> (i32, i32, i32) {
    %c0_i32 = arith.constant 0 : i32
    %c0_i32_0 = arith.constant 0 : i32
    %c0_i32_1 = arith.constant 0 : i32
    %c0_i32_2 = arith.constant 0 : i32
    return %c0_i32, %c0_i32_0, %c0_i32_1 : i32, i32, i32
  }
  func.func @transform_7(%arg0: i32) -> (i32, i32, i32) {
    %c0_i32 = arith.constant 0 : i32
    %c0_i32_0 = arith.constant 0 : i32
    %c0_i32_1 = arith.constant 0 : i32
    %c0_i32_2 = arith.constant 0 : i32
    return %c0_i32, %c0_i32_0, %c0_i32_1 : i32, i32, i32
  }
  func.func @transform_8(%arg0: i32) -> (i32, i32, i32) {
    %c0_i32 = arith.constant 0 : i32
    %c0_i32_0 = arith.constant 0 : i32
    %c0_i32_1 = arith.constant 0 : i32
    %c0_i32_2 = arith.constant 0 : i32
    return %c0_i32, %c0_i32_0, %c0_i32_1 : i32, i32, i32
  }
  func.func @transform_9(%arg0: i32) -> (i32, i32, i32) {
    %c0_i32 = arith.constant 0 : i32
    %c0_i32_0 = arith.constant 0 : i32
    %c0_i32_1 = arith.constant 0 : i32
    %c0_i32_2 = arith.constant 0 : i32
    return %c0_i32, %c0_i32_0, %c0_i32_1 : i32, i32, i32
  }
  func.func @transform_10(%arg0: i32) -> (i32, i32) {
    %c0_i32 = arith.constant 0 : i32
    %c0_i32_0 = arith.constant 0 : i32
    return %arg0, %c0_i32 : i32, i32
  }
}

</mosaic_0001>

<sc_bundles>
// kernel: kernel.10.cloned.1.call-start
scs
__scs_entry_jumppad:
0x0: {  	(pc) =	sbr.rel $0x88, $3  }
0x1: {  	(tag) =	ssettag $0x0;
	lr =	simm.s32 $0x1  }
0x2: {  	[smem:$0x3F92] =	sst lr;
	_ =	strace $0xD0000000  }
0x3: {  	_ = 	snop  }
0x4: {  	_ = 	snop  }
0x5: {  	_ = 	snop  }
0x6: {  	_ = 	snop  }
0x7: {  	_ = 	snop  }
__scs_overlays_trampoline_lowered:
0x8: {  	[smem:$0x3FA1] =	sst s0  }
0x9: {  	[smem:$0x3FA2] =	sst s1  }
0xa: {  	[smem:$0x3FA3] =	sst s2  }
0xb: {  	[smem:$0x3FA4] =	sst s3  }
0xc: {  	[smem:$0x3FA5] =	sst s4  }
0xd: {  	[smem:$0x3FA6] =	sst s5  }
0xe: {  	[smem:$0x3FA7] =	sst s6  }
0xf: {  	[smem:$0x3FA8] =	sst s7  }
0x10: {  	[smem:$0x3FA9] =	sst s8  }
0x11: {  	[smem:$0x3FAA] =	sst s9;
	s0 =	simm.s32 @!p0 $0x0  }
0x12: {  	s1 =	sld [smem:$0x3F90];
	s0 =	simm.s32 @p0 $0x1  }
0x13: {  	[smem:$0x3FAB] =	sst s0;
	s0 =	simm.s32 @!p1 $0x0  }
0x14: {  	s2 =	sld [smem:$0x3F8F];
	s0 =	simm.s32 @p1 $0x1  }
0x15: {  	[smem:$0x3FAC] =	sst s0;
	s0 =	simm.s32 @!p2 $0x0  }
0x16: {  	s3 =	sld [smem:$0x3FDB];
	s0 =	simm.s32 @p2 $0x1  }
0x17: {  	s4 =	simm.s32 $0x1BF5;
	[smem:$0x3FAE] =	sst s0  }
0x18: {  	s0 =	sld [smem:$0x3F91];
	_ =	swait.ge [sflag:s4], $0x0  }
0x19: {  	s7 =	sld [smem:$0x3F92]  }
0x1a: {  	s8 =	sadd.s32 $0xFFFFE003, lr  }
0x1b: {  	s9 =	sadd.s32 $0xFFFFFEF7, lr;
	s5 =	simm.s32 $0xFFFFFFFF;
	p2 =	slt.u32 s8, $0xFFFFF086  }
0x1c: {  	p1 =	slt.u32 s9, $0xF7A;
	s5 =	simm.s32 @!p2 $0x0  }
0x1d: {  	s5 =	simm.s32 @p1 $0x1;
	p0 =	seq.s32 s7, s2  }
0x1e: {  	s7 =	smul.u32 @!p0 $0xF7A, s2;
	p2 =	seq.s32 @!p0 s5, $0x0  }
0x1f: {  	s9 =	smul.u32 $0xF7A, s1;
	s8 =	simm.s32 @!p0 $0x1BF5;
	p2 =	por !p2, p0  }
0x20: {  	[sflag:s8] =	ssyncset.s32 @!p0 $0xFFFFF086;
	s6 =	sadd.s32 @!p0 s3, s7;
	s7 =	simm.s32 @!p0 $0x108  }
0x21: {  	s3 =	sadd.s32 s3, s9;
	s6 =	sadd.s32 @!p0 $0x88, s6;
	s7 =	simm.s32 @p2 $0x1082  }
0x22: {  	[simem:s7], [sflag:s8] =	dma.local @!p0 [hbm:s6], $0xF7A  }
0x23: {  	s9 =	sor.u32 $0xD0000000, s2;
	s6 =	simm.s32 $0x108;
	_ =	swait.ge @!p0 [sflag:s8], $0x0  }
0x24: {  	s3 =	sadd.s32 $0x88, s3;
	s6 =	simm.s32 @!p1 $0x1082;
	[sflag:s4] =	ssyncset.s32 $0xFFFFF086  }
0x25: {  	[simem:s6], [sflag:s4] =	dma.local [hbm:s3], $0xF7A  }
0x26: {  	[smem:$0x3F92] =	sst s1;
	(tag) =	ssettag s2;
	_ =	strace s9  }
0x27: {  	s1 =	sld [smem:$0x3FA2]  }
0x28: {  	s2 =	sld [smem:$0x3FA3]  }
0x29: {  	s4 =	sld [smem:$0x3FA5]  }
0x2a: {  	p0 =	seq.s32 s5, $0x0;
	s5 =	sld [smem:$0x3FA6]  }
0x2b: {  	s6 =	sld [smem:$0x3FA7]  }
0x2c: {  	s7 =	sld [smem:$0x3FA8]  }
0x2d: {  	s3 =	simm.s32 $0x108;
	s8 =	sld [smem:$0x3FA9]  }
0x2e: {  	s3 =	simm.s32 @!p0 $0x1082;
	s9 =	sld [smem:$0x3FAA]  }
0x2f: {  	lr =	sadd.s32 s0, s3;
	s0 =	sld [smem:$0x3FA1]  }
0x30: {  	s3 =	sld [smem:$0x3FA4]  }
0x31: {  	[smem:$0x3FAD] =	sst s10  }
0x32: {  	s10 =	sld [smem:$0x3FAB];
	_ =	sdelay $0x3  }
0x33: {  	p0 =	seq.s32 s10, $0x1;
	s10 =	sld [smem:$0x3FAD];
	_ =	sdelay $0x3  }
0x34: {  	[smem:$0x3FAD] =	sst s10  }
0x35: {  	s10 =	sld [smem:$0x3FAC];
	_ =	sdelay $0x3  }
0x36: {  	p1 =	seq.s32 s10, $0x1;
	s10 =	sld [smem:$0x3FAD];
	_ =	sdelay $0x3  }
0x37: {  	[smem:$0x3FAD] =	sst s10  }
0x38: {  	s10 =	sld [smem:$0x3FAE]  }
0x39: {  	_ = 	snop;
	(pc) =	sbr.ind lr, $3  }
0x3a: {  	_ = 	snop  }
0x3b: {  	_ = 	snop  }
0x3c: {  	p2 =	seq.s32 s10, $0x1;
	s10 =	sld [smem:$0x3FAD]  }
0x3d: {  	_ =	shalt  }
0x3e: {  	_ =	shalt  }
0x3f: {  	_ =	shalt  }
0x40: {  	_ =	shalt  }
0x41: {  	_ =	shalt  }
0x42: {  	_ =	shalt  }
0x43: {  	_ =	shalt  }
0x44: {  	_ =	shalt  }
0x45: {  	_ =	shalt  }
0x46: {  	_ =	shalt  }
0x47: {  	_ =	shalt  }
0x48: {  	_ =	shalt  }
0x49: {  	_ =	shalt  }
0x4a: {  	_ =	shalt  }
0x4b: {  	_ =	shalt  }
0x4c: {  	_ =	shalt  }
0x4d: {  	_ =	shalt  }
0x4e: {  	_ =	shalt  }
0x4f: {  	_ =	shalt  }
0x50: {  	_ =	shalt  }
0x51: {  	_ =	shalt  }
0x52: {  	_ =	shalt  }
0x53: {  	_ =	shalt  }
0x54: {  	_ =	shalt  }
0x55: {  	_ =	shalt  }
0x56: {  	_ =	shalt  }
0x57: {  	_ =	shalt  }
0x58: {  	_ =	shalt  }
0x59: {  	_ =	shalt  }
0x5a: {  	_ =	shalt  }
0x5b: {  	_ =	shalt  }
0x5c: {  	_ =	shalt  }
0x5d: {  	_ =	shalt  }
0x5e: {  	_ =	shalt  }
0x5f: {  	_ =	shalt  }
0x60: {  	_ =	shalt  }
0x61: {  	_ =	shalt  }
0x62: {  	_ =	shalt  }
0x63: {  	_ =	shalt  }
0x64: {  	_ =	shalt  }
0x65: {  	_ =	shalt  }
0x66: {  	_ =	shalt  }
0x67: {  	_ =	shalt  }
0x68: {  	_ =	shalt  }
0x69: {  	_ =	shalt  }
0x6a: {  	_ =	shalt  }
0x6b: {  	_ =	shalt  }
0x6c: {  	_ =	shalt  }
0x6d: {  	_ =	shalt  }
0x6e: {  	_ =	shalt  }
0x6f: {  	_ =	shalt  }
0x70: {  	_ =	shalt  }
0x71: {  	_ =	shalt  }
0x72: {  	_ =	shalt  }
0x73: {  	_ =	shalt  }
0x74: {  	_ =	shalt  }
0x75: {  	_ =	shalt  }
0x76: {  	_ =	shalt  }
0x77: {  	_ =	shalt  }
0x78: {  	_ =	shalt  }
0x79: {  	_ =	shalt  }
0x7a: {  	_ =	shalt  }
0x7b: {  	_ =	shalt  }
0x7c: {  	_ =	shalt  }
0x7d: {  	_ =	shalt  }
0x7e: {  	_ =	shalt  }
0x7f: {  	_ =	shalt  }
0x80: {  	_ =	shalt  }
0x81: {  	_ =	shalt  }
0x82: {  	_ =	shalt  }
0x83: {  	_ =	shalt  }
0x84: {  	_ =	shalt  }
0x85: {  	_ =	shalt  }
0x86: {  	_ =	shalt  }
0x87: {  	_ =	shalt  }
.Lfunc_end0:
.L_simem_size_0:
called_computation_lowered:
.L_overlay_start_0:
0x88: {  	s2 =	sld [smem:$0x3FD9]  }
0x89: {  	s3 =	sld [smem:$0x3FFE];
	_ =	sdelay $0x1  }
0x8a: {  	s1 =	srdreg.scid  }
0x8b: {  	s0 =	sand.u32 $0x1, s1  }
0x8c: {  	s17 =	sshll.u32 s0, $0xA;
	s2 =	sadd.s32 s3, s2  }
0x8d: {  	s2 =	sadd.s32 s2, s17  }
0x8e: {  	[smem:$0x3FB9] =	sst s2  }
0x8f: {  	_ = 	snop  }
0x90: {  	s2 =	sld [smem:$0x3FC9]  }
0x91: {  	s18 =	sld [smem:$0x3FC7];
	(tm) =	ssettm $0x1  }
0x92: {  	s4 =	sld [smem:$0x3FFB];
	_ =	sdelay $0x3  }
0x93: {  	_ =	strace s4  }
0x94: {  	s4 =	sld [smem:$0x3FFC];
	_ =	sdelay $0x3  }
0x95: {  	_ =	strace s4  }
0x96: {  	s4 =	sld [smem:$0x3FFD];
	_ =	sdelay $0x3  }
0x97: {  	_ =	strace s4  }
0x98: {  	_ =	strace $0x8FFFFFFF  }
0x99: {  	s19 =	sld [smem:$0x3FDB];
	_ =	sdelay $0x1  }
0x9a: {  	s5 =	simm.s32 $_scs_section_size  }
0x9b: {  	s6 =	simm.s32 $_size__tile_overlayer_lowered;
	s7 =	simm.s32 $_tile_overlayer_lowered  }
0x9c: {  	s22 =	simm.s32 $0x1BFF;
	s21 =	sshll.u32 s7, $0x1;
	s4 =	sadd.s32 s5, s19  }
0x9d: {  	s8 =	simm.s32 $0x0;
	s20 =	sshll.u32 s6, $0x1;
	s6 =	sadd.s32 s21, s4  }
0x9e: {  	[timem:s8], [sflag:s22] =	dma.local [hbm:s6], s20  }
0x9f: {  	_ =	swait.ge [sflag:s22], s20  }
0xa0: {  	s5 =	ssub.s32 $0x0, s20;
	[sflag:s22] =	ssyncset.done $0x0  }
0xa1: {  	[sflag:s22] =	ssyncadd.s32 s5;
	_ =	sdelay $0x1  }
0xa2: {  	s23 =	simm.s32 $0x1B8B  }
0xa3: {  	_ =	swait.ge [sflag:s23], $0x1  }
0xa4: {  	[sflag:s23] =	ssyncset.done $0x0  }
0xa5: {  	s25 =	simm.s32 $0x1B8E;
	s24 =	sld [smem:$0x3FFE];
	[sflag:s23] =	ssyncadd.s32 $0xFFFFFFFF  }
0xa6: {  	s26 =	simm.s32 $execute0_lowered;
	[smem:$0x3FD2] =	sst s25  }
0xa7: {  	s6 =	sshll.u32 s26, $0x1;
	_ =	strace $0x80000046;
	[dreg:$0x1] =	wrdreg $0xFFFFFFFF  }
0xa8: {  	s28 =	simm.s32 $_size_execute0_lowered;
	s4 =	sadd.s32 s4, s6;
	[dreg:$0x0] =	wrdreg $0x0  }
0xa9: {  	s6 =	sshll.u32 s28, $0x1;
	[dreg:$0x2] =	wrdreg s4  }
0xaa: {  	[dreg:$0x3] =	wrdreg s6  }
0xab: {  	[dreg:$0x4] =	wrdreg $0xC0  }
0xac: {  	_ =	task [dreg:s8], $0x5FFFF  }
0xad: {  	[dreg:$0x1] =	wrdreg $0xFFFFFFFF  }
0xae: {  	[dreg:$0x0] =	wrdreg $0x60  }
0xaf: {  	[dreg:$0x2] =	wrdreg s2  }
0xb0: {  	[dreg:$0x3] =	wrdreg s18  }
0xb1: {  	[dreg:$0x4] =	wrdreg s24  }
0xb2: {  	[dreg:$0x5] =	wrdreg $0x9  }
0xb3: {  	_ =	task.clear_ibuf [dreg:s8], $0x6FFFF;
	_ =	strace $0x90000046  }
0xb4: {  	s29 =	simm.s32 $0x9;
	_ =	strace $0x80000048  }
0xb5: {  	_ =	swait.ge [sflag:s29], $0x1  }
0xb6: {  	[sflag:s29] =	ssyncadd.s32 $0xFFFFFFFF  }
0xb7: {  	_ =	strace $0x90000048  }
0xb8: {  	_ =	sfence  }
0xb9: {  	s30 =	sld [smem:$0x0];
	_ =	sdelay $0x2  }
0xba: {  	s31 =	sshll.u32 s1, $0xD;
	s1 =	sshrl.u32 s1, $0x2  }
0xbb: {  	s3 =	sand.u32 $0x4000, s31;
	s1 =	sadd.s32 s1, s30  }
0xbc: {  	s0 =	sor.u32 s3, s0;
	s1 =	sshll.u32 s1, $0x11  }
0xbd: {  	s0 =	sor.u32 s1, s0  }
0xbe: {  	s0 =	sadd.s32 $0x8F2B, s0  }
0xbf: {  	[sflag:s0] =	ssyncadd.remote.s32 $0x1  }
0xc0: {  	_ =	sfence.sel $0xFFFF  }
0xc1: {  	[dreg:$0x0] =	wrdreg $0xFFFFFFFF;
	(pc) =	sbr.abs _section_cstart, $3  }
0xc2: {  	[dreg:$0x1] =	wrdreg $0xFFFFFFFF  }
0xc3: {  	_ =	task.clear_ibuf [dreg:s8], $0x2FFFF;
	_ =	strace $0x9FFFFFFF  }
0xc4: {  	(tm) =	ssettm $0x7FFFFFFF  }
0xc5: {  	_ =	shalt  }
tec
execute0_lowered:
.L_overlay_start_1:
0x0: {  	(tag) =	ssettag $0x1  }
0x1: {  	s0 =	rddreg [dreg:$0x0]  }
0x2: {  	s1 =	srdreg.scid;
	s4 =	rddreg [dreg:$0x1]  }
0x3: {  	s5 =	rddreg [dreg:$0x2];
	s2 =	stileid.u32;
	s3 =	simm.s32 $0x0  }
0x4: {  	s14 =	simm.s32 $0x6780;
	s15 =	simm.s32 $0x1;
	s16 =	simm.s32 $0x2  }
0x5: {  	s17 =	simm.s32 $0x2680;
	s18 =	simm.s32 $0x10;
	s13 =	smul.u32 $0x138800, s2  }
0x6: {  	s19 =	simm.s32 $0x2700;
	s6 =	sand.u32 $0x1, s1;
	s30 =	smul.u32 $0x27100, s2  }
0x7: {  	s20 =	simm.s32 $0x0;
	s7 =	sshll.u32 s6, $0x4;
	s28 =	smul.u32 $0x1388000, s6  }
0x8: {  	s1 =	rddreg [dreg:$0x3];
	s29 =	smul.u32 $0x271000, s6;
	s7 =	sor.u32 s2, s7  }
0x9: {  	[smem:$0x7FF] =	sst s3;
	s9 =	ssub.s32 $0x2, s6;
	s8 =	smul.u32 $0x2710, s7  }
0xa: {  	s11 =	sadd.s32 $0x6400, s5;
	s24 =	sshrl.u32 s9, $0x1;
	s10 =	smul.u32 $0x138800, s7  }
0xb: {  	_ =	strace $0x80000047;
	s12 =	smul.u32 $0x27100, s7;
	s25 =	ssub.s32 s9, s24  }
0xc: {  	s9 =	sadd.s32 s13, s28;
	s31 =	sadd.s32 s29, s11;
	s13 =	simm.s32 $0x80  }
0xd: {  	s6 =	smax.u32 s25, $0x1;
	s9 =	sshrl.u32 s9, $0x3;
	s26 =	sshrl.u32 s10, $0x3  }
0xe: {  	s8 =	sshrl.u32 s8, $0x3;
	s12 =	sadd.s32 s11, s12;
	s9 =	sadd.s32 s9, s11  }
0xf: {  	s10 =	sadd.s32 s11, s26;
	s4 =	sadd.s32 s4, s8;
	s8 =	sadd.s32 $0x26800, s12  }
0x10: {  	s5 =	sadd.s32 $0x27000, s10;
	s7 =	sadd.s32 $0x26000, s10;
	s10 =	sadd.s32 s30, s31  }
0x11: {  	s11 =	simm.s32 $0x3;
	s12 =	simm.s32 $0x2780;
	s10 =	sadd.s32 $0x800, s10  }
.LBB2_1:
0x12: {  	[tilespmem:s3], [sflag:$0x3] =	stream.linear.gather [hbm4b:s4+s3], $0x2710, $0x38;
	[tilespmem:$0xA780] =	vst v63  }
0x13: {  	_ =	swait.ge [sflag:s11], $0x2710  }
0x14: {  	[sflag:s11] =	ssyncset.done $0x0  }
0x15: {  	[sflag:s11] =	ssyncadd.s32 $0xFFFFD8F0  }
0x16: {  	[tilespmem:s12], [sflag:$0x1] =	stream.indirect.gather [hbm4b:s0+s13], $0x80, s3, s13, $0xb8;
	[tilespmem:$0xA780] =	vst v63  }
0x17: {  	_ = 	snop  }
0x18: {  	[tilespmem:s14], [sflag:$0x2] =	stream.indirect.gather [hbm4b:s0+s13], $0x80, s13, s13, $0xb8;
	[tilespmem:$0xA780] =	vst v63  }
0x19: {  	_ =	swait.ge [sflag:s15], $0x4000  }
0x1a: {  	[sflag:s15] =	ssyncset.done $0x0  }
0x1b: {  	s21 =	sadd.s32 $0x0, s9;
	[sflag:s15] =	ssyncadd.s32 $0xFFFFC000  }
0x1c: {  	[hbm4b:s21+s3] =	stream.linear.scatter [tilespmem:s12], [sflag:$0x3], $0x4000, $0x38;
	[tilespmem:$0xA780] =	vst v63  }
0x1d: {  	_ =	swait.ge [sflag:s11], $0x4000  }
0x1e: {  	[sflag:s11] =	ssyncset.done $0x0  }
0x1f: {  	s30 =	simm.s32 $0x100;
	[sflag:s11] =	ssyncadd.s32 $0xFFFFC000  }
0x20: {  	[tilespmem:s12], [sflag:$0x1] =	stream.indirect.gather [hbm4b:s0+s13], $0x80, s30, s13, $0xb8;
	[tilespmem:$0xA780] =	vst v63  }
0x21: {  	_ =	swait.ge [sflag:s16], $0x4000  }
0x22: {  	[sflag:s16] =	ssyncset.done $0x0  }
0x23: {  	s31 =	sadd.s32 $0x0, s10;
	[sflag:s16] =	ssyncadd.s32 $0xFFFFC000  }
0x24: {  	[hbm4b:s31+s3] =	stream.linear.scatter [tilespmem:s14], [sflag:$0x3], $0x4000, $0x38;
	[tilespmem:$0xA780] =	vst v63  }
0x25: {  	_ =	swait.ge [sflag:s11], $0x4000  }
0x26: {  	s22 =	simm.s32 $0x80;
	s21 =	simm.s32 $0x1000;
	[sflag:s11] =	ssyncset.done $0x0  }
.LBB2_2:
0x27: {  	p0 =	sne.s32 s21, $0x25000;
	[sflag:s11] =	ssyncadd.s32 $0xFFFFC000;
	s22 =	sadd.s32 $0x100, s22  }
0x28: {  	[tilespmem:s14], [sflag:$0x2] =	stream.indirect.gather [hbm4b:s0+s13], $0x80, s22, s13, $0xb8;
	[tilespmem:$0xA780] =	vst v63  }
0x29: {  	s23 =	smov.u32 s21;
	s21 =	sadd.s32 $0x1000, s21;
	_ =	swait.ge [sflag:s15], $0x4000  }
0x2a: {  	[sflag:s15] =	ssyncset.done $0x0  }
0x2b: {  	s24 =	sadd.s32 s23, s9;
	[sflag:s15] =	ssyncadd.s32 $0xFFFFC000  }
0x2c: {  	[hbm4b:s24+s3] =	stream.linear.scatter [tilespmem:s12], [sflag:$0x3], $0x4000, $0x38;
	[tilespmem:$0xA780] =	vst v63  }
0x2d: {  	_ =	swait.ge [sflag:s11], $0x4000  }
0x2e: {  	[sflag:s11] =	ssyncset.done $0x0  }
0x2f: {  	s24 =	sadd.s32 $0x80, s22;
	[sflag:s11] =	ssyncadd.s32 $0xFFFFC000  }
0x30: {  	[tilespmem:s12], [sflag:$0x1] =	stream.indirect.gather [hbm4b:s0+s13], $0x80, s24, s13, $0xb8;
	[tilespmem:$0xA780] =	vst v63  }
0x31: {  	_ =	swait.ge [sflag:s16], $0x4000  }
.Ltmp0:
0x32: {  	[sflag:s16] =	ssyncset.done $0x0;
	(pc) =	sbr.rel @p0 .LBB2_2-.Ltmp0, $4  }
0x33: {  	s23 =	sadd.s32 s23, s10;
	[sflag:s16] =	ssyncadd.s32 $0xFFFFC000  }
0x34: {  	[hbm4b:s23+s3] =	stream.linear.scatter [tilespmem:s14], [sflag:$0x3], $0x4000, $0x38;
	[tilespmem:$0xA780] =	vst v63  }
0x35: {  	_ =	swait.ge [sflag:s11], $0x4000  }
0x36: {  	[sflag:s11] =	ssyncset.done $0x0  }
0x37: {  	[sflag:s11] =	ssyncadd.s32 $0xFFFFC000  }
0x38: {  	[tilespmem:s14], [sflag:$0x2] =	stream.indirect.gather [hbm4b:s0+s13], $0x80, s17, s13, $0xb8;
	[tilespmem:$0xA780] =	vst v63  }
0x39: {  	_ =	swait.ge [sflag:s15], $0x4000  }
0x3a: {  	[sflag:s15] =	ssyncset.done $0x0  }
0x3b: {  	[sflag:s15] =	ssyncadd.s32 $0xFFFFC000  }
0x3c: {  	[hbm4b:s7+s3] =	stream.linear.scatter [tilespmem:s12], [sflag:$0x3], $0x4000, $0x38;
	[tilespmem:$0xA780] =	vst v63  }
0x3d: {  	_ =	swait.ge [sflag:s11], $0x4000  }
0x3e: {  	[sflag:s11] =	ssyncset.done $0x0  }
0x3f: {  	[sflag:s11] =	ssyncadd.s32 $0xFFFFC000  }
0x40: {  	_ =	swait.ge [sflag:s16], $0x4000  }
0x41: {  	[sflag:s16] =	ssyncset.done $0x0  }
0x42: {  	[sflag:s16] =	ssyncadd.s32 $0xFFFFC000  }
0x43: {  	[hbm4b:s8+s3] =	stream.linear.scatter [tilespmem:s14], [sflag:$0x3], $0x4000, $0x38;
	[tilespmem:$0xA780] =	vst v63  }
0x44: {  	_ =	swait.ge [sflag:s11], $0x4000  }
0x45: {  	[sflag:s11] =	ssyncset.done $0x0  }
0x46: {  	[sflag:s11] =	ssyncadd.s32 $0xFFFFC000  }
0x47: {  	[tilespmem:s12], [sflag:$0x1] =	stream.indirect.gather [hbm4b:s0+s18], $0x80, s19, s18, $0xb8;
	[tilespmem:$0xA780] =	vst v63  }
0x48: {  	s20 =	sadd.s32 $0x1, s20;
	_ =	swait.ge [sflag:s15], $0x800  }
0x49: {  	p0 =	sne.s32 s20, s6;
	[sflag:s15] =	ssyncset.done $0x0  }
.Ltmp1:
0x4a: {  	[sflag:s15] =	ssyncadd.s32 $0xFFFFF800;
	(pc) =	sbr.rel @p0 .LBB2_1-.Ltmp1, $4  }
0x4b: {  	[hbm4b:s5+s3] =	stream.linear.scatter [tilespmem:s12], [sflag:$0x3], $0x800, $0x38;
	[tilespmem:$0xA780] =	vst v63  }
0x4c: {  	_ =	swait.ge [sflag:s11], $0x800  }
0x4d: {  	[sflag:s11] =	ssyncset.done $0x0  }
0x4e: {  	[sflag:s11] =	ssyncadd.s32 $0xFFFFF800  }
0x4f: {  	_ =	sfence.sel $0x180000  }
0x50: {  	[bflag:$0x0] =	sbarrier.arrive $0xFFFF  }
0x51: {  	p0 =	sne.s32 s2, $0x0;
	_ =	strace $0x90000047  }
0x52: {  	s0 =	sadd.s32 @!p0 $0x100000, s1;
	[bflag:$0x2] =	sbarrier.arrive $0xFFFF  }
0x53: {  	[sflag:s0] =	ssyncadd.tile.s32 @!p0 $0x1;
	_ =	shalt  }
.Lfunc_end2:
_tile_overlayer_lowered:
.L_overlay_start_2:
0x54: {  	(tag) =	ssettag $0x2  }
0x55: {  	s0 =	rddreg [dreg:$0x0];
	s2 =	stileid.u32  }
0x56: {  	s1 =	rddreg [dreg:$0x1];
	p0 =	sne.s32 s2, $0x0  }
0x57: {  	s3 =	rddreg [dreg:$0x2];
	[bflag:$0x3] =	sbarrier.arrive $0xFFFF;
	s2 =	simm.s32 @!p0 $0x1C03  }
0x58: {  	[timem:s3], [sflag:s2] =	dma.local @!p0 [hbm:s0], s1  }
0x59: {  	s0 =	simm.s32 @!p0 $0x3  }
0x5a: {  	_ =	swait.ge @!p0 [sflag:s0], s1  }
0x5b: {  	s1 =	ssub.s32 @!p0 $0x0, s1;
	[sflag:s0] =	ssyncset.done @!p0 $0x0  }
0x5c: {  	[sflag:s0] =	ssyncadd.s32 @!p0 s1  }
0x5d: {  	[bflag:$0x3] =	sbarrier.arrive $0xFFFF  }
0x5e: {  	_ =	shalt  }

// kernel: kernel.13.cloned.1.call-start
scs
__scs_entry_jumppad:
0x0: {  	(pc) =	sbr.rel $0x88, $3  }
0x1: {  	(tag) =	ssettag $0x0;
	lr =	simm.s32 $0x1  }
0x2: {  	[smem:$0x3F92] =	sst lr;
	_ =	strace $0xD0000000  }
0x3: {  	_ = 	snop  }
0x4: {  	_ = 	snop  }
0x5: {  	_ = 	snop  }
0x6: {  	_ = 	snop  }
0x7: {  	_ = 	snop  }
__scs_overlays_trampoline_lowered:
0x8: {  	[smem:$0x3FA1] =	sst s0  }
0x9: {  	[smem:$0x3FA2] =	sst s1  }
0xa: {  	[smem:$0x3FA3] =	sst s2  }
0xb: {  	[smem:$0x3FA4] =	sst s3  }
0xc: {  	[smem:$0x3FA5] =	sst s4  }
0xd: {  	[smem:$0x3FA6] =	sst s5  }
0xe: {  	[smem:$0x3FA7] =	sst s6  }
0xf: {  	[smem:$0x3FA8] =	sst s7  }
0x10: {  	[smem:$0x3FA9] =	sst s8  }
0x11: {  	[smem:$0x3FAA] =	sst s9;
	s0 =	simm.s32 @!p0 $0x0  }
0x12: {  	s1 =	sld [smem:$0x3F90];
	s0 =	simm.s32 @p0 $0x1  }
0x13: {  	[smem:$0x3FAB] =	sst s0;
	s0 =	simm.s32 @!p1 $0x0  }
0x14: {  	s2 =	sld [smem:$0x3F8F];
	s0 =	simm.s32 @p1 $0x1  }
0x15: {  	[smem:$0x3FAC] =	sst s0;
	s0 =	simm.s32 @!p2 $0x0  }
0x16: {  	s3 =	sld [smem:$0x3FDB];
	s0 =	simm.s32 @p2 $0x1  }
0x17: {  	s4 =	simm.s32 $0x1BF5;
	[smem:$0x3FAE] =	sst s0  }
0x18: {  	s0 =	sld [smem:$0x3F91];
	_ =	swait.ge [sflag:s4], $0x0  }
0x19: {  	s7 =	sld [smem:$0x3F92]  }
0x1a: {  	s8 =	sadd.s32 $0xFFFFE003, lr  }
0x1b: {  	s9 =	sadd.s32 $0xFFFFFEF7, lr;
	s5 =	simm.s32 $0xFFFFFFFF;
	p2 =	slt.u32 s8, $0xFFFFF086  }
0x1c: {  	p1 =	slt.u32 s9, $0xF7A;
	s5 =	simm.s32 @!p2 $0x0  }
0x1d: {  	s5 =	simm.s32 @p1 $0x1;
	p0 =	seq.s32 s7, s2  }
0x1e: {  	s7 =	smul.u32 @!p0 $0xF7A, s2;
	p2 =	seq.s32 @!p0 s5, $0x0  }
0x1f: {  	s9 =	smul.u32 $0xF7A, s1;
	s8 =	simm.s32 @!p0 $0x1BF5;
	p2 =	por !p2, p0  }
0x20: {  	[sflag:s8] =	ssyncset.s32 @!p0 $0xFFFFF086;
	s6 =	sadd.s32 @!p0 s3, s7;
	s7 =	simm.s32 @!p0 $0x108  }
0x21: {  	s3 =	sadd.s32 s3, s9;
	s6 =	sadd.s32 @!p0 $0x88, s6;
	s7 =	simm.s32 @p2 $0x1082  }
0x22: {  	[simem:s7], [sflag:s8] =	dma.local @!p0 [hbm:s6], $0xF7A  }
0x23: {  	s9 =	sor.u32 $0xD0000000, s2;
	s6 =	simm.s32 $0x108;
	_ =	swait.ge @!p0 [sflag:s8], $0x0  }
0x24: {  	s3 =	sadd.s32 $0x88, s3;
	s6 =	simm.s32 @!p1 $0x1082;
	[sflag:s4] =	ssyncset.s32 $0xFFFFF086  }
0x25: {  	[simem:s6], [sflag:s4] =	dma.local [hbm:s3], $0xF7A  }
0x26: {  	[smem:$0x3F92] =	sst s1;
	(tag) =	ssettag s2;
	_ =	strace s9  }
0x27: {  	s1 =	sld [smem:$0x3FA2]  }
0x28: {  	s2 =	sld [smem:$0x3FA3]  }
0x29: {  	s4 =	sld [smem:$0x3FA5]  }
0x2a: {  	p0 =	seq.s32 s5, $0x0;
	s5 =	sld [smem:$0x3FA6]  }
0x2b: {  	s6 =	sld [smem:$0x3FA7]  }
0x2c: {  	s7 =	sld [smem:$0x3FA8]  }
0x2d: {  	s3 =	simm.s32 $0x108;
	s8 =	sld [smem:$0x3FA9]  }
0x2e: {  	s3 =	simm.s32 @!p0 $0x1082;
	s9 =	sld [smem:$0x3FAA]  }
0x2f: {  	lr =	sadd.s32 s0, s3;
	s0 =	sld [smem:$0x3FA1]  }
0x30: {  	s3 =	sld [smem:$0x3FA4]  }
0x31: {  	[smem:$0x3FAD] =	sst s10  }
0x32: {  	s10 =	sld [smem:$0x3FAB];
	_ =	sdelay $0x3  }
0x33: {  	p0 =	seq.s32 s10, $0x1;
	s10 =	sld [smem:$0x3FAD];
	_ =	sdelay $0x3  }
0x34: {  	[smem:$0x3FAD] =	sst s10  }
0x35: {  	s10 =	sld [smem:$0x3FAC];
	_ =	sdelay $0x3  }
0x36: {  	p1 =	seq.s32 s10, $0x1;
	s10 =	sld [smem:$0x3FAD];
	_ =	sdelay $0x3  }
0x37: {  	[smem:$0x3FAD] =	sst s10  }
0x38: {  	s10 =	sld [smem:$0x3FAE]  }
0x39: {  	_ = 	snop;
	(pc) =	sbr.ind lr, $3  }
0x3a: {  	_ = 	snop  }
0x3b: {  	_ = 	snop  }
0x3c: {  	p2 =	seq.s32 s10, $0x1;
	s10 =	sld [smem:$0x3FAD]  }
0x3d: {  	_ =	shalt  }
0x3e: {  	_ =	shalt  }
0x3f: {  	_ =	shalt  }
0x40: {  	_ =	shalt  }
0x41: {  	_ =	shalt  }
0x42: {  	_ =	shalt  }
0x43: {  	_ =	shalt  }
0x44: {  	_ =	shalt  }
0x45: {  	_ =	shalt  }
0x46: {  	_ =	shalt  }
0x47: {  	_ =	shalt  }
0x48: {  	_ =	shalt  }
0x49: {  	_ =	shalt  }
0x4a: {  	_ =	shalt  }
0x4b: {  	_ =	shalt  }
0x4c: {  	_ =	shalt  }
0x4d: {  	_ =	shalt  }
0x4e: {  	_ =	shalt  }
0x4f: {  	_ =	shalt  }
0x50: {  	_ =	shalt  }
0x51: {  	_ =	shalt  }
0x52: {  	_ =	shalt  }
0x53: {  	_ =	shalt  }
0x54: {  	_ =	shalt  }
0x55: {  	_ =	shalt  }
0x56: {  	_ =	shalt  }
0x57: {  	_ =	shalt  }
0x58: {  	_ =	shalt  }
0x59: {  	_ =	shalt  }
0x5a: {  	_ =	shalt  }
0x5b: {  	_ =	shalt  }
0x5c: {  	_ =	shalt  }
0x5d: {  	_ =	shalt  }
0x5e: {  	_ =	shalt  }
0x5f: {  	_ =	shalt  }
0x60: {  	_ =	shalt  }
0x61: {  	_ =	shalt  }
0x62: {  	_ =	shalt  }
0x63: {  	_ =	shalt  }
0x64: {  	_ =	shalt  }
0x65: {  	_ =	shalt  }
0x66: {  	_ =	shalt  }
0x67: {  	_ =	shalt  }
0x68: {  	_ =	shalt  }
0x69: {  	_ =	shalt  }
0x6a: {  	_ =	shalt  }
0x6b: {  	_ =	shalt  }
0x6c: {  	_ =	shalt  }
0x6d: {  	_ =	shalt  }
0x6e: {  	_ =	shalt  }
0x6f: {  	_ =	shalt  }
0x70: {  	_ =	shalt  }
0x71: {  	_ =	shalt  }
0x72: {  	_ =	shalt  }
0x73: {  	_ =	shalt  }
0x74: {  	_ =	shalt  }
0x75: {  	_ =	shalt  }
0x76: {  	_ =	shalt  }
0x77: {  	_ =	shalt  }
0x78: {  	_ =	shalt  }
0x79: {  	_ =	shalt  }
0x7a: {  	_ =	shalt  }
0x7b: {  	_ =	shalt  }
0x7c: {  	_ =	shalt  }
0x7d: {  	_ =	shalt  }
0x7e: {  	_ =	shalt  }
0x7f: {  	_ =	shalt  }
0x80: {  	_ =	shalt  }
0x81: {  	_ =	shalt  }
0x82: {  	_ =	shalt  }
0x83: {  	_ =	shalt  }
0x84: {  	_ =	shalt  }
0x85: {  	_ =	shalt  }
0x86: {  	_ =	shalt  }
0x87: {  	_ =	shalt  }
.Lfunc_end0:
.L_simem_size_0:
called_computation.1_lowered:
.L_overlay_start_0:
0x88: {  	s2 =	sld [smem:$0x3FD9]  }
0x89: {  	s3 =	sld [smem:$0x3FFE];
	_ =	sdelay $0x1  }
0x8a: {  	s1 =	srdreg.scid  }
0x8b: {  	s0 =	sand.u32 $0x1, s1  }
0x8c: {  	s17 =	sshll.u32 s0, $0xA;
	s2 =	sadd.s32 s3, s2  }
0x8d: {  	s2 =	sadd.s32 s2, s17  }
0x8e: {  	[smem:$0x3FB9] =	sst s2  }
0x8f: {  	_ = 	snop  }
0x90: {  	s2 =	sld [smem:$0x3FC8];
	(tm) =	ssettm $0x1  }
0x91: {  	s18 =	sld [smem:$0x3FFB];
	_ =	sdelay $0x3  }
0x92: {  	_ =	strace s18  }
0x93: {  	s3 =	sld [smem:$0x3FFC];
	_ =	sdelay $0x3  }
0x94: {  	_ =	strace s3  }
0x95: {  	s3 =	sld [smem:$0x3FFD];
	_ =	sdelay $0x3  }
0x96: {  	_ =	strace s3  }
0x97: {  	_ =	strace $0x8FFFFFFF  }
0x98: {  	s19 =	sld [smem:$0x3FDB];
	_ =	sdelay $0x1  }
0x99: {  	s4 =	simm.s32 $_scs_section_size  }
0x9a: {  	s5 =	simm.s32 $_size__tile_overlayer_lowered;
	s6 =	simm.s32 $_tile_overlayer_lowered  }
0x9b: {  	s22 =	simm.s32 $0x1BFF;
	s21 =	sshll.u32 s6, $0x1;
	s3 =	sadd.s32 s4, s19  }
0x9c: {  	s7 =	simm.s32 $0x0;
	s20 =	sshll.u32 s5, $0x1;
	s5 =	sadd.s32 s21, s3  }
0x9d: {  	[timem:s7], [sflag:s22] =	dma.local [hbm:s5], s20  }
0x9e: {  	_ =	swait.ge [sflag:s22], s20  }
0x9f: {  	s4 =	ssub.s32 $0x0, s20;
	[sflag:s22] =	ssyncset.done $0x0  }
0xa0: {  	[sflag:s22] =	ssyncadd.s32 s4;
	_ =	sdelay $0x1  }
0xa1: {  	s23 =	simm.s32 $0x1B8B  }
0xa2: {  	_ =	swait.ge [sflag:s23], $0x1  }
0xa3: {  	[sflag:s23] =	ssyncset.done $0x0  }
0xa4: {  	s25 =	simm.s32 $0x1B8E;
	s24 =	sld [smem:$0x3FFE];
	[sflag:s23] =	ssyncadd.s32 $0xFFFFFFFF  }
0xa5: {  	s26 =	simm.s32 $execute0_lowered;
	[smem:$0x3FD2] =	sst s25  }
0xa6: {  	s5 =	sshll.u32 s26, $0x1;
	_ =	strace $0x80000049;
	[dreg:$0x1] =	wrdreg $0xFFFFFFFF  }
0xa7: {  	s28 =	simm.s32 $_size_execute0_lowered;
	s3 =	sadd.s32 s3, s5;
	[dreg:$0x0] =	wrdreg $0x0  }
0xa8: {  	s5 =	sshll.u32 s28, $0x1;
	[dreg:$0x2] =	wrdreg s3  }
0xa9: {  	[dreg:$0x3] =	wrdreg s5  }
0xaa: {  	[dreg:$0x4] =	wrdreg $0xC0  }
0xab: {  	_ =	task [dreg:s7], $0x5FFFF  }
0xac: {  	[dreg:$0x1] =	wrdreg $0xFFFFFFFF  }
0xad: {  	[dreg:$0x0] =	wrdreg $0x60  }
0xae: {  	[dreg:$0x2] =	wrdreg s24  }
0xaf: {  	[dreg:$0x3] =	wrdreg s2  }
0xb0: {  	[dreg:$0x4] =	wrdreg $0xB5800  }
0xb1: {  	[dreg:$0x5] =	wrdreg $0x9  }
0xb2: {  	_ =	task.clear_ibuf [dreg:s7], $0x6FFFF;
	_ =	strace $0x90000049  }
0xb3: {  	s29 =	simm.s32 $0x9;
	_ =	strace $0x8000004B  }
0xb4: {  	_ =	swait.ge [sflag:s29], $0x1  }
0xb5: {  	[sflag:s29] =	ssyncadd.s32 $0xFFFFFFFF  }
0xb6: {  	_ =	strace $0x9000004B  }
0xb7: {  	_ =	sfence  }
0xb8: {  	s30 =	sld [smem:$0x0];
	_ =	sdelay $0x2  }
0xb9: {  	s31 =	sshll.u32 s1, $0xD;
	s1 =	sshrl.u32 s1, $0x2  }
0xba: {  	s3 =	sand.u32 $0x4000, s31;
	s1 =	sadd.s32 s1, s30  }
0xbb: {  	s0 =	sor.u32 s3, s0;
	s1 =	sshll.u32 s1, $0x11  }
0xbc: {  	s0 =	sor.u32 s1, s0  }
0xbd: {  	s0 =	sadd.s32 $0x8F2B, s0  }
0xbe: {  	[sflag:s0] =	ssyncadd.remote.s32 $0x1  }
0xbf: {  	_ =	sfence.sel $0xFFFF  }
0xc0: {  	[dreg:$0x0] =	wrdreg $0xFFFFFFFF;
	(pc) =	sbr.abs _section_cstart, $3  }
0xc1: {  	[dreg:$0x1] =	wrdreg $0xFFFFFFFF  }
0xc2: {  	_ =	task.clear_ibuf [dreg:s7], $0x2FFFF;
	_ =	strace $0x9FFFFFFF  }
0xc3: {  	(tm) =	ssettm $0x7FFFFFFF  }
tec
execute0_lowered:
.L_overlay_start_1:
0x0: {  	(tag) =	ssettag $0x1  }
0x1: {  	s0 =	rddreg [dreg:$0x0]  }
0x2: {  	s1 =	rddreg [dreg:$0x1]  }
0x3: {  	s2 =	rddreg [dreg:$0x2];
	s3 =	srdreg.scid  }
0x4: {  	s4 =	simm.s32 $0x0;
	s26 =	stileid.u32;
	s28 =	simm.s32 $0x3  }
0x5: {  	s29 =	simm.s32 $0x100;
	s30 =	simm.s32 $0x80;
	s13 =	smul.u32 $0x2700, s26  }
0x6: {  	s31 =	simm.s32 $0x4100;
	s3 =	sand.u32 $0x1, s3;
	s14 =	smul.u32 $0x13800, s26  }
0x7: {  	[smem:$0x7FF] =	sst s4;
	s12 =	sadd.s32 $0x4E8400, s0;
	s15 =	smul.u32 $0x4E000, s26  }
0x8: {  	s11 =	sadd.s32 $0x6400, s0;
	s20 =	smul.u32 $0x2710, s26;
	p1 =	sne.s32 s26, $0xF  }
0x9: {  	p2 =	seq.s32 s26, $0xF;
	s5 =	sshll.u32 s3, $0x4;
	s6 =	ssub.s32 $0x2, s3  }
0xa: {  	_ =	strace $0x8000004A;
	p0 =	seq.s32 s3, $0x1;
	s7 =	sor.u32 s26, s5  }
0xb: {  	s21 =	sshrl.u32 s6, $0x1;
	s5 =	sadd.s32 $0x138000, s2;
	s24 =	sshrl.u32 s14, $0x3  }
0xc: {  	s25 =	sadd.s32 s11, s13;
	s13 =	sadd.s32 $0x2D400, s0;
	s14 =	smul.u32 $0x27100, s3  }
0xd: {  	s0 =	sadd.s32 $0x54500, s0;
	s3 =	smul.u32 $0x271000, s3;
	[dreg:$0x8] =	wrdreg s25  }
0xe: {  	s10 =	smul.u32 $0x2710, s7;
	s6 =	ssub.s32 s6, s21;
	[dreg:$0x9] =	wrdreg s13  }
0xf: {  	s7 =	smul.u32 $0x27100, s7;
	[dreg:$0xb] =	wrdreg s0;
	s13 =	simm.s32 $0x8100  }
0x10: {  	s0 =	sadd.s32 s20, s14;
	s3 =	sadd.s32 s3, s12;
	s14 =	simm.s32 $0x0  }
0x11: {  	s8 =	sshrl.u32 s10, $0x3;
	s9 =	sadd.s32 $0x2700, s10;
	s7 =	sadd.s32 s12, s7  }
0x12: {  	s21 =	sadd.s32 $0x2680, s10;
	s10 =	simm.s32 $0x2;
	s8 =	sadd.s32 s1, s8  }
0x13: {  	[dreg:$0x5] =	wrdreg s7;
	s22 =	sshrl.u32 s9, $0x3;
	s23 =	sshll.u32 s9, $0x4  }
0x14: {  	s9 =	sshrl.u32 s15, $0x2;
	s15 =	smax.u32 s6, $0x1;
	[dreg:$0x4] =	wrdreg s8  }
0x15: {  	s7 =	sadd.s32 s1, s22;
	s22 =	smul.u32 $0x27100, s26;
	s26 =	simm.s32 $0x8180  }
0x16: {  	[dreg:$0x6] =	wrdreg s7;
	s7 =	sadd.s32 s12, s23;
	s23 =	sshrl.u32 s21, $0x3  }
0x17: {  	[dreg:$0x7] =	wrdreg s7;
	s7 =	sadd.s32 s11, s24;
	s11 =	sadd.s32 s9, s2  }
0x18: {  	s3 =	sadd.s32 s22, s3;
	s24 =	sadd.s32 $0x80, s0;
	s22 =	sadd.s32 s1, s23  }
.Ltmp0:
0x19: {  	s7 =	sadd.s32 $0x27100, s7;
	s16 =	sadd.s32 $0x3400, s11;
	(pc) =	sbr.rel .LBB2_1-.Ltmp0, $4  }
0x1a: {  	s17 =	sadd.s32 $0x6800, s11;
	s18 =	sadd.s32 $0x9C00, s11;
	s19 =	sadd.s32 $0xD000, s11  }
0x1b: {  	s25 =	sshrl.u32 s24, $0x3;
	s23 =	sadd.s32 $0x1000, s3;
	s24 =	sadd.s32 $0x100, s0  }
0x1c: {  	s0 =	simm.s32 $0x1;
	[dreg:$0xa] =	wrdreg s7;
	s7 =	sshll.u32 s21, $0x4  }
0x1d: {  	v0 =	vimm.f32 $0.0e+00;
	s21 =	sadd.s32 $0x10400, s11;
	s25 =	sadd.s32 s25, s1;
	s20 =	sadd.s32 s12, s7  }
.LBB2_8:
0x1e: {  	s7 =	sshrl.u32 s5, $0x3  }
0x1f: {  	[hbm:s6], [sflag:s3] =	dma.local [spmem:s7], $0x100  }
0x20: {  	_ =	swait.ge [sflag:s28], $0x100  }
0x21: {  	[sflag:s28] =	ssyncset.done $0x0  }
0x22: {  	[sflag:s28] =	ssyncadd.s32 $0xFFFFFF00  }
.LBB2_9:
0x23: {  	s14 =	sadd.s32 $0x1, s14  }
0x24: {  	p3 =	sne.s32 s14, s15  }
.Ltmp1:
0x25: {  	_ = 	snop;
	(pc) =	sbr.rel @!p3 .LBB2_10-.Ltmp1, $1  }
0x26: {  	_ =	sdelay $0x3  }
.LBB2_1:
0x27: {  	s3 =	sand.u32 $0xFE00, s4  }
0x28: {  	s6 =	sand.u32 $0x70, s4;
	s7 =	sshrl.u32 s3, $0x2  }
0x29: {  	s3 =	simm.s32 $0x40;
	s7 =	sor.u32 s6, s7;
	s6 =	simm.s32 $0x0  }
.LBB2_2:
0x2a: {  	p3 =	sne.s32 s3, $0xCFC0  }
0x2b: {  	[tilespmem:s7+$0x8180] =	vst v0;
	s6 =	sadd.s32 $0x10, s6;
	s7 =	smov.u32 s3;
	s3 =	sadd.s32 $0x40, s3  }
.Ltmp2:
0x2c: {  	(pc) =	sbr.rel @p3 .LBB2_2-.Ltmp2, $4  }
0x2d: {  	_ = 	snop  }
0x2e: {  	s7 =	sand.u32 $0xFE00, s7  }
0x2f: {  	s12 =	sand.u32 $0x70, s6;
	s7 =	sshrl.u32 s7, $0x2  }
0x30: {  	s7 =	sor.u32 s12, s7  }
0x31: {  	[tilespmem:s7+$0x8180] =	vst v0  }
0x32: {  	[spmem:s11] =	stream.linear.scatter [tilespmem:s26], [sflag:$0x3], $0x3400, $0x38;
	[tilespmem:$0x1EE00] =	vst v63  }
0x33: {  	_ =	swait.ge [sflag:s28], $0x3400  }
0x34: {  	[sflag:s28] =	ssyncset.done $0x0  }
0x35: {  	[sflag:s28] =	ssyncadd.s32 $0xFFFFCC00  }
0x36: {  	[spmem:s16] =	stream.linear.scatter [tilespmem:s26], [sflag:$0x3], $0x3400, $0x38;
	[tilespmem:$0x1EE00] =	vst v63  }
0x37: {  	_ =	swait.ge [sflag:s28], $0x3400  }
0x38: {  	[sflag:s28] =	ssyncset.done $0x0  }
0x39: {  	[sflag:s28] =	ssyncadd.s32 $0xFFFFCC00  }
0x3a: {  	[spmem:s17] =	stream.linear.scatter [tilespmem:s26], [sflag:$0x3], $0x3400, $0x38;
	[tilespmem:$0x1EE00] =	vst v63  }
0x3b: {  	_ =	swait.ge [sflag:s28], $0x3400  }
0x3c: {  	[sflag:s28] =	ssyncset.done $0x0  }
0x3d: {  	[sflag:s28] =	ssyncadd.s32 $0xFFFFCC00  }
0x3e: {  	[spmem:s18] =	stream.linear.scatter [tilespmem:s26], [sflag:$0x3], $0x3400, $0x38;
	[tilespmem:$0x1EE00] =	vst v63  }
0x3f: {  	_ =	swait.ge [sflag:s28], $0x3400  }
0x40: {  	[sflag:s28] =	ssyncset.done $0x0  }
0x41: {  	[sflag:s28] =	ssyncadd.s32 $0xFFFFCC00  }
0x42: {  	[spmem:s19] =	stream.linear.scatter [tilespmem:s26], [sflag:$0x3], $0x3400, $0x38;
	[tilespmem:$0x1EE00] =	vst v63  }
0x43: {  	_ =	swait.ge [sflag:s28], $0x3400  }
0x44: {  	[sflag:s28] =	ssyncset.done $0x0  }
0x45: {  	[sflag:s28] =	ssyncadd.s32 $0xFFFFCC00  }
0x46: {  	[spmem:s21] =	stream.linear.scatter [tilespmem:s26], [sflag:$0x3], $0x3400, $0x38;
	[tilespmem:$0x1EE00] =	vst v63  }
0x47: {  	_ =	swait.ge [sflag:s28], $0x3400  }
0x48: {  	[sflag:s28] =	ssyncset.done $0x0  }
0x49: {  	s3 =	simm.s32 @!p1 $0x8180;
	[sflag:s28] =	ssyncadd.s32 $0xFFFFCC00  }
0x4a: {  	[spmem:s5] =	stream.linear.scatter @!p1 [tilespmem:s3], [sflag:$0x3], $0x800, $0x38;
	[tilespmem:$0x1EE00] =	vst v63  }
0x4b: {  	s3 =	simm.s32 @!p1 $0x3  }
0x4c: {  	_ =	swait.ge @!p1 [sflag:s3], $0x800  }
0x4d: {  	[sflag:s3] =	ssyncset.done @!p1 $0x0  }
0x4e: {  	[sflag:s3] =	ssyncadd.s32 @!p1 $0xFFFFF800  }
0x4f: {  	[bflag:$0x0] =	sbarrier.arrive $0xFFFF  }
0x50: {  	s12 =	simm.s32 $0x0;
	s6 =	rddreg [dreg:$0x4]  }
0x51: {  	[tilespmem:s12], [sflag:$0x1] =	stream.linear.gather [hbm4b:s6+s12], $0x80, $0x38;
	[tilespmem:$0x1EE00] =	vst v63  }
0x52: {  	s7 =	rddreg [dreg:$0x5]  }
0x53: {  	[tilespmem:s29], [sflag:$0x1] =	stream.linear.gather [hbm4b:s7+s12], $0x4000, $0x38;
	[tilespmem:$0x1EE00] =	vst v63  }
0x54: {  	s8 =	sadd.s32 $0x0, s25  }
0x55: {  	[tilespmem:s30], [sflag:$0x2] =	stream.linear.gather [hbm4b:s8+s4], $0x80, $0x38;
	[tilespmem:$0x1EE00] =	vst v63  }
0x56: {  	s9 =	sadd.s32 $0xFFFFF800, s23  }
0x57: {  	[tilespmem:s31], [sflag:$0x2] =	stream.linear.gather [hbm4b:s9+s4], $0x4000, $0x38;
	[tilespmem:$0x1EE00] =	vst v63  }
0x58: {  	_ =	swait.ge [sflag:s0], $0x80  }
0x59: {  	[sflag:s0] =	ssyncset.done $0x0  }
0x5a: {  	[sflag:s0] =	ssyncadd.s32 $0xFFFFFF80  }
0x5b: {  	_ =	swait.ge [sflag:s0], $0x4000  }
0x5c: {  	[sflag:s0] =	ssyncset.done $0x0  }
0x5d: {  	[sflag:s0] =	ssyncadd.s32 $0xFFFFC000  }
0x5e: {  	[spmem:s2] =	stream.indirect.scatter.add.f32 [tilespmem:s29], [sflag:$0x3], $0x80, s4, s30, $0xb8;
	[tilespmem:$0x1EE00] =	vst v63  }
0x5f: {  	_ =	swait.ge [sflag:s28], $0x4000  }
0x60: {  	s12 =	sshrl.u32 s24, $0x3;
	[sflag:s28] =	ssyncset.done $0x0  }
0x61: {  	s3 =	sadd.s32 s1, s12;
	[sflag:s28] =	ssyncadd.s32 $0xFFFFC000  }
0x62: {  	[tilespmem:s4], [sflag:$0x1] =	stream.linear.gather [hbm4b:s3+s4], $0x80, $0x38;
	[tilespmem:$0x1EE00] =	vst v63  }
0x63: {  	_ = 	snop  }
0x64: {  	[tilespmem:s29], [sflag:$0x1] =	stream.linear.gather [hbm4b:s23+s4], $0x4000, $0x38;
	[tilespmem:$0x1EE00] =	vst v63  }
0x65: {  	_ =	swait.ge [sflag:s10], $0x80  }
0x66: {  	[sflag:s10] =	ssyncset.done $0x0  }
0x67: {  	[sflag:s10] =	ssyncadd.s32 $0xFFFFFF80  }
0x68: {  	_ =	swait.ge [sflag:s10], $0x4000  }
0x69: {  	[sflag:s10] =	ssyncset.done $0x0  }
0x6a: {  	[sflag:s10] =	ssyncadd.s32 $0xFFFFC000  }
0x6b: {  	[spmem:s2] =	stream.indirect.scatter.add.f32 [tilespmem:s31], [sflag:$0x3], $0x80, s30, s30, $0xb8;
	[tilespmem:$0x1EE00] =	vst v63  }
0x6c: {  	s6 =	simm.s32 $0x20;
	s7 =	simm.s32 $0x40;
	_ =	swait.ge [sflag:s28], $0x4000  }
0x6d: {  	s12 =	sadd.s32 $0x1000, s23;
	s3 =	sadd.s32 $0x100, s24;
	[sflag:s28] =	ssyncset.done $0x0  }
.LBB2_4:
0x6e: {  	s8 =	sadd.s32 s6, s25  }
0x6f: {  	[sflag:s28] =	ssyncadd.s32 $0xFFFFC000;
	s6 =	smov.u32 s7;
	s9 =	sadd.s32 $0x20, s7  }
0x70: {  	[tilespmem:s30], [sflag:$0x2] =	stream.linear.gather [hbm4b:s8+s4], $0x80, $0x38;
	[tilespmem:$0x1EE00] =	vst v63  }
0x71: {  	p3 =	sne.s32 s7, $0x4A0;
	s7 =	sadd.s32 $0xFFFFF800, s12  }
0x72: {  	[tilespmem:s31], [sflag:$0x2] =	stream.linear.gather [hbm4b:s7+s4], $0x4000, $0x38;
	[tilespmem:$0x1EE00] =	vst v63  }
0x73: {  	_ =	swait.ge [sflag:s0], $0x80  }
0x74: {  	[sflag:s0] =	ssyncset.done $0x0  }
0x75: {  	[sflag:s0] =	ssyncadd.s32 $0xFFFFFF80  }
0x76: {  	_ =	swait.ge [sflag:s0], $0x4000  }
0x77: {  	[sflag:s0] =	ssyncset.done $0x0  }
0x78: {  	[sflag:s0] =	ssyncadd.s32 $0xFFFFC000  }
0x79: {  	[spmem:s2] =	stream.indirect.scatter.add.f32 [tilespmem:s29], [sflag:$0x3], $0x80, s4, s30, $0xb8;
	[tilespmem:$0x1EE00] =	vst v63  }
0x7a: {  	_ =	swait.ge [sflag:s28], $0x4000  }
0x7b: {  	s7 =	sshrl.u32 s3, $0x3;
	[sflag:s28] =	ssyncset.done $0x0  }
0x7c: {  	s7 =	sadd.s32 s1, s7;
	[sflag:s28] =	ssyncadd.s32 $0xFFFFC000  }
0x7d: {  	[tilespmem:s4], [sflag:$0x1] =	stream.linear.gather [hbm4b:s7+s4], $0x80, $0x38;
	[tilespmem:$0x1EE00] =	vst v63  }
0x7e: {  	_ = 	snop  }
0x7f: {  	[tilespmem:s29], [sflag:$0x1] =	stream.linear.gather [hbm4b:s12+s4], $0x4000, $0x38;
	[tilespmem:$0x1EE00] =	vst v63  }
0x80: {  	_ =	swait.ge [sflag:s10], $0x80  }
0x81: {  	[sflag:s10] =	ssyncset.done $0x0  }
0x82: {  	[sflag:s10] =	ssyncadd.s32 $0xFFFFFF80  }
0x83: {  	_ =	swait.ge [sflag:s10], $0x4000  }
.Ltmp3:
0x84: {  	[sflag:s10] =	ssyncset.done $0x0;
	(pc) =	sbr.rel @p3 .LBB2_4-.Ltmp3, $4  }
0x85: {  	[sflag:s10] =	ssyncadd.s32 $0xFFFFC000  }
0x86: {  	[spmem:s2] =	stream.indirect.scatter.add.f32 [tilespmem:s31], [sflag:$0x3], $0x80, s30, s30, $0xb8;
	[tilespmem:$0x1EE00] =	vst v63  }
0x87: {  	s3 =	sadd.s32 $0x100, s3;
	_ =	swait.ge [sflag:s28], $0x4000  }
0x88: {  	s7 =	smov.u32 s9;
	s12 =	sadd.s32 $0x1000, s12;
	[sflag:s28] =	ssyncset.done $0x0  }
0x89: {  	s6 =	sadd.s32 s6, s25;
	[sflag:s28] =	ssyncadd.s32 $0xFFFFC000  }
0x8a: {  	[tilespmem:s30], [sflag:$0x2] =	stream.linear.gather [hbm4b:s6+s4], $0x80, $0x38;
	[tilespmem:$0x1EE00] =	vst v63  }
0x8b: {  	s9 =	sadd.s32 $0xFFFFF800, s12  }
0x8c: {  	[tilespmem:s31], [sflag:$0x2] =	stream.linear.gather [hbm4b:s9+s4], $0x4000, $0x38;
	[tilespmem:$0x1EE00] =	vst v63  }
0x8d: {  	_ =	swait.ge [sflag:s0], $0x80  }
0x8e: {  	[sflag:s0] =	ssyncset.done $0x0  }
0x8f: {  	[sflag:s0] =	ssyncadd.s32 $0xFFFFFF80  }
0x90: {  	_ =	swait.ge [sflag:s0], $0x4000  }
0x91: {  	[sflag:s0] =	ssyncset.done $0x0  }
0x92: {  	[sflag:s0] =	ssyncadd.s32 $0xFFFFC000  }
0x93: {  	[spmem:s2] =	stream.indirect.scatter.add.f32 [tilespmem:s29], [sflag:$0x3], $0x80, s4, s30, $0xb8;
	[tilespmem:$0x1EE00] =	vst v63  }
0x94: {  	_ =	swait.ge [sflag:s28], $0x4000  }
0x95: {  	s3 =	sshrl.u32 s3, $0x3;
	[sflag:s28] =	ssyncset.done $0x0  }
0x96: {  	s3 =	sadd.s32 s1, s3;
	[sflag:s28] =	ssyncadd.s32 $0xFFFFC000  }
0x97: {  	[tilespmem:s4], [sflag:$0x1] =	stream.linear.gather [hbm4b:s3+s4], $0x80, $0x38;
	[tilespmem:$0x1EE00] =	vst v63  }
0x98: {  	_ = 	snop  }
0x99: {  	[tilespmem:s29], [sflag:$0x1] =	stream.linear.gather [hbm4b:s12+s4], $0x4000, $0x38;
	[tilespmem:$0x1EE00] =	vst v63  }
0x9a: {  	_ =	swait.ge [sflag:s10], $0x80  }
0x9b: {  	[sflag:s10] =	ssyncset.done $0x0  }
0x9c: {  	[sflag:s10] =	ssyncadd.s32 $0xFFFFFF80  }
0x9d: {  	_ =	swait.ge [sflag:s10], $0x4000  }
0x9e: {  	[sflag:s10] =	ssyncset.done $0x0  }
0x9f: {  	[sflag:s10] =	ssyncadd.s32 $0xFFFFC000  }
0xa0: {  	[spmem:s2] =	stream.indirect.scatter.add.f32 [tilespmem:s31], [sflag:$0x3], $0x80, s30, s30, $0xb8;
	[tilespmem:$0x1EE00] =	vst v63  }
0xa1: {  	_ =	swait.ge [sflag:s28], $0x4000  }
0xa2: {  	[sflag:s28] =	ssyncset.done $0x0  }
0xa3: {  	[sflag:s28] =	ssyncadd.s32 $0xFFFFC000  }
0xa4: {  	[tilespmem:s30], [sflag:$0x2] =	stream.linear.gather [hbm4b:s22+s4], $0x80, $0x38;
	[tilespmem:$0x1EE00] =	vst v63  }
0xa5: {  	_ = 	snop  }
0xa6: {  	[tilespmem:s31], [sflag:$0x2] =	stream.linear.gather [hbm4b:s20+s4], $0x4000, $0x38;
	[tilespmem:$0x1EE00] =	vst v63  }
0xa7: {  	_ =	swait.ge [sflag:s0], $0x80  }
0xa8: {  	[sflag:s0] =	ssyncset.done $0x0  }
0xa9: {  	[sflag:s0] =	ssyncadd.s32 $0xFFFFFF80  }
0xaa: {  	_ =	swait.ge [sflag:s0], $0x4000  }
0xab: {  	[sflag:s0] =	ssyncset.done $0x0  }
0xac: {  	[sflag:s0] =	ssyncadd.s32 $0xFFFFC000  }
0xad: {  	[spmem:s2] =	stream.indirect.scatter.add.f32 [tilespmem:s29], [sflag:$0x3], $0x80, s4, s30, $0xb8;
	[tilespmem:$0x1EE00] =	vst v63  }
0xae: {  	_ =	swait.ge [sflag:s28], $0x4000  }
0xaf: {  	[sflag:s28] =	ssyncset.done $0x0  }
0xb0: {  	[sflag:s28] =	ssyncadd.s32 $0xFFFFC000  }
0xb1: {  	_ =	swait.ge [sflag:s10], $0x80  }
0xb2: {  	[sflag:s10] =	ssyncset.done $0x0  }
0xb3: {  	[sflag:s10] =	ssyncadd.s32 $0xFFFFFF80  }
0xb4: {  	_ =	swait.ge [sflag:s10], $0x4000  }
0xb5: {  	[sflag:s10] =	ssyncset.done $0x0  }
0xb6: {  	[sflag:s10] =	ssyncadd.s32 $0xFFFFC000  }
0xb7: {  	[spmem:s2] =	stream.indirect.scatter.add.f32 [tilespmem:s31], [sflag:$0x3], $0x80, s30, s30, $0xb8;
	[tilespmem:$0x1EE00] =	vst v63  }
0xb8: {  	_ =	swait.ge [sflag:s28], $0x4000  }
0xb9: {  	[sflag:s28] =	ssyncset.done $0x0  }
0xba: {  	s7 =	rddreg [dreg:$0x6];
	[sflag:s28] =	ssyncadd.s32 $0xFFFFC000  }
0xbb: {  	[tilespmem:s13], [sflag:$0x3] =	stream.linear.gather [hbm4b:s7+s4], $0x10, $0x38;
	[tilespmem:$0x1EE00] =	vst v63  }
0xbc: {  	_ =	swait.ge [sflag:s28], $0x10  }
0xbd: {  	[sflag:s28] =	ssyncset.done $0x0  }
0xbe: {  	s8 =	rddreg [dreg:$0x7];
	[sflag:s28] =	ssyncadd.s32 $0xFFFFFFF0  }
0xbf: {  	[tilespmem:s29], [sflag:$0x1] =	stream.linear.gather [hbm4b:s8+s4], $0x800, $0x38;
	[tilespmem:$0x1EE00] =	vst v63  }
0xc0: {  	_ =	swait.ge [sflag:s0], $0x800  }
0xc1: {  	[sflag:s0] =	ssyncset.done $0x0  }
0xc2: {  	s9 =	simm.s32 $0x10;
	[sflag:s0] =	ssyncadd.s32 $0xFFFFF800  }
0xc3: {  	[spmem:s2] =	stream.indirect.scatter.add.f32 [tilespmem:s29], [sflag:$0x3], $0x80, s13, s9, $0xb8;
	[tilespmem:$0x1EE00] =	vst v63  }
.Ltmp4:
0xc4: {  	_ =	swait.ge [sflag:s28], $0x800;
	(pc) =	sbr.rel @!p0 .LBB2_6-.Ltmp4, $4  }
0xc5: {  	[sflag:s28] =	ssyncset.done $0x0  }
0xc6: {  	s12 =	stileid.u32;
	[sflag:s28] =	ssyncadd.s32 $0xFFFFF800  }
0xc7: {  	s7 =	sshll.u32 s12, $0x6;
	[bflag:$0x0] =	sbarrier.arrive $0xFFFF  }
0xc8: {  	s6 =	sshrl.u32 s11, $0x3;
	s3 =	sor.u32 $0x1C03, s7  }
0xc9: {  	s3 =	sor.u32 $0x1C03, s7;
	s12 =	rddreg [dreg:$0xa]  }
0xca: {  	[hbm:s12], [sflag:s3] =	dma.local [spmem:s6], $0x2700  }
.Ltmp5:
0xcb: {  	_ = 	snop;
	(pc) =	sbr.rel @p1 .LBB2_9-.Ltmp5, $4  }
.Ltmp6:
0xcc: {  	_ = 	snop;
	(pc) =	sbr.rel @!p1 .LBB2_8-.Ltmp6, $4  }
0xcd: {  	_ =	swait.ge [sflag:s28], $0x2700  }
0xce: {  	[sflag:s28] =	ssyncset.done $0x0  }
0xcf: {  	s6 =	rddreg [dreg:$0xb];
	[sflag:s28] =	ssyncadd.s32 $0xFFFFD900  }
0xd0: {  	_ = 	snop  }
.LBB2_6:
0xd1: {  	s7 =	rddreg [dreg:$0x8]  }
0xd2: {  	[hbm:s7], [sflag:s3] =	dma.local [spmem:s6], $0x2700  }
.Ltmp7:
0xd3: {  	_ = 	snop;
	(pc) =	sbr.rel @p2 .LBB2_8-.Ltmp7, $4  }
.Ltmp8:
0xd4: {  	_ = 	snop;
	(pc) =	sbr.rel @!p2 .LBB2_9-.Ltmp8, $4  }
0xd5: {  	_ =	swait.ge [sflag:s28], $0x2700  }
0xd6: {  	[sflag:s28] =	ssyncset.done $0x0  }
0xd7: {  	s6 =	rddreg [dreg:$0x9];
	[sflag:s28] =	ssyncadd.s32 $0xFFFFD900  }
0xd8: {  	_ = 	snop  }
.LBB2_10:
0xd9: {  	_ =	sfence.sel $0x180000  }
0xda: {  	[bflag:$0x0] =	sbarrier.arrive $0xFFFF  }
0xdb: {  	_ =	strace $0x9000004A  }
0xdc: {  	s0 =	stileid.u32;
	[bflag:$0x2] =	sbarrier.arrive $0xFFFF  }
0xdd: {  	p0 =	sne.s32 s0, $0x0;
	s0 =	rddreg [dreg:$0x3]  }
0xde: {  	s0 =	sadd.s32 @!p0 $0x100000, s0  }
0xdf: {  	[sflag:s0] =	ssyncadd.tile.s32 @!p0 $0x1;
	_ =	shalt  }
.Lfunc_end2:
_tile_overlayer_lowered:
.L_overlay_start_2:
0xe0: {  	(tag) =	ssettag $0x2  }
0xe1: {  	s0 =	rddreg [dreg:$0x0];
	s2 =	stileid.u32  }
0xe2: {  	s1 =	rddreg [dreg:$0x1];
	p0 =	sne.s32 s2, $0x0  }
0xe3: {  	s3 =	rddreg [dreg:$0x2];
	[bflag:$0x3] =	sbarrier.arrive $0xFFFF;
	s2 =	simm.s32 @!p0 $0x1C03  }
0xe4: {  	[timem:s3], [sflag:s2] =	dma.local @!p0 [hbm:s0], s1  }
0xe5: {  	s0 =	simm.s32 @!p0 $0x3  }
0xe6: {  	_ =	swait.ge @!p0 [sflag:s0], s1  }
0xe7: {  	s1 =	ssub.s32 @!p0 $0x0, s1;
	[sflag:s0] =	ssyncset.done @!p0 $0x0  }
0xe8: {  	[sflag:s0] =	ssyncadd.s32 @!p0 s1  }
0xe9: {  	[bflag:$0x3] =	sbarrier.arrive $0xFFFF  }
0xea: {  	_ =	shalt  }

// kernel: kernel.16.cloned.1.call-start
scs
__scs_entry_jumppad:
0x0: {  	(pc) =	sbr.rel $0x88, $3  }
0x1: {  	(tag) =	ssettag $0x0;
	lr =	simm.s32 $0x1  }
0x2: {  	[smem:$0x3F92] =	sst lr;
	_ =	strace $0xD0000000  }
0x3: {  	_ = 	snop  }
0x4: {  	_ = 	snop  }
0x5: {  	_ = 	snop  }
0x6: {  	_ = 	snop  }
0x7: {  	_ = 	snop  }
__scs_overlays_trampoline_lowered:
0x8: {  	[smem:$0x3FA1] =	sst s0  }
0x9: {  	[smem:$0x3FA2] =	sst s1  }
0xa: {  	[smem:$0x3FA3] =	sst s2  }
0xb: {  	[smem:$0x3FA4] =	sst s3  }
0xc: {  	[smem:$0x3FA5] =	sst s4  }
0xd: {  	[smem:$0x3FA6] =	sst s5  }
0xe: {  	[smem:$0x3FA7] =	sst s6  }
0xf: {  	[smem:$0x3FA8] =	sst s7  }
0x10: {  	[smem:$0x3FA9] =	sst s8  }
0x11: {  	[smem:$0x3FAA] =	sst s9;
	s0 =	simm.s32 @!p0 $0x0  }
0x12: {  	s1 =	sld [smem:$0x3F90];
	s0 =	simm.s32 @p0 $0x1  }
0x13: {  	[smem:$0x3FAB] =	sst s0;
	s0 =	simm.s32 @!p1 $0x0  }
0x14: {  	s2 =	sld [smem:$0x3F8F];
	s0 =	simm.s32 @p1 $0x1  }
0x15: {  	[smem:$0x3FAC] =	sst s0;
	s0 =	simm.s32 @!p2 $0x0  }
0x16: {  	s3 =	sld [smem:$0x3FDB];
	s0 =	simm.s32 @p2 $0x1  }
0x17: {  	s4 =	simm.s32 $0x1BF5;
	[smem:$0x3FAE] =	sst s0  }
0x18: {  	s0 =	sld [smem:$0x3F91];
	_ =	swait.ge [sflag:s4], $0x0  }
0x19: {  	s7 =	sld [smem:$0x3F92]  }
0x1a: {  	s8 =	sadd.s32 $0xFFFFE003, lr  }
0x1b: {  	s9 =	sadd.s32 $0xFFFFFEF7, lr;
	s5 =	simm.s32 $0xFFFFFFFF;
	p2 =	slt.u32 s8, $0xFFFFF086  }
0x1c: {  	p1 =	slt.u32 s9, $0xF7A;
	s5 =	simm.s32 @!p2 $0x0  }
0x1d: {  	s5 =	simm.s32 @p1 $0x1;
	p0 =	seq.s32 s7, s2  }
0x1e: {  	s7 =	smul.u32 @!p0 $0xF7A, s2;
	p2 =	seq.s32 @!p0 s5, $0x0  }
0x1f: {  	s9 =	smul.u32 $0xF7A, s1;
	s8 =	simm.s32 @!p0 $0x1BF5;
	p2 =	por !p2, p0  }
0x20: {  	[sflag:s8] =	ssyncset.s32 @!p0 $0xFFFFF086;
	s6 =	sadd.s32 @!p0 s3, s7;
	s7 =	simm.s32 @!p0 $0x108  }
0x21: {  	s3 =	sadd.s32 s3, s9;
	s6 =	sadd.s32 @!p0 $0x88, s6;
	s7 =	simm.s32 @p2 $0x1082  }
0x22: {  	[simem:s7], [sflag:s8] =	dma.local @!p0 [hbm:s6], $0xF7A  }
0x23: {  	s9 =	sor.u32 $0xD0000000, s2;
	s6 =	simm.s32 $0x108;
	_ =	swait.ge @!p0 [sflag:s8], $0x0  }
0x24: {  	s3 =	sadd.s32 $0x88, s3;
	s6 =	simm.s32 @!p1 $0x1082;
	[sflag:s4] =	ssyncset.s32 $0xFFFFF086  }
0x25: {  	[simem:s6], [sflag:s4] =	dma.local [hbm:s3], $0xF7A  }
0x26: {  	[smem:$0x3F92] =	sst s1;
	(tag) =	ssettag s2;
	_ =	strace s9  }
0x27: {  	s1 =	sld [smem:$0x3FA2]  }
0x28: {  	s2 =	sld [smem:$0x3FA3]  }
0x29: {  	s4 =	sld [smem:$0x3FA5]  }
0x2a: {  	p0 =	seq.s32 s5, $0x0;
	s5 =	sld [smem:$0x3FA6]  }
0x2b: {  	s6 =	sld [smem:$0x3FA7]  }
0x2c: {  	s7 =	sld [smem:$0x3FA8]  }
0x2d: {  	s3 =	simm.s32 $0x108;
	s8 =	sld [smem:$0x3FA9]  }
0x2e: {  	s3 =	simm.s32 @!p0 $0x1082;
	s9 =	sld [smem:$0x3FAA]  }
0x2f: {  	lr =	sadd.s32 s0, s3;
	s0 =	sld [smem:$0x3FA1]  }
0x30: {  	s3 =	sld [smem:$0x3FA4]  }
0x31: {  	[smem:$0x3FAD] =	sst s10  }
0x32: {  	s10 =	sld [smem:$0x3FAB];
	_ =	sdelay $0x3  }
0x33: {  	p0 =	seq.s32 s10, $0x1;
	s10 =	sld [smem:$0x3FAD];
	_ =	sdelay $0x3  }
0x34: {  	[smem:$0x3FAD] =	sst s10  }
0x35: {  	s10 =	sld [smem:$0x3FAC];
	_ =	sdelay $0x3  }
0x36: {  	p1 =	seq.s32 s10, $0x1;
	s10 =	sld [smem:$0x3FAD];
	_ =	sdelay $0x3  }
0x37: {  	[smem:$0x3FAD] =	sst s10  }
0x38: {  	s10 =	sld [smem:$0x3FAE]  }
0x39: {  	_ = 	snop;
	(pc) =	sbr.ind lr, $3  }
0x3a: {  	_ = 	snop  }
0x3b: {  	_ = 	snop  }
0x3c: {  	p2 =	seq.s32 s10, $0x1;
	s10 =	sld [smem:$0x3FAD]  }
0x3d: {  	_ =	shalt  }
0x3e: {  	_ =	shalt  }
0x3f: {  	_ =	shalt  }
0x40: {  	_ =	shalt  }
0x41: {  	_ =	shalt  }
0x42: {  	_ =	shalt  }
0x43: {  	_ =	shalt  }
0x44: {  	_ =	shalt  }
0x45: {  	_ =	shalt  }
0x46: {  	_ =	shalt  }
0x47: {  	_ =	shalt  }
0x48: {  	_ =	shalt  }
0x49: {  	_ =	shalt  }
0x4a: {  	_ =	shalt  }
0x4b: {  	_ =	shalt  }
0x4c: {  	_ =	shalt  }
0x4d: {  	_ =	shalt  }
0x4e: {  	_ =	shalt  }
0x4f: {  	_ =	shalt  }
0x50: {  	_ =	shalt  }
0x51: {  	_ =	shalt  }
0x52: {  	_ =	shalt  }
0x53: {  	_ =	shalt  }
0x54: {  	_ =	shalt  }
0x55: {  	_ =	shalt  }
0x56: {  	_ =	shalt  }
0x57: {  	_ =	shalt  }
0x58: {  	_ =	shalt  }
0x59: {  	_ =	shalt  }
0x5a: {  	_ =	shalt  }
0x5b: {  	_ =	shalt  }
0x5c: {  	_ =	shalt  }
0x5d: {  	_ =	shalt  }
0x5e: {  	_ =	shalt  }
0x5f: {  	_ =	shalt  }
0x60: {  	_ =	shalt  }
0x61: {  	_ =	shalt  }
0x62: {  	_ =	shalt  }
0x63: {  	_ =	shalt  }
0x64: {  	_ =	shalt  }
0x65: {  	_ =	shalt  }
0x66: {  	_ =	shalt  }
0x67: {  	_ =	shalt  }
0x68: {  	_ =	shalt  }
0x69: {  	_ =	shalt  }
0x6a: {  	_ =	shalt  }
0x6b: {  	_ =	shalt  }
0x6c: {  	_ =	shalt  }
0x6d: {  	_ =	shalt  }
0x6e: {  	_ =	shalt  }
0x6f: {  	_ =	shalt  }
0x70: {  	_ =	shalt  }
0x71: {  	_ =	shalt  }
0x72: {  	_ =	shalt  }
0x73: {  	_ =	shalt  }
0x74: {  	_ =	shalt  }
0x75: {  	_ =	shalt  }
0x76: {  	_ =	shalt  }
0x77: {  	_ =	shalt  }
0x78: {  	_ =	shalt  }
0x79: {  	_ =	shalt  }
0x7a: {  	_ =	shalt  }
0x7b: {  	_ =	shalt  }
0x7c: {  	_ =	shalt  }
0x7d: {  	_ =	shalt  }
0x7e: {  	_ =	shalt  }
0x7f: {  	_ =	shalt  }
0x80: {  	_ =	shalt  }
0x81: {  	_ =	shalt  }
0x82: {  	_ =	shalt  }
0x83: {  	_ =	shalt  }
0x84: {  	_ =	shalt  }
0x85: {  	_ =	shalt  }
0x86: {  	_ =	shalt  }
0x87: {  	_ =	shalt  }
.Lfunc_end0:
.L_simem_size_0:
called_computation.2_lowered:
.L_overlay_start_0:
0x88: {  	s2 =	sld [smem:$0x3FD9]  }
0x89: {  	s3 =	sld [smem:$0x3FFE];
	_ =	sdelay $0x1  }
0x8a: {  	s1 =	srdreg.scid  }
0x8b: {  	s0 =	sand.u32 $0x1, s1  }
0x8c: {  	s14 =	sshll.u32 s0, $0xA;
	s2 =	sadd.s32 s3, s2  }
0x8d: {  	s2 =	sadd.s32 s2, s14  }
0x8e: {  	[smem:$0x3FB9] =	sst s2  }
0x8f: {  	_ = 	snop  }
0x90: {  	s2 =	sld [smem:$0x3FD0];
	_ =	sdelay $0x2  }
0x91: {  	s4 =	simm.s32 $0xA;
	s5 =	simm.s32 $0x10;
	s15 =	sld [smem:$0x3FC7]  }
0x92: {  	[smem:s5], [sflag:s4] =	dma.local [hbm:s2], $0x1  }
0x93: {  	_ =	swait.eq [sflag:s4], $0x1  }
0x94: {  	[sflag:s4] =	ssyncset.done $0x0  }
0x95: {  	[sflag:s4] =	ssyncadd.s32 $0xFFFFFFFF  }
0x96: {  	s16 =	sld [smem:$0x11];
	(tm) =	ssettm $0x1  }
0x97: {  	s17 =	sld [smem:$0x3FFB];
	_ =	sdelay $0x3  }
0x98: {  	_ =	strace s17  }
0x99: {  	s4 =	sld [smem:$0x3FFC];
	_ =	sdelay $0x3  }
0x9a: {  	_ =	strace s4  }
0x9b: {  	s4 =	sld [smem:$0x3FFD];
	_ =	sdelay $0x3  }
0x9c: {  	_ =	strace s4  }
0x9d: {  	_ =	strace $0x8FFFFFFF  }
0x9e: {  	s18 =	sld [smem:$0x3FDB];
	_ =	sdelay $0x1  }
0x9f: {  	s19 =	simm.s32 $_scs_section_size  }
0xa0: {  	s6 =	simm.s32 $_size__tile_overlayer_lowered;
	s7 =	simm.s32 $_tile_overlayer_lowered  }
0xa1: {  	s22 =	simm.s32 $0x1BFF;
	s21 =	sshll.u32 s7, $0x1;
	s4 =	sadd.s32 s19, s18  }
0xa2: {  	s8 =	simm.s32 $0x0;
	s20 =	sshll.u32 s6, $0x1;
	s6 =	sadd.s32 s21, s4  }
0xa3: {  	[timem:s8], [sflag:s22] =	dma.local [hbm:s6], s20  }
0xa4: {  	_ =	swait.ge [sflag:s22], s20  }
0xa5: {  	s5 =	ssub.s32 $0x0, s20;
	[sflag:s22] =	ssyncset.done $0x0  }
0xa6: {  	[sflag:s22] =	ssyncadd.s32 s5;
	_ =	sdelay $0x1  }
0xa7: {  	s23 =	simm.s32 $0x1B8B  }
0xa8: {  	_ =	swait.ge [sflag:s23], $0x1  }
0xa9: {  	[sflag:s23] =	ssyncset.done $0x0  }
0xaa: {  	s25 =	simm.s32 $0x1B8E;
	s24 =	sld [smem:$0x3FFE];
	[sflag:s23] =	ssyncadd.s32 $0xFFFFFFFF  }
0xab: {  	s26 =	simm.s32 $execute0_lowered;
	[smem:$0x3FD2] =	sst s25  }
0xac: {  	s6 =	sshll.u32 s26, $0x1;
	_ =	strace $0x8000004C;
	[dreg:$0x1] =	wrdreg $0xFFFFFFFF  }
0xad: {  	s28 =	simm.s32 $_size_execute0_lowered;
	s4 =	sadd.s32 s4, s6;
	[dreg:$0x0] =	wrdreg $0x0  }
0xae: {  	s6 =	sshll.u32 s28, $0x1;
	[dreg:$0x2] =	wrdreg s4  }
0xaf: {  	[dreg:$0x3] =	wrdreg s6  }
0xb0: {  	[dreg:$0x4] =	wrdreg $0xC0  }
0xb1: {  	_ =	task [dreg:s8], $0x5FFFF  }
0xb2: {  	[dreg:$0x1] =	wrdreg $0xFFFFFFFF  }
0xb3: {  	[dreg:$0x0] =	wrdreg $0x60  }
0xb4: {  	[dreg:$0x2] =	wrdreg s16  }
0xb5: {  	[dreg:$0x3] =	wrdreg s15  }
0xb6: {  	[dreg:$0x4] =	wrdreg s24  }
0xb7: {  	[dreg:$0x5] =	wrdreg $0x9  }
0xb8: {  	_ =	task.clear_ibuf [dreg:s8], $0x6FFFF;
	_ =	strace $0x9000004C  }
0xb9: {  	s29 =	simm.s32 $0x9;
	_ =	strace $0x8000004E  }
0xba: {  	_ =	swait.ge [sflag:s29], $0x1  }
0xbb: {  	[sflag:s29] =	ssyncadd.s32 $0xFFFFFFFF  }
0xbc: {  	_ =	strace $0x9000004E  }
0xbd: {  	_ =	sfence  }
0xbe: {  	s30 =	sld [smem:$0x0];
	_ =	sdelay $0x2  }
0xbf: {  	s31 =	sshll.u32 s1, $0xD;
	s1 =	sshrl.u32 s1, $0x2  }
0xc0: {  	s3 =	sand.u32 $0x4000, s31;
	s1 =	sadd.s32 s1, s30  }
0xc1: {  	s0 =	sor.u32 s3, s0;
	s1 =	sshll.u32 s1, $0x11  }
0xc2: {  	s0 =	sor.u32 s1, s0  }
0xc3: {  	s0 =	sadd.s32 $0x8F2B, s0  }
0xc4: {  	[sflag:s0] =	ssyncadd.remote.s32 $0x1  }
0xc5: {  	_ =	sfence.sel $0xFFFF  }
0xc6: {  	[dreg:$0x0] =	wrdreg $0xFFFFFFFF;
	(pc) =	sbr.abs _section_cstart, $3  }
0xc7: {  	[dreg:$0x1] =	wrdreg $0xFFFFFFFF  }
0xc8: {  	_ =	task.clear_ibuf [dreg:s8], $0x2FFFF;
	_ =	strace $0x9FFFFFFF  }
0xc9: {  	(tm) =	ssettm $0x7FFFFFFF  }
tec
execute0_lowered:
.L_overlay_start_1:
0x0: {  	(tag) =	ssettag $0x1  }
0x1: {  	s0 =	rddreg [dreg:$0x0]  }
0x2: {  	s1 =	srdreg.scid;
	s4 =	rddreg [dreg:$0x1]  }
0x3: {  	s5 =	rddreg [dreg:$0x2];
	s2 =	stileid.u32;
	s3 =	simm.s32 $0x0  }
0x4: {  	s14 =	simm.s32 $0x6780;
	s15 =	simm.s32 $0x1;
	s16 =	simm.s32 $0x2  }
0x5: {  	s17 =	simm.s32 $0x2680;
	s18 =	simm.s32 $0x10;
	s13 =	smul.u32 $0x138800, s2  }
0x6: {  	s19 =	simm.s32 $0x2700;
	s6 =	sand.u32 $0x1, s1;
	s30 =	smul.u32 $0x27100, s2  }
0x7: {  	s20 =	simm.s32 $0x0;
	s7 =	sshll.u32 s6, $0x4;
	s28 =	smul.u32 $0x1388000, s6  }
0x8: {  	s1 =	rddreg [dreg:$0x3];
	s29 =	smul.u32 $0x271000, s6;
	s7 =	sor.u32 s2, s7  }
0x9: {  	[smem:$0x7FF] =	sst s3;
	s9 =	ssub.s32 $0x2, s6;
	s8 =	smul.u32 $0x2710, s7  }
0xa: {  	s11 =	sadd.s32 $0x58E00, s5;
	s24 =	sshrl.u32 s9, $0x1;
	s10 =	smul.u32 $0x138800, s7  }
0xb: {  	_ =	strace $0x8000004D;
	s12 =	smul.u32 $0x27100, s7;
	s25 =	ssub.s32 s9, s24  }
0xc: {  	s9 =	sadd.s32 s13, s28;
	s31 =	sadd.s32 s29, s11;
	s13 =	simm.s32 $0x80  }
0xd: {  	s6 =	smax.u32 s25, $0x1;
	s9 =	sshrl.u32 s9, $0x3;
	s26 =	sshrl.u32 s10, $0x3  }
0xe: {  	s8 =	sshrl.u32 s8, $0x3;
	s12 =	sadd.s32 s11, s12;
	s9 =	sadd.s32 s9, s11  }
0xf: {  	s10 =	sadd.s32 s11, s26;
	s4 =	sadd.s32 s4, s8;
	s8 =	sadd.s32 $0x26800, s12  }
0x10: {  	s5 =	sadd.s32 $0x27000, s10;
	s7 =	sadd.s32 $0x26000, s10;
	s10 =	sadd.s32 s30, s31  }
0x11: {  	s11 =	simm.s32 $0x3;
	s12 =	simm.s32 $0x2780;
	s10 =	sadd.s32 $0x800, s10  }
.LBB2_1:
0x12: {  	[tilespmem:s3], [sflag:$0x3] =	stream.linear.gather [hbm4b:s4+s3], $0x2710, $0x38;
	[tilespmem:$0xA780] =	vst v63  }
0x13: {  	_ =	swait.ge [sflag:s11], $0x2710  }
0x14: {  	[sflag:s11] =	ssyncset.done $0x0  }
0x15: {  	[sflag:s11] =	ssyncadd.s32 $0xFFFFD8F0  }
0x16: {  	[tilespmem:s12], [sflag:$0x1] =	stream.indirect.gather [hbm4b:s0+s13], $0x80, s3, s13, $0xb8;
	[tilespmem:$0xA780] =	vst v63  }
0x17: {  	_ = 	snop  }
0x18: {  	[tilespmem:s14], [sflag:$0x2] =	stream.indirect.gather [hbm4b:s0+s13], $0x80, s13, s13, $0xb8;
	[tilespmem:$0xA780] =	vst v63  }
0x19: {  	_ =	swait.ge [sflag:s15], $0x4000  }
0x1a: {  	[sflag:s15] =	ssyncset.done $0x0  }
0x1b: {  	s21 =	sadd.s32 $0x0, s9;
	[sflag:s15] =	ssyncadd.s32 $0xFFFFC000  }
0x1c: {  	[hbm4b:s21+s3] =	stream.linear.scatter [tilespmem:s12], [sflag:$0x3], $0x4000, $0x38;
	[tilespmem:$0xA780] =	vst v63  }
0x1d: {  	_ =	swait.ge [sflag:s11], $0x4000  }
0x1e: {  	[sflag:s11] =	ssyncset.done $0x0  }
0x1f: {  	s30 =	simm.s32 $0x100;
	[sflag:s11] =	ssyncadd.s32 $0xFFFFC000  }
0x20: {  	[tilespmem:s12], [sflag:$0x1] =	stream.indirect.gather [hbm4b:s0+s13], $0x80, s30, s13, $0xb8;
	[tilespmem:$0xA780] =	vst v63  }
0x21: {  	_ =	swait.ge [sflag:s16], $0x4000  }
0x22: {  	[sflag:s16] =	ssyncset.done $0x0  }
0x23: {  	s31 =	sadd.s32 $0x0, s10;
	[sflag:s16] =	ssyncadd.s32 $0xFFFFC000  }
0x24: {  	[hbm4b:s31+s3] =	stream.linear.scatter [tilespmem:s14], [sflag:$0x3], $0x4000, $0x38;
	[tilespmem:$0xA780] =	vst v63  }
0x25: {  	_ =	swait.ge [sflag:s11], $0x4000  }
0x26: {  	s22 =	simm.s32 $0x80;
	s21 =	simm.s32 $0x1000;
	[sflag:s11] =	ssyncset.done $0x0  }
.LBB2_2:
0x27: {  	p0 =	sne.s32 s21, $0x25000;
	[sflag:s11] =	ssyncadd.s32 $0xFFFFC000;
	s22 =	sadd.s32 $0x100, s22  }
0x28: {  	[tilespmem:s14], [sflag:$0x2] =	stream.indirect.gather [hbm4b:s0+s13], $0x80, s22, s13, $0xb8;
	[tilespmem:$0xA780] =	vst v63  }
0x29: {  	s23 =	smov.u32 s21;
	s21 =	sadd.s32 $0x1000, s21;
	_ =	swait.ge [sflag:s15], $0x4000  }
0x2a: {  	[sflag:s15] =	ssyncset.done $0x0  }
0x2b: {  	s24 =	sadd.s32 s23, s9;
	[sflag:s15] =	ssyncadd.s32 $0xFFFFC000  }
0x2c: {  	[hbm4b:s24+s3] =	stream.linear.scatter [tilespmem:s12], [sflag:$0x3], $0x4000, $0x38;
	[tilespmem:$0xA780] =	vst v63  }
0x2d: {  	_ =	swait.ge [sflag:s11], $0x4000  }
0x2e: {  	[sflag:s11] =	ssyncset.done $0x0  }
0x2f: {  	s24 =	sadd.s32 $0x80, s22;
	[sflag:s11] =	ssyncadd.s32 $0xFFFFC000  }
0x30: {  	[tilespmem:s12], [sflag:$0x1] =	stream.indirect.gather [hbm4b:s0+s13], $0x80, s24, s13, $0xb8;
	[tilespmem:$0xA780] =	vst v63  }
0x31: {  	_ =	swait.ge [sflag:s16], $0x4000  }
.Ltmp0:
0x32: {  	[sflag:s16] =	ssyncset.done $0x0;
	(pc) =	sbr.rel @p0 .LBB2_2-.Ltmp0, $4  }
0x33: {  	s23 =	sadd.s32 s23, s10;
	[sflag:s16] =	ssyncadd.s32 $0xFFFFC000  }
0x34: {  	[hbm4b:s23+s3] =	stream.linear.scatter [tilespmem:s14], [sflag:$0x3], $0x4000, $0x38;
	[tilespmem:$0xA780] =	vst v63  }
0x35: {  	_ =	swait.ge [sflag:s11], $0x4000  }
0x36: {  	[sflag:s11] =	ssyncset.done $0x0  }
0x37: {  	[sflag:s11] =	ssyncadd.s32 $0xFFFFC000  }
0x38: {  	[tilespmem:s14], [sflag:$0x2] =	stream.indirect.gather [hbm4b:s0+s13], $0x80, s17, s13, $0xb8;
	[tilespmem:$0xA780] =	vst v63  }
0x39: {  	_ =	swait.ge [sflag:s15], $0x4000  }
0x3a: {  	[sflag:s15] =	ssyncset.done $0x0  }
0x3b: {  	[sflag:s15] =	ssyncadd.s32 $0xFFFFC000  }
0x3c: {  	[hbm4b:s7+s3] =	stream.linear.scatter [tilespmem:s12], [sflag:$0x3], $0x4000, $0x38;
	[tilespmem:$0xA780] =	vst v63  }
0x3d: {  	_ =	swait.ge [sflag:s11], $0x4000  }
0x3e: {  	[sflag:s11] =	ssyncset.done $0x0  }
0x3f: {  	[sflag:s11] =	ssyncadd.s32 $0xFFFFC000  }
0x40: {  	_ =	swait.ge [sflag:s16], $0x4000  }
0x41: {  	[sflag:s16] =	ssyncset.done $0x0  }
0x42: {  	[sflag:s16] =	ssyncadd.s32 $0xFFFFC000  }
0x43: {  	[hbm4b:s8+s3] =	stream.linear.scatter [tilespmem:s14], [sflag:$0x3], $0x4000, $0x38;
	[tilespmem:$0xA780] =	vst v63  }
0x44: {  	_ =	swait.ge [sflag:s11], $0x4000  }
0x45: {  	[sflag:s11] =	ssyncset.done $0x0  }
0x46: {  	[sflag:s11] =	ssyncadd.s32 $0xFFFFC000  }
0x47: {  	[tilespmem:s12], [sflag:$0x1] =	stream.indirect.gather [hbm4b:s0+s18], $0x80, s19, s18, $0xb8;
	[tilespmem:$0xA780] =	vst v63  }
0x48: {  	s20 =	sadd.s32 $0x1, s20;
	_ =	swait.ge [sflag:s15], $0x800  }
0x49: {  	p0 =	sne.s32 s20, s6;
	[sflag:s15] =	ssyncset.done $0x0  }
.Ltmp1:
0x4a: {  	[sflag:s15] =	ssyncadd.s32 $0xFFFFF800;
	(pc) =	sbr.rel @p0 .LBB2_1-.Ltmp1, $4  }
0x4b: {  	[hbm4b:s5+s3] =	stream.linear.scatter [tilespmem:s12], [sflag:$0x3], $0x800, $0x38;
	[tilespmem:$0xA780] =	vst v63  }
0x4c: {  	_ =	swait.ge [sflag:s11], $0x800  }
0x4d: {  	[sflag:s11] =	ssyncset.done $0x0  }
0x4e: {  	[sflag:s11] =	ssyncadd.s32 $0xFFFFF800  }
0x4f: {  	_ =	sfence.sel $0x180000  }
0x50: {  	[bflag:$0x0] =	sbarrier.arrive $0xFFFF  }
0x51: {  	p0 =	sne.s32 s2, $0x0;
	_ =	strace $0x9000004D  }
0x52: {  	s0 =	sadd.s32 @!p0 $0x100000, s1;
	[bflag:$0x2] =	sbarrier.arrive $0xFFFF  }
0x53: {  	[sflag:s0] =	ssyncadd.tile.s32 @!p0 $0x1;
	_ =	shalt  }
.Lfunc_end2:
_tile_overlayer_lowered:
.L_overlay_start_2:
0x54: {  	(tag) =	ssettag $0x2  }
0x55: {  	s0 =	rddreg [dreg:$0x0];
	s2 =	stileid.u32  }
0x56: {  	s1 =	rddreg [dreg:$0x1];
	p0 =	sne.s32 s2, $0x0  }
0x57: {  	s3 =	rddreg [dreg:$0x2];
	[bflag:$0x3] =	sbarrier.arrive $0xFFFF;
	s2 =	simm.s32 @!p0 $0x1C03  }
0x58: {  	[timem:s3], [sflag:s2] =	dma.local @!p0 [hbm:s0], s1  }
0x59: {  	s0 =	simm.s32 @!p0 $0x3  }
0x5a: {  	_ =	swait.ge @!p0 [sflag:s0], s1  }
0x5b: {  	s1 =	ssub.s32 @!p0 $0x0, s1;
	[sflag:s0] =	ssyncset.done @!p0 $0x0  }
0x5c: {  	[sflag:s0] =	ssyncadd.s32 @!p0 s1  }
0x5d: {  	[bflag:$0x3] =	sbarrier.arrive $0xFFFF  }
0x5e: {  	_ =	shalt  }

// kernel: kernel.19.cloned.1.call-start
scs
__scs_entry_jumppad:
0x0: {  	(pc) =	sbr.rel $0x88, $3  }
0x1: {  	(tag) =	ssettag $0x0;
	lr =	simm.s32 $0x1  }
0x2: {  	[smem:$0x3F92] =	sst lr;
	_ =	strace $0xD0000000  }
0x3: {  	_ = 	snop  }
0x4: {  	_ = 	snop  }
0x5: {  	_ = 	snop  }
0x6: {  	_ = 	snop  }
0x7: {  	_ = 	snop  }
__scs_overlays_trampoline_lowered:
0x8: {  	[smem:$0x3FA1] =	sst s0  }
0x9: {  	[smem:$0x3FA2] =	sst s1  }
0xa: {  	[smem:$0x3FA3] =	sst s2  }
0xb: {  	[smem:$0x3FA4] =	sst s3  }
0xc: {  	[smem:$0x3FA5] =	sst s4  }
0xd: {  	[smem:$0x3FA6] =	sst s5  }
0xe: {  	[smem:$0x3FA7] =	sst s6  }
0xf: {  	[smem:$0x3FA8] =	sst s7  }
0x10: {  	[smem:$0x3FA9] =	sst s8  }
0x11: {  	[smem:$0x3FAA] =	sst s9;
	s0 =	simm.s32 @!p0 $0x0  }
0x12: {  	s1 =	sld [smem:$0x3F90];
	s0 =	simm.s32 @p0 $0x1  }
0x13: {  	[smem:$0x3FAB] =	sst s0;
	s0 =	simm.s32 @!p1 $0x0  }
0x14: {  	s2 =	sld [smem:$0x3F8F];
	s0 =	simm.s32 @p1 $0x1  }
0x15: {  	[smem:$0x3FAC] =	sst s0;
	s0 =	simm.s32 @!p2 $0x0  }
0x16: {  	s3 =	sld [smem:$0x3FDB];
	s0 =	simm.s32 @p2 $0x1  }
0x17: {  	s4 =	simm.s32 $0x1BF5;
	[smem:$0x3FAE] =	sst s0  }
0x18: {  	s0 =	sld [smem:$0x3F91];
	_ =	swait.ge [sflag:s4], $0x0  }
0x19: {  	s7 =	sld [smem:$0x3F92]  }
0x1a: {  	s8 =	sadd.s32 $0xFFFFE003, lr  }
0x1b: {  	s9 =	sadd.s32 $0xFFFFFEF7, lr;
	s5 =	simm.s32 $0xFFFFFFFF;
	p2 =	slt.u32 s8, $0xFFFFF086  }
0x1c: {  	p1 =	slt.u32 s9, $0xF7A;
	s5 =	simm.s32 @!p2 $0x0  }
0x1d: {  	s5 =	simm.s32 @p1 $0x1;
	p0 =	seq.s32 s7, s2  }
0x1e: {  	s7 =	smul.u32 @!p0 $0xF7A, s2;
	p2 =	seq.s32 @!p0 s5, $0x0  }
0x1f: {  	s9 =	smul.u32 $0xF7A, s1;
	s8 =	simm.s32 @!p0 $0x1BF5;
	p2 =	por !p2, p0  }
0x20: {  	[sflag:s8] =	ssyncset.s32 @!p0 $0xFFFFF086;
	s6 =	sadd.s32 @!p0 s3, s7;
	s7 =	simm.s32 @!p0 $0x108  }
0x21: {  	s3 =	sadd.s32 s3, s9;
	s6 =	sadd.s32 @!p0 $0x88, s6;
	s7 =	simm.s32 @p2 $0x1082  }
0x22: {  	[simem:s7], [sflag:s8] =	dma.local @!p0 [hbm:s6], $0xF7A  }
0x23: {  	s9 =	sor.u32 $0xD0000000, s2;
	s6 =	simm.s32 $0x108;
	_ =	swait.ge @!p0 [sflag:s8], $0x0  }
0x24: {  	s3 =	sadd.s32 $0x88, s3;
	s6 =	simm.s32 @!p1 $0x1082;
	[sflag:s4] =	ssyncset.s32 $0xFFFFF086  }
0x25: {  	[simem:s6], [sflag:s4] =	dma.local [hbm:s3], $0xF7A  }
0x26: {  	[smem:$0x3F92] =	sst s1;
	(tag) =	ssettag s2;
	_ =	strace s9  }
0x27: {  	s1 =	sld [smem:$0x3FA2]  }
0x28: {  	s2 =	sld [smem:$0x3FA3]  }
0x29: {  	s4 =	sld [smem:$0x3FA5]  }
0x2a: {  	p0 =	seq.s32 s5, $0x0;
	s5 =	sld [smem:$0x3FA6]  }
0x2b: {  	s6 =	sld [smem:$0x3FA7]  }
0x2c: {  	s7 =	sld [smem:$0x3FA8]  }
0x2d: {  	s3 =	simm.s32 $0x108;
	s8 =	sld [smem:$0x3FA9]  }
0x2e: {  	s3 =	simm.s32 @!p0 $0x1082;
	s9 =	sld [smem:$0x3FAA]  }
0x2f: {  	lr =	sadd.s32 s0, s3;
	s0 =	sld [smem:$0x3FA1]  }
0x30: {  	s3 =	sld [smem:$0x3FA4]  }
0x31: {  	[smem:$0x3FAD] =	sst s10  }
0x32: {  	s10 =	sld [smem:$0x3FAB];
	_ =	sdelay $0x3  }
0x33: {  	p0 =	seq.s32 s10, $0x1;
	s10 =	sld [smem:$0x3FAD];
	_ =	sdelay $0x3  }
0x34: {  	[smem:$0x3FAD] =	sst s10  }
0x35: {  	s10 =	sld [smem:$0x3FAC];
	_ =	sdelay $0x3  }
0x36: {  	p1 =	seq.s32 s10, $0x1;
	s10 =	sld [smem:$0x3FAD];
	_ =	sdelay $0x3  }
0x37: {  	[smem:$0x3FAD] =	sst s10  }
0x38: {  	s10 =	sld [smem:$0x3FAE]  }
0x39: {  	_ = 	snop;
	(pc) =	sbr.ind lr, $3  }
0x3a: {  	_ = 	snop  }
0x3b: {  	_ = 	snop  }
0x3c: {  	p2 =	seq.s32 s10, $0x1;
	s10 =	sld [smem:$0x3FAD]  }
0x3d: {  	_ =	shalt  }
0x3e: {  	_ =	shalt  }
0x3f: {  	_ =	shalt  }
0x40: {  	_ =	shalt  }
0x41: {  	_ =	shalt  }
0x42: {  	_ =	shalt  }
0x43: {  	_ =	shalt  }
0x44: {  	_ =	shalt  }
0x45: {  	_ =	shalt  }
0x46: {  	_ =	shalt  }
0x47: {  	_ =	shalt  }
0x48: {  	_ =	shalt  }
0x49: {  	_ =	shalt  }
0x4a: {  	_ =	shalt  }
0x4b: {  	_ =	shalt  }
0x4c: {  	_ =	shalt  }
0x4d: {  	_ =	shalt  }
0x4e: {  	_ =	shalt  }
0x4f: {  	_ =	shalt  }
0x50: {  	_ =	shalt  }
0x51: {  	_ =	shalt  }
0x52: {  	_ =	shalt  }
0x53: {  	_ =	shalt  }
0x54: {  	_ =	shalt  }
0x55: {  	_ =	shalt  }
0x56: {  	_ =	shalt  }
0x57: {  	_ =	shalt  }
0x58: {  	_ =	shalt  }
0x59: {  	_ =	shalt  }
0x5a: {  	_ =	shalt  }
0x5b: {  	_ =	shalt  }
0x5c: {  	_ =	shalt  }
0x5d: {  	_ =	shalt  }
0x5e: {  	_ =	shalt  }
0x5f: {  	_ =	shalt  }
0x60: {  	_ =	shalt  }
0x61: {  	_ =	shalt  }
0x62: {  	_ =	shalt  }
0x63: {  	_ =	shalt  }
0x64: {  	_ =	shalt  }
0x65: {  	_ =	shalt  }
0x66: {  	_ =	shalt  }
0x67: {  	_ =	shalt  }
0x68: {  	_ =	shalt  }
0x69: {  	_ =	shalt  }
0x6a: {  	_ =	shalt  }
0x6b: {  	_ =	shalt  }
0x6c: {  	_ =	shalt  }
0x6d: {  	_ =	shalt  }
0x6e: {  	_ =	shalt  }
0x6f: {  	_ =	shalt  }
0x70: {  	_ =	shalt  }
0x71: {  	_ =	shalt  }
0x72: {  	_ =	shalt  }
0x73: {  	_ =	shalt  }
0x74: {  	_ =	shalt  }
0x75: {  	_ =	shalt  }
0x76: {  	_ =	shalt  }
0x77: {  	_ =	shalt  }
0x78: {  	_ =	shalt  }
0x79: {  	_ =	shalt  }
0x7a: {  	_ =	shalt  }
0x7b: {  	_ =	shalt  }
0x7c: {  	_ =	shalt  }
0x7d: {  	_ =	shalt  }
0x7e: {  	_ =	shalt  }
0x7f: {  	_ =	shalt  }
0x80: {  	_ =	shalt  }
0x81: {  	_ =	shalt  }
0x82: {  	_ =	shalt  }
0x83: {  	_ =	shalt  }
0x84: {  	_ =	shalt  }
0x85: {  	_ =	shalt  }
0x86: {  	_ =	shalt  }
0x87: {  	_ =	shalt  }
.Lfunc_end0:
.L_simem_size_0:
called_computation.3_lowered:
.L_overlay_start_0:
0x88: {  	s2 =	sld [smem:$0x3FD9]  }
0x89: {  	s3 =	sld [smem:$0x3FFE];
	_ =	sdelay $0x1  }
0x8a: {  	s1 =	srdreg.scid  }
0x8b: {  	s0 =	sand.u32 $0x1, s1  }
0x8c: {  	s17 =	sshll.u32 s0, $0xA;
	s2 =	sadd.s32 s3, s2  }
0x8d: {  	s2 =	sadd.s32 s2, s17  }
0x8e: {  	[smem:$0x3FB9] =	sst s2  }
0x8f: {  	_ = 	snop  }
0x90: {  	s2 =	sld [smem:$0x3FC8];
	(tm) =	ssettm $0x1  }
0x91: {  	s18 =	sld [smem:$0x3FFB];
	_ =	sdelay $0x3  }
0x92: {  	_ =	strace s18  }
0x93: {  	s3 =	sld [smem:$0x3FFC];
	_ =	sdelay $0x3  }
0x94: {  	_ =	strace s3  }
0x95: {  	s3 =	sld [smem:$0x3FFD];
	_ =	sdelay $0x3  }
0x96: {  	_ =	strace s3  }
0x97: {  	_ =	strace $0x8FFFFFFF  }
0x98: {  	s19 =	sld [smem:$0x3FDB];
	_ =	sdelay $0x1  }
0x99: {  	s4 =	simm.s32 $_scs_section_size  }
0x9a: {  	s5 =	simm.s32 $_size__tile_overlayer_lowered;
	s6 =	simm.s32 $_tile_overlayer_lowered  }
0x9b: {  	s22 =	simm.s32 $0x1BFF;
	s21 =	sshll.u32 s6, $0x1;
	s3 =	sadd.s32 s4, s19  }
0x9c: {  	s7 =	simm.s32 $0x0;
	s20 =	sshll.u32 s5, $0x1;
	s5 =	sadd.s32 s21, s3  }
0x9d: {  	[timem:s7], [sflag:s22] =	dma.local [hbm:s5], s20  }
0x9e: {  	_ =	swait.ge [sflag:s22], s20  }
0x9f: {  	s4 =	ssub.s32 $0x0, s20;
	[sflag:s22] =	ssyncset.done $0x0  }
0xa0: {  	[sflag:s22] =	ssyncadd.s32 s4;
	_ =	sdelay $0x1  }
0xa1: {  	s23 =	simm.s32 $0x1B8B  }
0xa2: {  	_ =	swait.ge [sflag:s23], $0x1  }
0xa3: {  	[sflag:s23] =	ssyncset.done $0x0  }
0xa4: {  	s25 =	simm.s32 $0x1B8E;
	s24 =	sld [smem:$0x3FFE];
	[sflag:s23] =	ssyncadd.s32 $0xFFFFFFFF  }
0xa5: {  	s26 =	simm.s32 $execute0_lowered;
	[smem:$0x3FD2] =	sst s25  }
0xa6: {  	s5 =	sshll.u32 s26, $0x1;
	_ =	strace $0x8000004F;
	[dreg:$0x1] =	wrdreg $0xFFFFFFFF  }
0xa7: {  	s28 =	simm.s32 $_size_execute0_lowered;
	s3 =	sadd.s32 s3, s5;
	[dreg:$0x0] =	wrdreg $0x0  }
0xa8: {  	s5 =	sshll.u32 s28, $0x1;
	[dreg:$0x2] =	wrdreg s3  }
0xa9: {  	[dreg:$0x3] =	wrdreg s5  }
0xaa: {  	[dreg:$0x4] =	wrdreg $0xC0  }
0xab: {  	_ =	task [dreg:s7], $0x5FFFF  }
0xac: {  	[dreg:$0x1] =	wrdreg $0xFFFFFFFF  }
0xad: {  	[dreg:$0x0] =	wrdreg $0x60  }
0xae: {  	[dreg:$0x2] =	wrdreg s24  }
0xaf: {  	[dreg:$0x3] =	wrdreg s2  }
0xb0: {  	[dreg:$0x4] =	wrdreg $0xB5800  }
0xb1: {  	[dreg:$0x5] =	wrdreg $0x9  }
0xb2: {  	_ =	task.clear_ibuf [dreg:s7], $0x6FFFF;
	_ =	strace $0x9000004F  }
0xb3: {  	s29 =	simm.s32 $0x9;
	_ =	strace $0x80000051  }
0xb4: {  	_ =	swait.ge [sflag:s29], $0x1  }
0xb5: {  	[sflag:s29] =	ssyncadd.s32 $0xFFFFFFFF  }
0xb6: {  	_ =	strace $0x90000051  }
0xb7: {  	_ =	sfence  }
0xb8: {  	s30 =	sld [smem:$0x0];
	_ =	sdelay $0x2  }
0xb9: {  	s31 =	sshll.u32 s1, $0xD;
	s1 =	sshrl.u32 s1, $0x2  }
0xba: {  	s3 =	sand.u32 $0x4000, s31;
	s1 =	sadd.s32 s1, s30  }
0xbb: {  	s0 =	sor.u32 s3, s0;
	s1 =	sshll.u32 s1, $0x11  }
0xbc: {  	s0 =	sor.u32 s1, s0  }
0xbd: {  	s0 =	sadd.s32 $0x8F2B, s0  }
0xbe: {  	[sflag:s0] =	ssyncadd.remote.s32 $0x1  }
0xbf: {  	_ =	sfence.sel $0xFFFF  }
0xc0: {  	[dreg:$0x0] =	wrdreg $0xFFFFFFFF;
	(pc) =	sbr.abs _section_cstart, $3  }
0xc1: {  	[dreg:$0x1] =	wrdreg $0xFFFFFFFF  }
0xc2: {  	_ =	task.clear_ibuf [dreg:s7], $0x2FFFF;
	_ =	strace $0x9FFFFFFF  }
0xc3: {  	(tm) =	ssettm $0x7FFFFFFF  }
tec
execute0_lowered:
.L_overlay_start_1:
0x0: {  	(tag) =	ssettag $0x1  }
0x1: {  	s0 =	rddreg [dreg:$0x0]  }
0x2: {  	s1 =	rddreg [dreg:$0x1]  }
0x3: {  	s2 =	rddreg [dreg:$0x2];
	s3 =	srdreg.scid  }
0x4: {  	s4 =	simm.s32 $0x0;
	s26 =	stileid.u32;
	s28 =	simm.s32 $0x3  }
0x5: {  	s29 =	simm.s32 $0x100;
	s30 =	simm.s32 $0x80;
	s13 =	smul.u32 $0x2700, s26  }
0x6: {  	s31 =	simm.s32 $0x4100;
	s3 =	sand.u32 $0x1, s3;
	s14 =	smul.u32 $0x13800, s26  }
0x7: {  	[smem:$0x7FF] =	sst s4;
	s12 =	sadd.s32 $0x53AE00, s0;
	s15 =	smul.u32 $0x4E000, s26  }
0x8: {  	s11 =	sadd.s32 $0x6400, s0;
	s20 =	smul.u32 $0x2710, s26;
	p1 =	sne.s32 s26, $0xF  }
0x9: {  	p2 =	seq.s32 s26, $0xF;
	s5 =	sshll.u32 s3, $0x4;
	s6 =	ssub.s32 $0x2, s3  }
0xa: {  	_ =	strace $0x80000050;
	p0 =	seq.s32 s3, $0x1;
	s7 =	sor.u32 s26, s5  }
0xb: {  	s21 =	sshrl.u32 s6, $0x1;
	s5 =	sadd.s32 $0x138000, s2;
	s24 =	sshrl.u32 s14, $0x3  }
0xc: {  	s25 =	sadd.s32 s11, s13;
	s13 =	sadd.s32 $0x2D400, s0;
	s14 =	smul.u32 $0x27100, s3  }
0xd: {  	s0 =	sadd.s32 $0x54500, s0;
	s3 =	smul.u32 $0x271000, s3;
	[dreg:$0x8] =	wrdreg s25  }
0xe: {  	s10 =	smul.u32 $0x2710, s7;
	s6 =	ssub.s32 s6, s21;
	[dreg:$0x9] =	wrdreg s13  }
0xf: {  	s7 =	smul.u32 $0x27100, s7;
	[dreg:$0xb] =	wrdreg s0;
	s13 =	simm.s32 $0x8100  }
0x10: {  	s0 =	sadd.s32 s20, s14;
	s3 =	sadd.s32 s3, s12;
	s14 =	simm.s32 $0x0  }
0x11: {  	s8 =	sshrl.u32 s10, $0x3;
	s9 =	sadd.s32 $0x2700, s10;
	s7 =	sadd.s32 s12, s7  }
0x12: {  	s21 =	sadd.s32 $0x2680, s10;
	s10 =	simm.s32 $0x2;
	s8 =	sadd.s32 s1, s8  }
0x13: {  	[dreg:$0x5] =	wrdreg s7;
	s22 =	sshrl.u32 s9, $0x3;
	s23 =	sshll.u32 s9, $0x4  }
0x14: {  	s9 =	sshrl.u32 s15, $0x2;
	s15 =	smax.u32 s6, $0x1;
	[dreg:$0x4] =	wrdreg s8  }
0x15: {  	s7 =	sadd.s32 s1, s22;
	s22 =	smul.u32 $0x27100, s26;
	s26 =	simm.s32 $0x8180  }
0x16: {  	[dreg:$0x6] =	wrdreg s7;
	s7 =	sadd.s32 s12, s23;
	s23 =	sshrl.u32 s21, $0x3  }
0x17: {  	[dreg:$0x7] =	wrdreg s7;
	s7 =	sadd.s32 s11, s24;
	s11 =	sadd.s32 s9, s2  }
0x18: {  	s3 =	sadd.s32 s22, s3;
	s24 =	sadd.s32 $0x80, s0;
	s22 =	sadd.s32 s1, s23  }
.Ltmp0:
0x19: {  	s7 =	sadd.s32 $0x27100, s7;
	s16 =	sadd.s32 $0x3400, s11;
	(pc) =	sbr.rel .LBB2_1-.Ltmp0, $4  }
0x1a: {  	s17 =	sadd.s32 $0x6800, s11;
	s18 =	sadd.s32 $0x9C00, s11;
	s19 =	sadd.s32 $0xD000, s11  }
0x1b: {  	s25 =	sshrl.u32 s24, $0x3;
	s23 =	sadd.s32 $0x1000, s3;
	s24 =	sadd.s32 $0x100, s0  }
0x1c: {  	s0 =	simm.s32 $0x1;
	[dreg:$0xa] =	wrdreg s7;
	s7 =	sshll.u32 s21, $0x4  }
0x1d: {  	v0 =	vimm.f32 $0.0e+00;
	s21 =	sadd.s32 $0x10400, s11;
	s25 =	sadd.s32 s25, s1;
	s20 =	sadd.s32 s12, s7  }
.LBB2_8:
0x1e: {  	s7 =	sshrl.u32 s5, $0x3  }
0x1f: {  	[hbm:s6], [sflag:s3] =	dma.local [spmem:s7], $0x100  }
0x20: {  	_ =	swait.ge [sflag:s28], $0x100  }
0x21: {  	[sflag:s28] =	ssyncset.done $0x0  }
0x22: {  	[sflag:s28] =	ssyncadd.s32 $0xFFFFFF00  }
.LBB2_9:
0x23: {  	s14 =	sadd.s32 $0x1, s14  }
0x24: {  	p3 =	sne.s32 s14, s15  }
.Ltmp1:
0x25: {  	_ = 	snop;
	(pc) =	sbr.rel @!p3 .LBB2_10-.Ltmp1, $1  }
0x26: {  	_ =	sdelay $0x3  }
.LBB2_1:
0x27: {  	s3 =	sand.u32 $0xFE00, s4  }
0x28: {  	s6 =	sand.u32 $0x70, s4;
	s7 =	sshrl.u32 s3, $0x2  }
0x29: {  	s3 =	simm.s32 $0x40;
	s7 =	sor.u32 s6, s7;
	s6 =	simm.s32 $0x0  }
.LBB2_2:
0x2a: {  	p3 =	sne.s32 s3, $0xCFC0  }
0x2b: {  	[tilespmem:s7+$0x8180] =	vst v0;
	s6 =	sadd.s32 $0x10, s6;
	s7 =	smov.u32 s3;
	s3 =	sadd.s32 $0x40, s3  }
.Ltmp2:
0x2c: {  	(pc) =	sbr.rel @p3 .LBB2_2-.Ltmp2, $4  }
0x2d: {  	_ = 	snop  }
0x2e: {  	s7 =	sand.u32 $0xFE00, s7  }
0x2f: {  	s12 =	sand.u32 $0x70, s6;
	s7 =	sshrl.u32 s7, $0x2  }
0x30: {  	s7 =	sor.u32 s12, s7  }
0x31: {  	[tilespmem:s7+$0x8180] =	vst v0  }
0x32: {  	[spmem:s11] =	stream.linear.scatter [tilespmem:s26], [sflag:$0x3], $0x3400, $0x38;
	[tilespmem:$0x1EE00] =	vst v63  }
0x33: {  	_ =	swait.ge [sflag:s28], $0x3400  }
0x34: {  	[sflag:s28] =	ssyncset.done $0x0  }
0x35: {  	[sflag:s28] =	ssyncadd.s32 $0xFFFFCC00  }
0x36: {  	[spmem:s16] =	stream.linear.scatter [tilespmem:s26], [sflag:$0x3], $0x3400, $0x38;
	[tilespmem:$0x1EE00] =	vst v63  }
0x37: {  	_ =	swait.ge [sflag:s28], $0x3400  }
0x38: {  	[sflag:s28] =	ssyncset.done $0x0  }
0x39: {  	[sflag:s28] =	ssyncadd.s32 $0xFFFFCC00  }
0x3a: {  	[spmem:s17] =	stream.linear.scatter [tilespmem:s26], [sflag:$0x3], $0x3400, $0x38;
	[tilespmem:$0x1EE00] =	vst v63  }
0x3b: {  	_ =	swait.ge [sflag:s28], $0x3400  }
0x3c: {  	[sflag:s28] =	ssyncset.done $0x0  }
0x3d: {  	[sflag:s28] =	ssyncadd.s32 $0xFFFFCC00  }
0x3e: {  	[spmem:s18] =	stream.linear.scatter [tilespmem:s26], [sflag:$0x3], $0x3400, $0x38;
	[tilespmem:$0x1EE00] =	vst v63  }
0x3f: {  	_ =	swait.ge [sflag:s28], $0x3400  }
0x40: {  	[sflag:s28] =	ssyncset.done $0x0  }
0x41: {  	[sflag:s28] =	ssyncadd.s32 $0xFFFFCC00  }
0x42: {  	[spmem:s19] =	stream.linear.scatter [tilespmem:s26], [sflag:$0x3], $0x3400, $0x38;
	[tilespmem:$0x1EE00] =	vst v63  }
0x43: {  	_ =	swait.ge [sflag:s28], $0x3400  }
0x44: {  	[sflag:s28] =	ssyncset.done $0x0  }
0x45: {  	[sflag:s28] =	ssyncadd.s32 $0xFFFFCC00  }
0x46: {  	[spmem:s21] =	stream.linear.scatter [tilespmem:s26], [sflag:$0x3], $0x3400, $0x38;
	[tilespmem:$0x1EE00] =	vst v63  }
0x47: {  	_ =	swait.ge [sflag:s28], $0x3400  }
0x48: {  	[sflag:s28] =	ssyncset.done $0x0  }
0x49: {  	s3 =	simm.s32 @!p1 $0x8180;
	[sflag:s28] =	ssyncadd.s32 $0xFFFFCC00  }
0x4a: {  	[spmem:s5] =	stream.linear.scatter @!p1 [tilespmem:s3], [sflag:$0x3], $0x800, $0x38;
	[tilespmem:$0x1EE00] =	vst v63  }
0x4b: {  	s3 =	simm.s32 @!p1 $0x3  }
0x4c: {  	_ =	swait.ge @!p1 [sflag:s3], $0x800  }
0x4d: {  	[sflag:s3] =	ssyncset.done @!p1 $0x0  }
0x4e: {  	[sflag:s3] =	ssyncadd.s32 @!p1 $0xFFFFF800  }
0x4f: {  	[bflag:$0x0] =	sbarrier.arrive $0xFFFF  }
0x50: {  	s12 =	simm.s32 $0x0;
	s6 =	rddreg [dreg:$0x4]  }
0x51: {  	[tilespmem:s12], [sflag:$0x1] =	stream.linear.gather [hbm4b:s6+s12], $0x80, $0x38;
	[tilespmem:$0x1EE00] =	vst v63  }
0x52: {  	s7 =	rddreg [dreg:$0x5]  }
0x53: {  	[tilespmem:s29], [sflag:$0x1] =	stream.linear.gather [hbm4b:s7+s12], $0x4000, $0x38;
	[tilespmem:$0x1EE00] =	vst v63  }
0x54: {  	s8 =	sadd.s32 $0x0, s25  }
0x55: {  	[tilespmem:s30], [sflag:$0x2] =	stream.linear.gather [hbm4b:s8+s4], $0x80, $0x38;
	[tilespmem:$0x1EE00] =	vst v63  }
0x56: {  	s9 =	sadd.s32 $0xFFFFF800, s23  }
0x57: {  	[tilespmem:s31], [sflag:$0x2] =	stream.linear.gather [hbm4b:s9+s4], $0x4000, $0x38;
	[tilespmem:$0x1EE00] =	vst v63  }
0x58: {  	_ =	swait.ge [sflag:s0], $0x80  }
0x59: {  	[sflag:s0] =	ssyncset.done $0x0  }
0x5a: {  	[sflag:s0] =	ssyncadd.s32 $0xFFFFFF80  }
0x5b: {  	_ =	swait.ge [sflag:s0], $0x4000  }
0x5c: {  	[sflag:s0] =	ssyncset.done $0x0  }
0x5d: {  	[sflag:s0] =	ssyncadd.s32 $0xFFFFC000  }
0x5e: {  	[spmem:s2] =	stream.indirect.scatter.add.f32 [tilespmem:s29], [sflag:$0x3], $0x80, s4, s30, $0xb8;
	[tilespmem:$0x1EE00] =	vst v63  }
0x5f: {  	_ =	swait.ge [sflag:s28], $0x4000  }
0x60: {  	s12 =	sshrl.u32 s24, $0x3;
	[sflag:s28] =	ssyncset.done $0x0  }
0x61: {  	s3 =	sadd.s32 s1, s12;
	[sflag:s28] =	ssyncadd.s32 $0xFFFFC000  }
0x62: {  	[tilespmem:s4], [sflag:$0x1] =	stream.linear.gather [hbm4b:s3+s4], $0x80, $0x38;
	[tilespmem:$0x1EE00] =	vst v63  }
0x63: {  	_ = 	snop  }
0x64: {  	[tilespmem:s29], [sflag:$0x1] =	stream.linear.gather [hbm4b:s23+s4], $0x4000, $0x38;
	[tilespmem:$0x1EE00] =	vst v63  }
0x65: {  	_ =	swait.ge [sflag:s10], $0x80  }
0x66: {  	[sflag:s10] =	ssyncset.done $0x0  }
0x67: {  	[sflag:s10] =	ssyncadd.s32 $0xFFFFFF80  }
0x68: {  	_ =	swait.ge [sflag:s10], $0x4000  }
0x69: {  	[sflag:s10] =	ssyncset.done $0x0  }
0x6a: {  	[sflag:s10] =	ssyncadd.s32 $0xFFFFC000  }
0x6b: {  	[spmem:s2] =	stream.indirect.scatter.add.f32 [tilespmem:s31], [sflag:$0x3], $0x80, s30, s30, $0xb8;
	[tilespmem:$0x1EE00] =	vst v63  }
0x6c: {  	s6 =	simm.s32 $0x20;
	s7 =	simm.s32 $0x40;
	_ =	swait.ge [sflag:s28], $0x4000  }
0x6d: {  	s12 =	sadd.s32 $0x1000, s23;
	s3 =	sadd.s32 $0x100, s24;
	[sflag:s28] =	ssyncset.done $0x0  }
.LBB2_4:
0x6e: {  	s8 =	sadd.s32 s6, s25  }
0x6f: {  	[sflag:s28] =	ssyncadd.s32 $0xFFFFC000;
	s6 =	smov.u32 s7;
	s9 =	sadd.s32 $0x20, s7  }
0x70: {  	[tilespmem:s30], [sflag:$0x2] =	stream.linear.gather [hbm4b:s8+s4], $0x80, $0x38;
	[tilespmem:$0x1EE00] =	vst v63  }
0x71: {  	p3 =	sne.s32 s7, $0x4A0;
	s7 =	sadd.s32 $0xFFFFF800, s12  }
0x72: {  	[tilespmem:s31], [sflag:$0x2] =	stream.linear.gather [hbm4b:s7+s4], $0x4000, $0x38;
	[tilespmem:$0x1EE00] =	vst v63  }
0x73: {  	_ =	swait.ge [sflag:s0], $0x80  }
0x74: {  	[sflag:s0] =	ssyncset.done $0x0  }
0x75: {  	[sflag:s0] =	ssyncadd.s32 $0xFFFFFF80  }
0x76: {  	_ =	swait.ge [sflag:s0], $0x4000  }
0x77: {  	[sflag:s0] =	ssyncset.done $0x0  }
0x78: {  	[sflag:s0] =	ssyncadd.s32 $0xFFFFC000  }
0x79: {  	[spmem:s2] =	stream.indirect.scatter.add.f32 [tilespmem:s29], [sflag:$0x3], $0x80, s4, s30, $0xb8;
	[tilespmem:$0x1EE00] =	vst v63  }
0x7a: {  	_ =	swait.ge [sflag:s28], $0x4000  }
0x7b: {  	s7 =	sshrl.u32 s3, $0x3;
	[sflag:s28] =	ssyncset.done $0x0  }
0x7c: {  	s7 =	sadd.s32 s1, s7;
	[sflag:s28] =	ssyncadd.s32 $0xFFFFC000  }
0x7d: {  	[tilespmem:s4], [sflag:$0x1] =	stream.linear.gather [hbm4b:s7+s4], $0x80, $0x38;
	[tilespmem:$0x1EE00] =	vst v63  }
0x7e: {  	_ = 	snop  }
0x7f: {  	[tilespmem:s29], [sflag:$0x1] =	stream.linear.gather [hbm4b:s12+s4], $0x4000, $0x38;
	[tilespmem:$0x1EE00] =	vst v63  }
0x80: {  	_ =	swait.ge [sflag:s10], $0x80  }
0x81: {  	[sflag:s10] =	ssyncset.done $0x0  }
0x82: {  	[sflag:s10] =	ssyncadd.s32 $0xFFFFFF80  }
0x83: {  	_ =	swait.ge [sflag:s10], $0x4000  }
.Ltmp3:
0x84: {  	[sflag:s10] =	ssyncset.done $0x0;
	(pc) =	sbr.rel @p3 .LBB2_4-.Ltmp3, $4  }
0x85: {  	[sflag:s10] =	ssyncadd.s32 $0xFFFFC000  }
0x86: {  	[spmem:s2] =	stream.indirect.scatter.add.f32 [tilespmem:s31], [sflag:$0x3], $0x80, s30, s30, $0xb8;
	[tilespmem:$0x1EE00] =	vst v63  }
0x87: {  	s3 =	sadd.s32 $0x100, s3;
	_ =	swait.ge [sflag:s28], $0x4000  }
0x88: {  	s7 =	smov.u32 s9;
	s12 =	sadd.s32 $0x1000, s12;
	[sflag:s28] =	ssyncset.done $0x0  }
0x89: {  	s6 =	sadd.s32 s6, s25;
	[sflag:s28] =	ssyncadd.s32 $0xFFFFC000  }
0x8a: {  	[tilespmem:s30], [sflag:$0x2] =	stream.linear.gather [hbm4b:s6+s4], $0x80, $0x38;
	[tilespmem:$0x1EE00] =	vst v63  }
0x8b: {  	s9 =	sadd.s32 $0xFFFFF800, s12  }
0x8c: {  	[tilespmem:s31], [sflag:$0x2] =	stream.linear.gather [hbm4b:s9+s4], $0x4000, $0x38;
	[tilespmem:$0x1EE00] =	vst v63  }
0x8d: {  	_ =	swait.ge [sflag:s0], $0x80  }
0x8e: {  	[sflag:s0] =	ssyncset.done $0x0  }
0x8f: {  	[sflag:s0] =	ssyncadd.s32 $0xFFFFFF80  }
0x90: {  	_ =	swait.ge [sflag:s0], $0x4000  }
0x91: {  	[sflag:s0] =	ssyncset.done $0x0  }
0x92: {  	[sflag:s0] =	ssyncadd.s32 $0xFFFFC000  }
0x93: {  	[spmem:s2] =	stream.indirect.scatter.add.f32 [tilespmem:s29], [sflag:$0x3], $0x80, s4, s30, $0xb8;
	[tilespmem:$0x1EE00] =	vst v63  }
0x94: {  	_ =	swait.ge [sflag:s28], $0x4000  }
0x95: {  	s3 =	sshrl.u32 s3, $0x3;
	[sflag:s28] =	ssyncset.done $0x0  }
0x96: {  	s3 =	sadd.s32 s1, s3;
	[sflag:s28] =	ssyncadd.s32 $0xFFFFC000  }
0x97: {  	[tilespmem:s4], [sflag:$0x1] =	stream.linear.gather [hbm4b:s3+s4], $0x80, $0x38;
	[tilespmem:$0x1EE00] =	vst v63  }
0x98: {  	_ = 	snop  }
0x99: {  	[tilespmem:s29], [sflag:$0x1] =	stream.linear.gather [hbm4b:s12+s4], $0x4000, $0x38;
	[tilespmem:$0x1EE00] =	vst v63  }
0x9a: {  	_ =	swait.ge [sflag:s10], $0x80  }
0x9b: {  	[sflag:s10] =	ssyncset.done $0x0  }
0x9c: {  	[sflag:s10] =	ssyncadd.s32 $0xFFFFFF80  }
0x9d: {  	_ =	swait.ge [sflag:s10], $0x4000  }
0x9e: {  	[sflag:s10] =	ssyncset.done $0x0  }
0x9f: {  	[sflag:s10] =	ssyncadd.s32 $0xFFFFC000  }
0xa0: {  	[spmem:s2] =	stream.indirect.scatter.add.f32 [tilespmem:s31], [sflag:$0x3], $0x80, s30, s30, $0xb8;
	[tilespmem:$0x1EE00] =	vst v63  }
0xa1: {  	_ =	swait.ge [sflag:s28], $0x4000  }
0xa2: {  	[sflag:s28] =	ssyncset.done $0x0  }
0xa3: {  	[sflag:s28] =	ssyncadd.s32 $0xFFFFC000  }
0xa4: {  	[tilespmem:s30], [sflag:$0x2] =	stream.linear.gather [hbm4b:s22+s4], $0x80, $0x38;
	[tilespmem:$0x1EE00] =	vst v63  }
0xa5: {  	_ = 	snop  }
0xa6: {  	[tilespmem:s31], [sflag:$0x2] =	stream.linear.gather [hbm4b:s20+s4], $0x4000, $0x38;
	[tilespmem:$0x1EE00] =	vst v63  }
0xa7: {  	_ =	swait.ge [sflag:s0], $0x80  }
0xa8: {  	[sflag:s0] =	ssyncset.done $0x0  }
0xa9: {  	[sflag:s0] =	ssyncadd.s32 $0xFFFFFF80  }
0xaa: {  	_ =	swait.ge [sflag:s0], $0x4000  }
0xab: {  	[sflag:s0] =	ssyncset.done $0x0  }
0xac: {  	[sflag:s0] =	ssyncadd.s32 $0xFFFFC000  }
0xad: {  	[spmem:s2] =	stream.indirect.scatter.add.f32 [tilespmem:s29], [sflag:$0x3], $0x80, s4, s30, $0xb8;
	[tilespmem:$0x1EE00] =	vst v63  }
0xae: {  	_ =	swait.ge [sflag:s28], $0x4000  }
0xaf: {  	[sflag:s28] =	ssyncset.done $0x0  }
0xb0: {  	[sflag:s28] =	ssyncadd.s32 $0xFFFFC000  }
0xb1: {  	_ =	swait.ge [sflag:s10], $0x80  }
0xb2: {  	[sflag:s10] =	ssyncset.done $0x0  }
0xb3: {  	[sflag:s10] =	ssyncadd.s32 $0xFFFFFF80  }
0xb4: {  	_ =	swait.ge [sflag:s10], $0x4000  }
0xb5: {  	[sflag:s10] =	ssyncset.done $0x0  }
0xb6: {  	[sflag:s10] =	ssyncadd.s32 $0xFFFFC000  }
0xb7: {  	[spmem:s2] =	stream.indirect.scatter.add.f32 [tilespmem:s31], [sflag:$0x3], $0x80, s30, s30, $0xb8;
	[tilespmem:$0x1EE00] =	vst v63  }
0xb8: {  	_ =	swait.ge [sflag:s28], $0x4000  }
0xb9: {  	[sflag:s28] =	ssyncset.done $0x0  }
0xba: {  	s7 =	rddreg [dreg:$0x6];
	[sflag:s28] =	ssyncadd.s32 $0xFFFFC000  }
0xbb: {  	[tilespmem:s13], [sflag:$0x3] =	stream.linear.gather [hbm4b:s7+s4], $0x10, $0x38;
	[tilespmem:$0x1EE00] =	vst v63  }
0xbc: {  	_ =	swait.ge [sflag:s28], $0x10  }
0xbd: {  	[sflag:s28] =	ssyncset.done $0x0  }
0xbe: {  	s8 =	rddreg [dreg:$0x7];
	[sflag:s28] =	ssyncadd.s32 $0xFFFFFFF0  }
0xbf: {  	[tilespmem:s29], [sflag:$0x1] =	stream.linear.gather [hbm4b:s8+s4], $0x800, $0x38;
	[tilespmem:$0x1EE00] =	vst v63  }
0xc0: {  	_ =	swait.ge [sflag:s0], $0x800  }
0xc1: {  	[sflag:s0] =	ssyncset.done $0x0  }
0xc2: {  	s9 =	simm.s32 $0x10;
	[sflag:s0] =	ssyncadd.s32 $0xFFFFF800  }
0xc3: {  	[spmem:s2] =	stream.indirect.scatter.add.f32 [tilespmem:s29], [sflag:$0x3], $0x80, s13, s9, $0xb8;
	[tilespmem:$0x1EE00] =	vst v63  }
.Ltmp4:
0xc4: {  	_ =	swait.ge [sflag:s28], $0x800;
	(pc) =	sbr.rel @!p0 .LBB2_6-.Ltmp4, $4  }
0xc5: {  	[sflag:s28] =	ssyncset.done $0x0  }
0xc6: {  	s12 =	stileid.u32;
	[sflag:s28] =	ssyncadd.s32 $0xFFFFF800  }
0xc7: {  	s7 =	sshll.u32 s12, $0x6;
	[bflag:$0x0] =	sbarrier.arrive $0xFFFF  }
0xc8: {  	s6 =	sshrl.u32 s11, $0x3;
	s3 =	sor.u32 $0x1C03, s7  }
0xc9: {  	s3 =	sor.u32 $0x1C03, s7;
	s12 =	rddreg [dreg:$0xa]  }
0xca: {  	[hbm:s12], [sflag:s3] =	dma.local [spmem:s6], $0x2700  }
.Ltmp5:
0xcb: {  	_ = 	snop;
	(pc) =	sbr.rel @p1 .LBB2_9-.Ltmp5, $4  }
.Ltmp6:
0xcc: {  	_ = 	snop;
	(pc) =	sbr.rel @!p1 .LBB2_8-.Ltmp6, $4  }
0xcd: {  	_ =	swait.ge [sflag:s28], $0x2700  }
0xce: {  	[sflag:s28] =	ssyncset.done $0x0  }
0xcf: {  	s6 =	rddreg [dreg:$0xb];
	[sflag:s28] =	ssyncadd.s32 $0xFFFFD900  }
0xd0: {  	_ = 	snop  }
.LBB2_6:
0xd1: {  	s7 =	rddreg [dreg:$0x8]  }
0xd2: {  	[hbm:s7], [sflag:s3] =	dma.local [spmem:s6], $0x2700  }
.Ltmp7:
0xd3: {  	_ = 	snop;
	(pc) =	sbr.rel @p2 .LBB2_8-.Ltmp7, $4  }
.Ltmp8:
0xd4: {  	_ = 	snop;
	(pc) =	sbr.rel @!p2 .LBB2_9-.Ltmp8, $4  }
0xd5: {  	_ =	swait.ge [sflag:s28], $0x2700  }
0xd6: {  	[sflag:s28] =	ssyncset.done $0x0  }
0xd7: {  	s6 =	rddreg [dreg:$0x9];
	[sflag:s28] =	ssyncadd.s32 $0xFFFFD900  }
0xd8: {  	_ = 	snop  }
.LBB2_10:
0xd9: {  	_ =	sfence.sel $0x180000  }
0xda: {  	[bflag:$0x0] =	sbarrier.arrive $0xFFFF  }
0xdb: {  	_ =	strace $0x90000050  }
0xdc: {  	s0 =	stileid.u32;
	[bflag:$0x2] =	sbarrier.arrive $0xFFFF  }
0xdd: {  	p0 =	sne.s32 s0, $0x0;
	s0 =	rddreg [dreg:$0x3]  }
0xde: {  	s0 =	sadd.s32 @!p0 $0x100000, s0  }
0xdf: {  	[sflag:s0] =	ssyncadd.tile.s32 @!p0 $0x1;
	_ =	shalt  }
.Lfunc_end2:
_tile_overlayer_lowered:
.L_overlay_start_2:
0xe0: {  	(tag) =	ssettag $0x2  }
0xe1: {  	s0 =	rddreg [dreg:$0x0];
	s2 =	stileid.u32  }
0xe2: {  	s1 =	rddreg [dreg:$0x1];
	p0 =	sne.s32 s2, $0x0  }
0xe3: {  	s3 =	rddreg [dreg:$0x2];
	[bflag:$0x3] =	sbarrier.arrive $0xFFFF;
	s2 =	simm.s32 @!p0 $0x1C03  }
0xe4: {  	[timem:s3], [sflag:s2] =	dma.local @!p0 [hbm:s0], s1  }
0xe5: {  	s0 =	simm.s32 @!p0 $0x3  }
0xe6: {  	_ =	swait.ge @!p0 [sflag:s0], s1  }
0xe7: {  	s1 =	ssub.s32 @!p0 $0x0, s1;
	[sflag:s0] =	ssyncset.done @!p0 $0x0  }
0xe8: {  	[sflag:s0] =	ssyncadd.s32 @!p0 s1  }
0xe9: {  	[bflag:$0x3] =	sbarrier.arrive $0xFFFF  }
0xea: {  	_ =	shalt  }

</sc_bundles>
